<compile_context>
chip_gen: v7x
topology: tpu7x:2x2x1
jax: 0.10.2.dev20260603
libtpu: 0.0.44.dev20260713+nightly
codegen_flags: <defaults>
</compile_context>

<pallas_src>
import functools

import jax
import jax.numpy as jnp
from jax import lax
from jax.experimental import pallas as pl
from jax.experimental.pallas import tpu as pltpu
from jax.experimental.pallas import tpu_sc as plsc

N = 10000
E = 320000
D = 128
H = 128
NC = 2
NS = 16
NW = NC * NS
L = 16

NPAD = 10240
SLOP = N
CH = 128
EW = 10112
EPAD = NW * EW
NCHUNK = EW // CH
RSTRIPE = NPAD // NS
BR = 1024
GRID = NPAD // BR

@functools.cache
def _mesh():
  return plsc.VectorSubcoreMesh(
      core_axis_name="c", subcore_axis_name="s", num_cores=NC,
      num_subcores=NS)


def _zero_vmem_1d(ref, n):
  def body(i, _):
    ref[pl.ds(i * L, L)] = jnp.zeros((L,), jnp.float32)
    return 0
  lax.fori_loop(0, n // L, body, 0, unroll=4)


def _zero_vmem_2d(ref, rows, cols):
  def body(i, _):
    r = i // (cols // L)
    k = i % (cols // L)
    ref[r, pl.ds(k * L, L)] = jnp.zeros((L,), jnp.float32)
    return 0
  lax.fori_loop(0, rows * (cols // L), body, 0, unroll=4)


@functools.cache
def _sc_deg_kernel():
  return functools.partial(
      pl.kernel,
      out_type=jax.ShapeDtypeStruct((NW, NPAD), jnp.float32),
      mesh=_mesh(),
      compiler_params=pltpu.CompilerParams(needs_layout_passes=False),
      scratch_types=[
          pltpu.VMEM((1, CH), jnp.int32),
          pltpu.VMEM((NPAD,), jnp.float32),
      ],
  )(_sc_deg_body)


def _sc_deg_body(dst_hbm, out_hbm, idx_v, deg_v):
  c = lax.axis_index("c")
  s = lax.axis_index("s")
  wid = c * NS + s
  _zero_vmem_1d(deg_v, NPAD)
  base = wid * EW

  def chunk(j, _):
    pltpu.sync_copy(dst_hbm.at[pl.ds(base + j * CH, CH)], idx_v.at[0])

    def vreg(k, _):
      d16 = idx_v[0, pl.ds(k * L, L)]
      cnt, last = plsc.scan_count(d16)
      plsc.addupdate_scatter(deg_v, [d16], cnt.astype(jnp.float32), mask=last)
      return 0

    lax.fori_loop(0, CH // L, vreg, 0, unroll=8)
    return 0

  lax.fori_loop(0, NCHUNK, chunk, 0)
  pltpu.sync_copy(deg_v, out_hbm.at[wid])


@functools.cache
def _sc_agg_kernel():
  return functools.partial(
      pl.kernel,
      out_type=jax.ShapeDtypeStruct((NC, NPAD, H), jnp.float32),
      mesh=_mesh(),
      scratch_types=[
          pltpu.VMEM((1, CH), jnp.int32),
          pltpu.VMEM((1, CH), jnp.int32),
          pltpu.VMEM((CH, H), jnp.float32),
          pltpu.VMEM((CH, H), jnp.float32),
          pltpu.VMEM_SHARED((NPAD, H), jnp.float32),
          pltpu.SemaphoreType.DMA,
      ],
  )(_sc_agg_body)


def _sc_agg_body(src_hbm, dst_hbm, g_hbm, out_hbm, sidx, didx, rows, zrows,
                 s_sh, sem):
  c = lax.axis_index("c")
  s = lax.axis_index("s")
  wid = c * NS + s
  _zero_vmem_2d(zrows, CH, H)
  for k in range(RSTRIPE // CH):
    pltpu.sync_copy(zrows, s_sh.at[pl.ds(s * RSTRIPE + k * CH, CH)])
  plsc.subcore_barrier()
  base = wid * EW

  def chunk(j, _):
    b = base + j * CH
    pltpu.sync_copy(src_hbm.at[pl.ds(b, CH)], sidx.at[0])
    pltpu.sync_copy(dst_hbm.at[pl.ds(b, CH)], didx.at[0])
    pltpu.async_copy(g_hbm.at[sidx.at[0]], rows, sem).wait()
    pltpu.sync_copy(rows, s_sh.at[didx.at[0]], add=True)
    return 0

  lax.fori_loop(0, NCHUNK, chunk, 0)
  plsc.subcore_barrier()
  for k in range(RSTRIPE // CH):
    r0 = s * RSTRIPE + k * CH
    pltpu.sync_copy(s_sh.at[pl.ds(r0, CH)], out_hbm.at[c].at[pl.ds(r0, CH)])


def _sc_deg(dstp):
  return _sc_deg_kernel()(dstp)


def _sc_agg(srcp, dstp, g):
  return _sc_agg_kernel()(srcp, dstp, g)


def _tc_norm_g1_body(deg_ref, x_ref, w_ref, norm_ref, g1_ref):
  degsum = lax.dot_general(
      deg_ref[...], jnp.ones((NW, 1), jnp.float32),
      (((0,), (0,)), ((), ())), preferred_element_type=jnp.float32)
  norm = lax.rsqrt(degsum + 1.0)
  norm_ref[...] = norm
  h = jnp.dot(x_ref[...], w_ref[...], preferred_element_type=jnp.float32)
  g1_ref[...] = h * norm


def _tc_norm_g1(degp, xp, w1):
  return pl.pallas_call(
      _tc_norm_g1_body,
      grid=(GRID,),
      in_specs=[
          pl.BlockSpec((NW, BR), lambda i: (0, i)),
          pl.BlockSpec((BR, D), lambda i: (i, 0)),
          pl.BlockSpec((D, H), lambda i: (0, 0)),
      ],
      out_specs=[
          pl.BlockSpec((BR, 1), lambda i: (i, 0)),
          pl.BlockSpec((BR, H), lambda i: (i, 0)),
      ],
      out_shape=[
          jax.ShapeDtypeStruct((NPAD, 1), jnp.float32),
          jax.ShapeDtypeStruct((NPAD, H), jnp.float32),
      ],
  )(degp, xp, w1)


def _tc_h1_g2_body(sp_ref, g1_ref, norm_ref, b1_ref, w2_ref, g2_ref):
  ssum = sp_ref[0] + sp_ref[1]
  norm = norm_ref[...]
  h1 = jnp.maximum(norm * (ssum + g1_ref[...]) + b1_ref[...], 0.0)
  h = jnp.dot(h1, w2_ref[...], preferred_element_type=jnp.float32)
  g2_ref[...] = h * norm


def _tc_h1_g2(s1p, g1, normc, b1r, w2):
  return pl.pallas_call(
      _tc_h1_g2_body,
      grid=(GRID,),
      in_specs=[
          pl.BlockSpec((NC, BR, H), lambda i: (0, i, 0)),
          pl.BlockSpec((BR, H), lambda i: (i, 0)),
          pl.BlockSpec((BR, 1), lambda i: (i, 0)),
          pl.BlockSpec((1, H), lambda i: (0, 0)),
          pl.BlockSpec((H, H), lambda i: (0, 0)),
      ],
      out_specs=pl.BlockSpec((BR, H), lambda i: (i, 0)),
      out_shape=jax.ShapeDtypeStruct((NPAD, H), jnp.float32),
  )(s1p, g1, normc, b1r, w2)


def _tc_head_body(s2p_ref, g2_ref, norm_ref, pred_ref, mid_ref, mtab_ref,
                  mpw_ref, mpb_ref, b2_ref, lpw_ref, lpb_ref, gtw1_ref,
                  gtb1_ref, gtw2_ref, gtb2_ref, prw1_ref, prb1_ref, prw2_ref,
                  prb2_ref, out_ref, acc_s, acc_g, acc_n):
  i = pl.program_id(0)

  @pl.when(i == 0)
  def _():
    acc_s[...] = jnp.zeros_like(acc_s)
    acc_g[...] = jnp.zeros_like(acc_g)
    acc_n[...] = jnp.zeros_like(acc_n)

  rowids = lax.broadcasted_iota(jnp.int32, (BR, 8), 0) + i * BR
  onehot = (rowids == pred_ref[...]).astype(jnp.float32)
  ssum = s2p_ref[0] + s2p_ref[1]
  acc_s[...] += lax.dot_general(onehot, ssum, (((0,), (0,)), ((), ())),
                                preferred_element_type=jnp.float32)
  acc_g[...] += lax.dot_general(onehot, g2_ref[...], (((0,), (0,)), ((), ())),
                                preferred_element_type=jnp.float32)
  acc_n[...] += lax.dot_general(onehot, norm_ref[...],
                                (((0,), (0,)), ((), ())),
                                preferred_element_type=jnp.float32)

  @pl.when(i == GRID - 1)
  def _():
    h2 = jnp.maximum(acc_n[...] * (acc_s[...] + acc_g[...]) + b2_ref[...],
                     0.0)
    h_b = jnp.maximum(
        jnp.dot(h2, lpw_ref[...], preferred_element_type=jnp.float32)
        + lpb_ref[...], 0.0)
    t = jnp.tanh(
        jnp.dot(h_b, gtw1_ref[...], preferred_element_type=jnp.float32)
        + gtb1_ref[...])
    gate = jax.nn.sigmoid(
        jnp.dot(t, gtw2_ref[...], preferred_element_type=jnp.float32)
        + gtb2_ref[...])
    msel = (lax.broadcasted_iota(jnp.int32, (1, 32), 1)
            == mid_ref[...]).astype(jnp.float32)
    memb = jnp.dot(msel, mtab_ref[...], preferred_element_type=jnp.float32)
    mfeat = jnp.maximum(
        jnp.dot(memb, mpw_ref[...], preferred_element_type=jnp.float32)
        + mpb_ref[...], 0.0)
    comb = gate * h_b + mfeat
    p1 = jnp.dot(comb, prw1_ref[...], preferred_element_type=jnp.float32)
    p1 = p1 + prb1_ref[...]
    out_ref[...] = (jnp.dot(p1, prw2_ref[...],
                            preferred_element_type=jnp.float32)
                    + prb2_ref[...])


def _tc_head(s2p, g2, normc, predr, midr, mtab, mpw, mpbr, b2r, lpw, lpbr,
             gtw1, gtb1r, gtw2, gtb2r, prw1, prb1r, prw2, prb2r):
  full = lambda shape: pl.BlockSpec(shape, lambda i: tuple(0 for _ in shape))
  return pl.pallas_call(
      _tc_head_body,
      grid=(GRID,),
      in_specs=[
          pl.BlockSpec((NC, BR, H), lambda i: (0, i, 0)),
          pl.BlockSpec((BR, H), lambda i: (i, 0)),
          pl.BlockSpec((BR, 1), lambda i: (i, 0)),
          full((1, 8)),
          full((1, 1)),
          full((32, 64)),
          full((64, H)),
          full((1, H)),
          full((1, H)),
          full((H, H)),
          full((1, H)),
          full((H, H // 2)),
          full((1, H // 2)),
          full((H // 2, 1)),
          full((1, 1)),
          full((H, H // 2)),
          full((1, H // 2)),
          full((H // 2, 1)),
          full((1, 1)),
      ],
      out_specs=pl.BlockSpec((8, 1), lambda i: (0, 0)),
      out_shape=jax.ShapeDtypeStruct((8, 1), jnp.float32),
      scratch_shapes=[
          pltpu.VMEM((8, H), jnp.float32),
          pltpu.VMEM((8, H), jnp.float32),
          pltpu.VMEM((8, 1), jnp.float32),
      ],
  )(s2p, g2, normc, predr, midr, mtab, mpw, mpbr, b2r, lpw, lpbr, gtw1,
    gtb1r, gtw2, gtb2r, prw1, prb1r, prw2, prb2r)


def kernel(x, edge_index, metal_id, pred_pos, metal_table, mp_W, mp_b, g1_W,
           g1_b, g2_W, g2_b, lp_W, lp_b, gt_W1, gt_b1, gt_W2, gt_b2, pr_W1,
           pr_b1, pr_W2, pr_b2):
  src = edge_index[0]
  dst = edge_index[1]
  srcp = jnp.concatenate(
      [src, jnp.zeros((EPAD - E,), jnp.int32)])
  dstp = jnp.concatenate(
      [dst, jnp.full((EPAD - E,), SLOP, jnp.int32)])
  xp = jnp.pad(x, ((0, NPAD - N), (0, 0)))

  degp = _sc_deg(dstp)
  normc, g1 = _tc_norm_g1(degp, xp, g1_W)
  s1p = _sc_agg(srcp, dstp, g1)
  g2 = _tc_h1_g2(s1p, g1, normc, g1_b.reshape(1, H), g2_W)
  s2p = _sc_agg(srcp, dstp, g2)
  out = _tc_head(
      s2p, g2, normc, pred_pos.reshape(1, 8), metal_id.reshape(1, 1),
      metal_table, mp_W, mp_b.reshape(1, H), g2_b.reshape(1, H), lp_W,
      lp_b.reshape(1, H), gt_W1, gt_b1.reshape(1, H // 2), gt_W2,
      gt_b2.reshape(1, 1), pr_W1, pr_b1.reshape(1, H // 2), pr_W2,
      pr_b2.reshape(1, 1))
  return out

# --- scband reference (transcript-rebuilt; emitter-appended) ---
"""Pipeline reference for scband-custom-metal-pka-gnn-88914412961903 (READ-ONLY COPY).

The authoritative reference and input builder live on the scoring server;
editing this copy changes nothing except your own understanding.
"""

import jax, jax.numpy as jnp
import numpy as np

N = 10000
E = 320000
D = 128
H = 128
NUM_METALS = 32
METAL_DIM = 64
P = 8
OUT = 1


def _p(k, shape):
    return jax.random.normal(k, shape, jnp.float32) * 0.05


def setup_inputs(seed: int = 0) -> dict:
    key = jax.random.key(seed)
    k = [jax.random.fold_in(key, i) for i in range(24)]
    inp = {}
    inp["x"] = jax.random.normal(k[0], (N, D), jnp.float32)
    inp["edge_index"] = jax.random.randint(k[1], (2, E), 0, N, dtype=jnp.int32)
    inp["metal_id"] = jax.random.randint(k[2], (1,), 0, NUM_METALS, dtype=jnp.int32)
    inp["pred_pos"] = jax.random.randint(k[3], (P,), 0, N, dtype=jnp.int32)
    inp["metal_table"] = _p(k[4], (NUM_METALS, METAL_DIM))
    inp["mp_W"] = _p(k[5], (METAL_DIM, H)); inp["mp_b"] = jnp.zeros((H,), jnp.float32)
    inp["g1_W"] = _p(k[6], (D, H)); inp["g1_b"] = jnp.zeros((H,), jnp.float32)
    inp["g2_W"] = _p(k[7], (H, H)); inp["g2_b"] = jnp.zeros((H,), jnp.float32)
    inp["lp_W"] = _p(k[8], (H, H)); inp["lp_b"] = jnp.zeros((H,), jnp.float32)
    inp["gt_W1"] = _p(k[9], (H, H // 2)); inp["gt_b1"] = jnp.zeros((H // 2,), jnp.float32)
    inp["gt_W2"] = _p(k[10], (H // 2, 1)); inp["gt_b2"] = jnp.zeros((1,), jnp.float32)
    inp["pr_W1"] = _p(k[11], (H, H // 2)); inp["pr_b1"] = jnp.zeros((H // 2,), jnp.float32)
    inp["pr_W2"] = _p(k[12], (H // 2, OUT)); inp["pr_b2"] = jnp.zeros((OUT,), jnp.float32)
    return inp


def _gcn(x, W, b, src, dst, n):
    # GCNConv with self-loops and symmetric normalization
    h = x @ W
    deg = jnp.zeros((n,), jnp.float32).at[dst].add(1.0) + 1.0
    norm = jax.lax.rsqrt(deg)
    coef = norm[src] * norm[dst]
    agg = jnp.zeros_like(h).at[dst].add(h[src] * coef[:, None])
    agg = agg + h * (norm * norm)[:, None]
    return agg + b


def reference(x, edge_index, metal_id, pred_pos, metal_table, mp_W, mp_b, g1_W, g1_b, g2_W, g2_b, lp_W, lp_b, gt_W1, gt_b1, gt_W2, gt_b2, pr_W1, pr_b1, pr_W2, pr_b2):
    src, dst = edge_index[0], edge_index[1]
    n = x.shape[0]
    # metal embedding lookup + projection (dropout disabled, eval mode)
    metal_emb = metal_table[metal_id]
    metal_feat = jax.nn.relu(metal_emb @ mp_W + mp_b)
    # two GCN message-passing layers
    h = jax.nn.relu(_gcn(x, g1_W, g1_b, src, dst, n))
    h = jax.nn.relu(_gcn(h, g2_W, g2_b, src, dst, n))
    h1_L = jax.nn.relu(h @ lp_W + lp_b)
    # gather binding-site node features
    h_B = h1_L[pred_pos]
    # gate network: Linear -> Tanh -> Linear -> Sigmoid
    gate = jax.nn.sigmoid(jnp.tanh(h_B @ gt_W1 + gt_b1) @ gt_W2 + gt_b2)
    combined = gate * h_B + metal_feat
    # predictor: Linear -> (Dropout off) -> Linear
    pred = (combined @ pr_W1 + pr_b1) @ pr_W2 + pr_b2
    return pred

if __name__ == "__main__":
    import jax
    _d = setup_inputs()
    print(jax.jit(kernel)(*tuple(_d.values())))

</pallas_src>

<mosaic_0001>
#map = affine_map<(d0, d1) -> (0)>
#map1 = affine_map<(d0, d1) -> (0, 0)>
module attributes {stable_mosaic.version = 14 : i64} {
  func.func @_sc_deg_body(%arg0: i32, %arg1: i32, %arg2: memref<323584xi32, #tpu.memory_space<hbm>>, %arg3: memref<32x10240xf32, #tpu.memory_space<hbm>>, %arg4: memref<1x128xi32, #tpu.memory_space<vmem>>, %arg5: memref<10240xf32, #tpu.memory_space<vmem>>) attributes {dimension_semantics = [#tpu.dimension_semantics<core_parallel>, #tpu.dimension_semantics<subcore_parallel>], iteration_bounds = array<i64: 2, 16>, scalar_prefetch = 0 : i64, scratch_operands = 2 : i64, tpu.core_type = #tpu.core_type<sc_vector_subcore>, window_params = [{transform_indices = #map}, {transform_indices = #map1}]} {
    %mul3A = arith.constant 16 : i32
    %mul3A_0 = arith.muli %arg0, %mul3A : i32
    %add3A = arith.addi %mul3A_0, %arg1 : i32
    %scan3A = arith.constant 0 : i32
    %scan3A_1 = arith.constant 0 : i32
    %scan3A_2 = arith.constant 640 : i32
    %scan3A_3 = arith.addi %scan3A_1, %scan3A_2 : i32
    %scan3A_4 = arith.constant 4 : i32
    %scan3A_5 = scf.for %scan3A_16 = %scan3A_1 to %scan3A_3 step %scan3A_4 iter_args(%scan3A_17 = %scan3A) -> (i32)  : i32 {
      %broadcast_in_dim3A = arith.constant 0.000000e+00 : f32
      %broadcast_in_dim3A_18 = vector.broadcast %broadcast_in_dim3A : f32 to vector<16xf32>
      %mul3A_19 = arith.constant 16 : i32
      %mul3A_20 = arith.muli %scan3A_16, %mul3A_19 : i32
      %swap3A = arith.index_cast %mul3A_20 : i32 to index
      %swap3A_21 = tpu.vector_load %arg5[%swap3A] {strides = array<i32>} : memref<10240xf32, #tpu.memory_space<vmem>>, vector<16xf32>,
      tpu.vector_store %arg5[%swap3A], %broadcast_in_dim3A_18 {strides = array<i32>} : memref<10240xf32, #tpu.memory_space<vmem>>, vector<16xf32>,
      %scan3A_22 = arith.constant 0 : i32
      %scan3A_23 = arith.constant 1 : i32
      %scan3A_24 = arith.addi %scan3A_16, %scan3A_23 : i32
      %broadcast_in_dim3A_25 = arith.constant 0.000000e+00 : f32
      %broadcast_in_dim3A_26 = vector.broadcast %broadcast_in_dim3A_25 : f32 to vector<16xf32>
      %mul3A_27 = arith.constant 16 : i32
      %mul3A_28 = arith.muli %scan3A_24, %mul3A_27 : i32
      %swap3A_29 = arith.index_cast %mul3A_28 : i32 to index
      %swap3A_30 = tpu.vector_load %arg5[%swap3A_29] {strides = array<i32>} : memref<10240xf32, #tpu.memory_space<vmem>>, vector<16xf32>,
      tpu.vector_store %arg5[%swap3A_29], %broadcast_in_dim3A_26 {strides = array<i32>} : memref<10240xf32, #tpu.memory_space<vmem>>, vector<16xf32>,
      %scan3A_31 = arith.constant 0 : i32
      %scan3A_32 = arith.constant 2 : i32
      %scan3A_33 = arith.addi %scan3A_16, %scan3A_32 : i32
      %broadcast_in_dim3A_34 = arith.constant 0.000000e+00 : f32
      %broadcast_in_dim3A_35 = vector.broadcast %broadcast_in_dim3A_34 : f32 to vector<16xf32>
      %mul3A_36 = arith.constant 16 : i32
      %mul3A_37 = arith.muli %scan3A_33, %mul3A_36 : i32
      %swap3A_38 = arith.index_cast %mul3A_37 : i32 to index
      %swap3A_39 = tpu.vector_load %arg5[%swap3A_38] {strides = array<i32>} : memref<10240xf32, #tpu.memory_space<vmem>>, vector<16xf32>,
      tpu.vector_store %arg5[%swap3A_38], %broadcast_in_dim3A_35 {strides = array<i32>} : memref<10240xf32, #tpu.memory_space<vmem>>, vector<16xf32>,
      %scan3A_40 = arith.constant 0 : i32
      %scan3A_41 = arith.constant 3 : i32
      %scan3A_42 = arith.addi %scan3A_16, %scan3A_41 : i32
      %broadcast_in_dim3A_43 = arith.constant 0.000000e+00 : f32
      %broadcast_in_dim3A_44 = vector.broadcast %broadcast_in_dim3A_43 : f32 to vector<16xf32>
      %mul3A_45 = arith.constant 16 : i32
      %mul3A_46 = arith.muli %scan3A_42, %mul3A_45 : i32
      %swap3A_47 = arith.index_cast %mul3A_46 : i32 to index
      %swap3A_48 = tpu.vector_load %arg5[%swap3A_47] {strides = array<i32>} : memref<10240xf32, #tpu.memory_space<vmem>>, vector<16xf32>,
      tpu.vector_store %arg5[%swap3A_47], %broadcast_in_dim3A_44 {strides = array<i32>} : memref<10240xf32, #tpu.memory_space<vmem>>, vector<16xf32>,
      %scan3A_49 = arith.constant 0 : i32
      scf.yield %scan3A_49 : i32
    }
    %scan3A_6 = arith.constant 640 : i32
    %mul3A_7 = arith.constant 10112 : i32
    %mul3A_8 = arith.muli %add3A, %mul3A_7 : i32
    %scan3A_9 = arith.constant 0 : i32
    %scan3A_10 = arith.constant 0 : i32
    %scan3A_11 = arith.constant 79 : i32
    %scan3A_12 = arith.addi %scan3A_10, %scan3A_11 : i32
    %scan3A_13 = arith.constant 1 : i32
    %scan3A_14 = scf.for %scan3A_16 = %scan3A_10 to %scan3A_12 step %scan3A_13 iter_args(%scan3A_17 = %scan3A_9) -> (i32)  : i32 {
      %mul3A_18 = arith.constant 128 : i32
      %mul3A_19 = arith.muli %scan3A_16, %mul3A_18 : i32
      %add3A_20 = arith.addi %mul3A_8, %mul3A_19 : i32
      %run_scoped3A = arith.constant 0 : i32
      "tpu.region"() ({
        %run_scoped3A_124 = tpu.sem_alloc : memref<!tpu.dma_semaphore, #tpu.memory_space<semaphore_mem>>
        %dma_start3A = arith.constant 0 : i32
        %dma_start3A_125 = tpu.memref_slice %arg4[%run_scoped3A, %dma_start3A] : memref<1x128xi32, #tpu.memory_space<vmem>> -> memref<1x128xi32, #tpu.memory_space<vmem>>
        %dma_start3A_126 = tpu.memref_squeeze %dma_start3A_125 : memref<1x128xi32, #tpu.memory_space<vmem>> -> memref<128xi32, #tpu.memory_space<vmem>>
        %dma_start3A_127 = tpu.memref_slice %arg2[%add3A_20] : memref<323584xi32, #tpu.memory_space<hbm>> -> memref<128xi32, #tpu.memory_space<hbm>>
        %dma_start3A_128 = arith.constant 0 : i32
        %dma_start3A_129 = tpu.memref_slice %arg4[%run_scoped3A, %dma_start3A_128] : memref<1x128xi32, #tpu.memory_space<vmem>> -> memref<1x128xi32, #tpu.memory_space<vmem>>
        %dma_start3A_130 = tpu.memref_squeeze %dma_start3A_129 : memref<1x128xi32, #tpu.memory_space<vmem>> -> memref<128xi32, #tpu.memory_space<vmem>>
        %dma_start3A_131 = tpu.memref_slice %arg2[%add3A_20] : memref<323584xi32, #tpu.memory_space<hbm>> -> memref<128xi32, #tpu.memory_space<hbm>>
        tpu.enqueue_dma source(%dma_start3A_131 : memref<128xi32, #tpu.memory_space<hbm>>) target(%dma_start3A_130 : memref<128xi32, #tpu.memory_space<vmem>>) target_semaphore(%run_scoped3A_124 : memref<!tpu.dma_semaphore, #tpu.memory_space<semaphore_mem>>)
        %dma_wait3A = arith.constant 0 : i32
        %dma_wait3A_132 = tpu.memref_slice %arg4[%run_scoped3A, %dma_wait3A] : memref<1x128xi32, #tpu.memory_space<vmem>> -> memref<1x128xi32, #tpu.memory_space<vmem>>
        %dma_wait3A_133 = tpu.memref_squeeze %dma_wait3A_132 : memref<1x128xi32, #tpu.memory_space<vmem>> -> memref<128xi32, #tpu.memory_space<vmem>>
        %dma_wait3A_134 = tpu.memref_slice %arg2[%add3A_20] : memref<323584xi32, #tpu.memory_space<hbm>> -> memref<128xi32, #tpu.memory_space<hbm>>
        %dma_wait3A_135 = arith.constant 0 : i32
        %dma_wait3A_136 = tpu.memref_slice %arg4[%run_scoped3A, %dma_wait3A_135] : memref<1x128xi32, #tpu.memory_space<vmem>> -> memref<1x128xi32, #tpu.memory_space<vmem>>
        %dma_wait3A_137 = tpu.memref_squeeze %dma_wait3A_136 : memref<1x128xi32, #tpu.memory_space<vmem>> -> memref<128xi32, #tpu.memory_space<vmem>>
        %dma_wait3A_138 = tpu.memref_slice %arg2[%add3A_20] : memref<323584xi32, #tpu.memory_space<hbm>> -> memref<128xi32, #tpu.memory_space<hbm>>
        tpu.wait_dma2 semaphore(%run_scoped3A_124 : memref<!tpu.dma_semaphore, #tpu.memory_space<semaphore_mem>>) src(%dma_wait3A_138 : memref<128xi32, #tpu.memory_space<hbm>>) dst(%dma_wait3A_137 : memref<128xi32, #tpu.memory_space<vmem>>)
        tpu.yield
      }) : () -> ()
      %scan3A_21 = arith.constant 0 : i32
      %scan3A_22 = arith.constant 0 : i32
      %mul3A_23 = arith.constant 16 : i32
      %mul3A_24 = arith.muli %scan3A_22, %mul3A_23 : i32
      %get3A = arith.constant 0 : i32
      %get3A_25 = arith.index_cast %get3A : i32 to index
      %get3A_26 = arith.index_cast %mul3A_24 : i32 to index
      %get3A_27 = tpu.vector_load %arg4[%get3A_25, %get3A_26] {strides = array<i32>} : memref<1x128xi32, #tpu.memory_space<vmem>>, vector<16xi32>,
      %broadcast_in_dim3A = arith.constant true
      %broadcast_in_dim3A_28 = vector.broadcast %broadcast_in_dim3A : i1 to vector<16xi1>
      %unique3A, %unique3A_29 = tpu.scan_count mask(%broadcast_in_dim3A_28 : vector<16xi1>) value(%get3A_27 : vector<16xi32>) : vector<16xi1>, vector<16xi32>
      %convert_element_type3A = arith.sitofp %unique3A_29 : vector<16xi32> to vector<16xf32>
      tpu.vector_store_idx %arg5[%get3A_27], %convert_element_type3A masked %unique3A {add = true} : memref<10240xf32, #tpu.memory_space<vmem>>[vector<16xi32>], vector<16xf32>, vector<16xi1>
      %scan3A_30 = arith.constant 0 : i32
      %scan3A_31 = arith.constant 1 : i32
      %mul3A_32 = arith.constant 16 : i32
      %mul3A_33 = arith.muli %scan3A_31, %mul3A_32 : i32
      %get3A_34 = arith.constant 0 : i32
      %get3A_35 = arith.index_cast %get3A_34 : i32 to index
      %get3A_36 = arith.index_cast %mul3A_33 : i32 to index
      %get3A_37 = tpu.vector_load %arg4[%get3A_35, %get3A_36] {strides = array<i32>} : memref<1x128xi32, #tpu.memory_space<vmem>>, vector<16xi32>,
      %broadcast_in_dim3A_38 = arith.constant true
      %broadcast_in_dim3A_39 = vector.broadcast %broadcast_in_dim3A_38 : i1 to vector<16xi1>
      %unique3A_40, %unique3A_41 = tpu.scan_count mask(%broadcast_in_dim3A_39 : vector<16xi1>) value(%get3A_37 : vector<16xi32>) : vector<16xi1>, vector<16xi32>
      %convert_element_type3A_42 = arith.sitofp %unique3A_41 : vector<16xi32> to vector<16xf32>
      tpu.vector_store_idx %arg5[%get3A_37], %convert_element_type3A_42 masked %unique3A_40 {add = true} : memref<10240xf32, #tpu.memory_space<vmem>>[vector<16xi32>], vector<16xf32>, vector<16xi1>
      %scan3A_43 = arith.constant 0 : i32
      %scan3A_44 = arith.constant 2 : i32
      %mul3A_45 = arith.constant 16 : i32
      %mul3A_46 = arith.muli %scan3A_44, %mul3A_45 : i32
      %get3A_47 = arith.constant 0 : i32
      %get3A_48 = arith.index_cast %get3A_47 : i32 to index
      %get3A_49 = arith.index_cast %mul3A_46 : i32 to index
      %get3A_50 = tpu.vector_load %arg4[%get3A_48, %get3A_49] {strides = array<i32>} : memref<1x128xi32, #tpu.memory_space<vmem>>, vector<16xi32>,
      %broadcast_in_dim3A_51 = arith.constant true
      %broadcast_in_dim3A_52 = vector.broadcast %broadcast_in_dim3A_51 : i1 to vector<16xi1>
      %unique3A_53, %unique3A_54 = tpu.scan_count mask(%broadcast_in_dim3A_52 : vector<16xi1>) value(%get3A_50 : vector<16xi32>) : vector<16xi1>, vector<16xi32>
      %convert_element_type3A_55 = arith.sitofp %unique3A_54 : vector<16xi32> to vector<16xf32>
      tpu.vector_store_idx %arg5[%get3A_50], %convert_element_type3A_55 masked %unique3A_53 {add = true} : memref<10240xf32, #tpu.memory_space<vmem>>[vector<16xi32>], vector<16xf32>, vector<16xi1>
      %scan3A_56 = arith.constant 0 : i32
      %scan3A_57 = arith.constant 3 : i32
      %mul3A_58 = arith.constant 16 : i32
      %mul3A_59 = arith.muli %scan3A_57, %mul3A_58 : i32
      %get3A_60 = arith.constant 0 : i32
      %get3A_61 = arith.index_cast %get3A_60 : i32 to index
      %get3A_62 = arith.index_cast %mul3A_59 : i32 to index
      %get3A_63 = tpu.vector_load %arg4[%get3A_61, %get3A_62] {strides = array<i32>} : memref<1x128xi32, #tpu.memory_space<vmem>>, vector<16xi32>,
      %broadcast_in_dim3A_64 = arith.constant true
      %broadcast_in_dim3A_65 = vector.broadcast %broadcast_in_dim3A_64 : i1 to vector<16xi1>
      %unique3A_66, %unique3A_67 = tpu.scan_count mask(%broadcast_in_dim3A_65 : vector<16xi1>) value(%get3A_63 : vector<16xi32>) : vector<16xi1>, vector<16xi32>
      %convert_element_type3A_68 = arith.sitofp %unique3A_67 : vector<16xi32> to vector<16xf32>
      tpu.vector_store_idx %arg5[%get3A_63], %convert_element_type3A_68 masked %unique3A_66 {add = true} : memref<10240xf32, #tpu.memory_space<vmem>>[vector<16xi32>], vector<16xf32>, vector<16xi1>
      %scan3A_69 = arith.constant 0 : i32
      %scan3A_70 = arith.constant 4 : i32
      %mul3A_71 = arith.constant 16 : i32
      %mul3A_72 = arith.muli %scan3A_70, %mul3A_71 : i32
      %get3A_73 = arith.constant 0 : i32
      %get3A_74 = arith.index_cast %get3A_73 : i32 to index
      %get3A_75 = arith.index_cast %mul3A_72 : i32 to index
      %get3A_76 = tpu.vector_load %arg4[%get3A_74, %get3A_75] {strides = array<i32>} : memref<1x128xi32, #tpu.memory_space<vmem>>, vector<16xi32>,
      %broadcast_in_dim3A_77 = arith.constant true
      %broadcast_in_dim3A_78 = vector.broadcast %broadcast_in_dim3A_77 : i1 to vector<16xi1>
      %unique3A_79, %unique3A_80 = tpu.scan_count mask(%broadcast_in_dim3A_78 : vector<16xi1>) value(%get3A_76 : vector<16xi32>) : vector<16xi1>, vector<16xi32>
      %convert_element_type3A_81 = arith.sitofp %unique3A_80 : vector<16xi32> to vector<16xf32>
      tpu.vector_store_idx %arg5[%get3A_76], %convert_element_type3A_81 masked %unique3A_79 {add = true} : memref<10240xf32, #tpu.memory_space<vmem>>[vector<16xi32>], vector<16xf32>, vector<16xi1>
      %scan3A_82 = arith.constant 0 : i32
      %scan3A_83 = arith.constant 5 : i32
      %mul3A_84 = arith.constant 16 : i32
      %mul3A_85 = arith.muli %scan3A_83, %mul3A_84 : i32
      %get3A_86 = arith.constant 0 : i32
      %get3A_87 = arith.index_cast %get3A_86 : i32 to index
      %get3A_88 = arith.index_cast %mul3A_85 : i32 to index
      %get3A_89 = tpu.vector_load %arg4[%get3A_87, %get3A_88] {strides = array<i32>} : memref<1x128xi32, #tpu.memory_space<vmem>>, vector<16xi32>,
      %broadcast_in_dim3A_90 = arith.constant true
      %broadcast_in_dim3A_91 = vector.broadcast %broadcast_in_dim3A_90 : i1 to vector<16xi1>
      %unique3A_92, %unique3A_93 = tpu.scan_count mask(%broadcast_in_dim3A_91 : vector<16xi1>) value(%get3A_89 : vector<16xi32>) : vector<16xi1>, vector<16xi32>
      %convert_element_type3A_94 = arith.sitofp %unique3A_93 : vector<16xi32> to vector<16xf32>
      tpu.vector_store_idx %arg5[%get3A_89], %convert_element_type3A_94 masked %unique3A_92 {add = true} : memref<10240xf32, #tpu.memory_space<vmem>>[vector<16xi32>], vector<16xf32>, vector<16xi1>
      %scan3A_95 = arith.constant 0 : i32
      %scan3A_96 = arith.constant 6 : i32
      %mul3A_97 = arith.constant 16 : i32
      %mul3A_98 = arith.muli %scan3A_96, %mul3A_97 : i32
      %get3A_99 = arith.constant 0 : i32
      %get3A_100 = arith.index_cast %get3A_99 : i32 to index
      %get3A_101 = arith.index_cast %mul3A_98 : i32 to index
      %get3A_102 = tpu.vector_load %arg4[%get3A_100, %get3A_101] {strides = array<i32>} : memref<1x128xi32, #tpu.memory_space<vmem>>, vector<16xi32>,
      %broadcast_in_dim3A_103 = arith.constant true
      %broadcast_in_dim3A_104 = vector.broadcast %broadcast_in_dim3A_103 : i1 to vector<16xi1>
      %unique3A_105, %unique3A_106 = tpu.scan_count mask(%broadcast_in_dim3A_104 : vector<16xi1>) value(%get3A_102 : vector<16xi32>) : vector<16xi1>, vector<16xi32>
      %convert_element_type3A_107 = arith.sitofp %unique3A_106 : vector<16xi32> to vector<16xf32>
      tpu.vector_store_idx %arg5[%get3A_102], %convert_element_type3A_107 masked %unique3A_105 {add = true} : memref<10240xf32, #tpu.memory_space<vmem>>[vector<16xi32>], vector<16xf32>, vector<16xi1>
      %scan3A_108 = arith.constant 0 : i32
      %scan3A_109 = arith.constant 7 : i32
      %mul3A_110 = arith.constant 16 : i32
      %mul3A_111 = arith.muli %scan3A_109, %mul3A_110 : i32
      %get3A_112 = arith.constant 0 : i32
      %get3A_113 = arith.index_cast %get3A_112 : i32 to index
      %get3A_114 = arith.index_cast %mul3A_111 : i32 to index
      %get3A_115 = tpu.vector_load %arg4[%get3A_113, %get3A_114] {strides = array<i32>} : memref<1x128xi32, #tpu.memory_space<vmem>>, vector<16xi32>,
      %broadcast_in_dim3A_116 = arith.constant true
      %broadcast_in_dim3A_117 = vector.broadcast %broadcast_in_dim3A_116 : i1 to vector<16xi1>
      %unique3A_118, %unique3A_119 = tpu.scan_count mask(%broadcast_in_dim3A_117 : vector<16xi1>) value(%get3A_115 : vector<16xi32>) : vector<16xi1>, vector<16xi32>
      %convert_element_type3A_120 = arith.sitofp %unique3A_119 : vector<16xi32> to vector<16xf32>
      tpu.vector_store_idx %arg5[%get3A_115], %convert_element_type3A_120 masked %unique3A_118 {add = true} : memref<10240xf32, #tpu.memory_space<vmem>>[vector<16xi32>], vector<16xf32>, vector<16xi1>
      %scan3A_121 = arith.constant 0 : i32
      %scan3A_122 = arith.constant 8 : i32
      %scan3A_123 = arith.constant 0 : i32
      scf.yield %scan3A_123 : i32
    }
    %scan3A_15 = arith.constant 79 : i32
    "tpu.region"() ({
      %run_scoped3A = tpu.sem_alloc : memref<!tpu.dma_semaphore, #tpu.memory_space<semaphore_mem>>
      %dma_start3A = arith.constant 0 : i32
      %dma_start3A_16 = tpu.memref_slice %arg3[%add3A, %dma_start3A] : memref<32x10240xf32, #tpu.memory_space<hbm>> -> memref<1x10240xf32, #tpu.memory_space<hbm>>
      %dma_start3A_17 = tpu.memref_squeeze %dma_start3A_16 : memref<1x10240xf32, #tpu.memory_space<hbm>> -> memref<10240xf32, #tpu.memory_space<hbm>>
      %dma_start3A_18 = arith.constant 0 : i32
      %dma_start3A_19 = tpu.memref_slice %arg3[%add3A, %dma_start3A_18] : memref<32x10240xf32, #tpu.memory_space<hbm>> -> memref<1x10240xf32, #tpu.memory_space<hbm>>
      %dma_start3A_20 = tpu.memref_squeeze %dma_start3A_19 : memref<1x10240xf32, #tpu.memory_space<hbm>> -> memref<10240xf32, #tpu.memory_space<hbm>>
      tpu.enqueue_dma source(%arg5 : memref<10240xf32, #tpu.memory_space<vmem>>) target(%dma_start3A_20 : memref<10240xf32, #tpu.memory_space<hbm>>) target_semaphore(%run_scoped3A : memref<!tpu.dma_semaphore, #tpu.memory_space<semaphore_mem>>)
      %dma_wait3A = arith.constant 0 : i32
      %dma_wait3A_21 = tpu.memref_slice %arg3[%add3A, %dma_wait3A] : memref<32x10240xf32, #tpu.memory_space<hbm>> -> memref<1x10240xf32, #tpu.memory_space<hbm>>
      %dma_wait3A_22 = tpu.memref_squeeze %dma_wait3A_21 : memref<1x10240xf32, #tpu.memory_space<hbm>> -> memref<10240xf32, #tpu.memory_space<hbm>>
      %dma_wait3A_23 = arith.constant 0 : i32
      %dma_wait3A_24 = tpu.memref_slice %arg3[%add3A, %dma_wait3A_23] : memref<32x10240xf32, #tpu.memory_space<hbm>> -> memref<1x10240xf32, #tpu.memory_space<hbm>>
      %dma_wait3A_25 = tpu.memref_squeeze %dma_wait3A_24 : memref<1x10240xf32, #tpu.memory_space<hbm>> -> memref<10240xf32, #tpu.memory_space<hbm>>
      tpu.wait_dma2 semaphore(%run_scoped3A : memref<!tpu.dma_semaphore, #tpu.memory_space<semaphore_mem>>) src(%arg5 : memref<10240xf32, #tpu.memory_space<vmem>>) dst(%dma_wait3A_25 : memref<10240xf32, #tpu.memory_space<hbm>>)
      tpu.yield
    }) : () -> ()
    return
  }
}

#map = affine_map<(d0, d1) -> (0)>
#map1 = affine_map<(d0, d1) -> (0, 0)>
#map2 = affine_map<(d0, d1) -> (0, 0, 0)>
module attributes {stable_mosaic.version = 14 : i64} {
  func.func @_sc_agg_body(%arg0: i32, %arg1: i32, %arg2: memref<323584xi32, #tpu.memory_space<hbm>>, %arg3: memref<323584xi32, #tpu.memory_space<hbm>>, %arg4: memref<10240x128xf32, #tpu.memory_space<hbm>>, %arg5: memref<2x10240x128xf32, #tpu.memory_space<hbm>>, %arg6: memref<1x128xi32, #tpu.memory_space<vmem>>, %arg7: memref<1x128xi32, #tpu.memory_space<vmem>>, %arg8: memref<128x128xf32, #tpu.memory_space<vmem>>, %arg9: memref<128x128xf32, #tpu.memory_space<vmem>>, %arg10: memref<10240x128xf32, #tpu.memory_space<vmem_shared>>, %arg11: memref<!tpu.dma_semaphore, #tpu.memory_space<semaphore_mem>>) attributes {dimension_semantics = [#tpu.dimension_semantics<core_parallel>, #tpu.dimension_semantics<subcore_parallel>], iteration_bounds = array<i64: 2, 16>, scalar_prefetch = 0 : i64, scratch_operands = 6 : i64, tpu.core_type = #tpu.core_type<sc_vector_subcore>, window_params = [{transform_indices = #map}, {transform_indices = #map}, {transform_indices = #map1}, {transform_indices = #map2}]} {
    %mul3A = arith.constant 16 : i32
    %mul3A_0 = arith.muli %arg0, %mul3A : i32
    %add3A = arith.addi %mul3A_0, %arg1 : i32
    %scan3A = arith.constant 0 : i32
    %scan3A_1 = arith.constant 0 : i32
    %scan3A_2 = arith.constant 1024 : i32
    %scan3A_3 = arith.addi %scan3A_1, %scan3A_2 : i32
    %scan3A_4 = arith.constant 4 : i32
    %scan3A_5 = scf.for %scan3A_57 = %scan3A_1 to %scan3A_3 step %scan3A_4 iter_args(%scan3A_58 = %scan3A) -> (i32)  : i32 {
      %jit3A = arith.constant 8 : i32
      %div3A = arith.divsi %scan3A_57, %jit3A : i32
      %sign3A = arith.constant 0 : i32
      %sign3A_59 = arith.cmpi sgt, %scan3A_57, %sign3A : i32
      %sign3A_60 = arith.extui %sign3A_59 : i1 to i32
      %sign3A_61 = arith.constant 0 : i32
      %sign3A_62 = arith.cmpi slt, %scan3A_57, %sign3A_61 : i32
      %sign3A_63 = arith.extui %sign3A_62 : i1 to i32
      %sign3A_64 = arith.subi %sign3A_60, %sign3A_63 : i32
      %sign3A_65 = arith.constant 0 : i32
      %sign3A_66 = arith.cmpi sgt, %jit3A, %sign3A_65 : i32
      %sign3A_67 = arith.extui %sign3A_66 : i1 to i32
      %sign3A_68 = arith.constant 0 : i32
      %sign3A_69 = arith.cmpi slt, %jit3A, %sign3A_68 : i32
      %sign3A_70 = arith.extui %sign3A_69 : i1 to i32
      %sign3A_71 = arith.subi %sign3A_67, %sign3A_70 : i32
      %ne3A = arith.cmpi ne, %sign3A_64, %sign3A_71 : i32
      %rem3A = arith.remsi %scan3A_57, %jit3A : i32
      %ne3A_72 = arith.constant 0 : i32
      %ne3A_73 = arith.cmpi ne, %rem3A, %ne3A_72 : i32
      %and3A = arith.andi %ne3A, %ne3A_73 : i1
      %sub3A = arith.constant 1 : i32
      %sub3A_74 = arith.subi %div3A, %sub3A : i32
      %select_n3A = arith.select %and3A, %sub3A_74, %div3A : i32
      %jit3A_75 = arith.constant 8 : i32
      %eq3A = arith.constant 0 : i32
      %eq3A_76 = arith.cmpi eq, %jit3A_75, %eq3A : i32
      %jit3A_77 = arith.constant 1 : i32
      %select_n3A_78 = arith.select %eq3A_76, %jit3A_77, %jit3A_75 : i32
      %rem3A_79 = arith.remsi %scan3A_57, %select_n3A_78 : i32
      %ne3A_80 = arith.constant 0 : i32
      %ne3A_81 = arith.cmpi ne, %rem3A_79, %ne3A_80 : i32
      %lt3A = arith.constant 0 : i32
      %lt3A_82 = arith.cmpi slt, %rem3A_79, %lt3A : i32
      %lt3A_83 = arith.constant 0 : i32
      %lt3A_84 = arith.cmpi slt, %select_n3A_78, %lt3A_83 : i32
      %ne3A_85 = arith.xori %lt3A_82, %lt3A_84 : i1
      %and3A_86 = arith.andi %ne3A_85, %ne3A_81 : i1
      %add3A_87 = arith.addi %rem3A_79, %select_n3A_78 : i32
      %select_n3A_88 = arith.select %and3A_86, %add3A_87, %rem3A_79 : i32
      %broadcast_in_dim3A = arith.constant 0.000000e+00 : f32
      %broadcast_in_dim3A_89 = vector.broadcast %broadcast_in_dim3A : f32 to vector<16xf32>
      %mul3A_90 = arith.constant 16 : i32
      %mul3A_91 = arith.muli %select_n3A_88, %mul3A_90 : i32
      %swap3A = arith.index_cast %select_n3A : i32 to index
      %swap3A_92 = arith.index_cast %mul3A_91 : i32 to index
      %swap3A_93 = tpu.vector_load %arg9[%swap3A, %swap3A_92] {strides = array<i32>} : memref<128x128xf32, #tpu.memory_space<vmem>>, vector<1x16xf32>,
      %swap3A_94 = vector.shape_cast %swap3A_93 : vector<1x16xf32> to vector<16xf32>
      %swap3A_95 = vector.shape_cast %broadcast_in_dim3A_89 : vector<16xf32> to vector<1x16xf32>
      tpu.vector_store %arg9[%swap3A, %swap3A_92], %swap3A_95 {strides = array<i32>} : memref<128x128xf32, #tpu.memory_space<vmem>>, vector<1x16xf32>,
      %scan3A_96 = arith.constant 0 : i32
      %scan3A_97 = arith.constant 1 : i32
      %scan3A_98 = arith.addi %scan3A_57, %scan3A_97 : i32
      %jit3A_99 = arith.constant 8 : i32
      %div3A_100 = arith.divsi %scan3A_98, %jit3A_99 : i32
      %sign3A_101 = arith.constant 0 : i32
      %sign3A_102 = arith.cmpi sgt, %scan3A_98, %sign3A_101 : i32
      %sign3A_103 = arith.extui %sign3A_102 : i1 to i32
      %sign3A_104 = arith.constant 0 : i32
      %sign3A_105 = arith.cmpi slt, %scan3A_98, %sign3A_104 : i32
      %sign3A_106 = arith.extui %sign3A_105 : i1 to i32
      %sign3A_107 = arith.subi %sign3A_103, %sign3A_106 : i32
      %sign3A_108 = arith.constant 0 : i32
      %sign3A_109 = arith.cmpi sgt, %jit3A_99, %sign3A_108 : i32
      %sign3A_110 = arith.extui %sign3A_109 : i1 to i32
      %sign3A_111 = arith.constant 0 : i32
      %sign3A_112 = arith.cmpi slt, %jit3A_99, %sign3A_111 : i32
      %sign3A_113 = arith.extui %sign3A_112 : i1 to i32
      %sign3A_114 = arith.subi %sign3A_110, %sign3A_113 : i32
      %ne3A_115 = arith.cmpi ne, %sign3A_107, %sign3A_114 : i32
      %rem3A_116 = arith.remsi %scan3A_98, %jit3A_99 : i32
      %ne3A_117 = arith.constant 0 : i32
      %ne3A_118 = arith.cmpi ne, %rem3A_116, %ne3A_117 : i32
      %and3A_119 = arith.andi %ne3A_115, %ne3A_118 : i1
      %sub3A_120 = arith.constant 1 : i32
      %sub3A_121 = arith.subi %div3A_100, %sub3A_120 : i32
      %select_n3A_122 = arith.select %and3A_119, %sub3A_121, %div3A_100 : i32
      %jit3A_123 = arith.constant 8 : i32
      %eq3A_124 = arith.constant 0 : i32
      %eq3A_125 = arith.cmpi eq, %jit3A_123, %eq3A_124 : i32
      %jit3A_126 = arith.constant 1 : i32
      %select_n3A_127 = arith.select %eq3A_125, %jit3A_126, %jit3A_123 : i32
      %rem3A_128 = arith.remsi %scan3A_98, %select_n3A_127 : i32
      %ne3A_129 = arith.constant 0 : i32
      %ne3A_130 = arith.cmpi ne, %rem3A_128, %ne3A_129 : i32
      %lt3A_131 = arith.constant 0 : i32
      %lt3A_132 = arith.cmpi slt, %rem3A_128, %lt3A_131 : i32
      %lt3A_133 = arith.constant 0 : i32
      %lt3A_134 = arith.cmpi slt, %select_n3A_127, %lt3A_133 : i32
      %ne3A_135 = arith.xori %lt3A_132, %lt3A_134 : i1
      %and3A_136 = arith.andi %ne3A_135, %ne3A_130 : i1
      %add3A_137 = arith.addi %rem3A_128, %select_n3A_127 : i32
      %select_n3A_138 = arith.select %and3A_136, %add3A_137, %rem3A_128 : i32
      %broadcast_in_dim3A_139 = arith.constant 0.000000e+00 : f32
      %broadcast_in_dim3A_140 = vector.broadcast %broadcast_in_dim3A_139 : f32 to vector<16xf32>
      %mul3A_141 = arith.constant 16 : i32
      %mul3A_142 = arith.muli %select_n3A_138, %mul3A_141 : i32
      %swap3A_143 = arith.index_cast %select_n3A_122 : i32 to index
      %swap3A_144 = arith.index_cast %mul3A_142 : i32 to index
      %swap3A_145 = tpu.vector_load %arg9[%swap3A_143, %swap3A_144] {strides = array<i32>} : memref<128x128xf32, #tpu.memory_space<vmem>>, vector<1x16xf32>,
      %swap3A_146 = vector.shape_cast %swap3A_145 : vector<1x16xf32> to vector<16xf32>
      %swap3A_147 = vector.shape_cast %broadcast_in_dim3A_140 : vector<16xf32> to vector<1x16xf32>
      tpu.vector_store %arg9[%swap3A_143, %swap3A_144], %swap3A_147 {strides = array<i32>} : memref<128x128xf32, #tpu.memory_space<vmem>>, vector<1x16xf32>,
      %scan3A_148 = arith.constant 0 : i32
      %scan3A_149 = arith.constant 2 : i32
      %scan3A_150 = arith.addi %scan3A_57, %scan3A_149 : i32
      %jit3A_151 = arith.constant 8 : i32
      %div3A_152 = arith.divsi %scan3A_150, %jit3A_151 : i32
      %sign3A_153 = arith.constant 0 : i32
      %sign3A_154 = arith.cmpi sgt, %scan3A_150, %sign3A_153 : i32
      %sign3A_155 = arith.extui %sign3A_154 : i1 to i32
      %sign3A_156 = arith.constant 0 : i32
      %sign3A_157 = arith.cmpi slt, %scan3A_150, %sign3A_156 : i32
      %sign3A_158 = arith.extui %sign3A_157 : i1 to i32
      %sign3A_159 = arith.subi %sign3A_155, %sign3A_158 : i32
      %sign3A_160 = arith.constant 0 : i32
      %sign3A_161 = arith.cmpi sgt, %jit3A_151, %sign3A_160 : i32
      %sign3A_162 = arith.extui %sign3A_161 : i1 to i32
      %sign3A_163 = arith.constant 0 : i32
      %sign3A_164 = arith.cmpi slt, %jit3A_151, %sign3A_163 : i32
      %sign3A_165 = arith.extui %sign3A_164 : i1 to i32
      %sign3A_166 = arith.subi %sign3A_162, %sign3A_165 : i32
      %ne3A_167 = arith.cmpi ne, %sign3A_159, %sign3A_166 : i32
      %rem3A_168 = arith.remsi %scan3A_150, %jit3A_151 : i32
      %ne3A_169 = arith.constant 0 : i32
      %ne3A_170 = arith.cmpi ne, %rem3A_168, %ne3A_169 : i32
      %and3A_171 = arith.andi %ne3A_167, %ne3A_170 : i1
      %sub3A_172 = arith.constant 1 : i32
      %sub3A_173 = arith.subi %div3A_152, %sub3A_172 : i32
      %select_n3A_174 = arith.select %and3A_171, %sub3A_173, %div3A_152 : i32
      %jit3A_175 = arith.constant 8 : i32
      %eq3A_176 = arith.constant 0 : i32
      %eq3A_177 = arith.cmpi eq, %jit3A_175, %eq3A_176 : i32
      %jit3A_178 = arith.constant 1 : i32
      %select_n3A_179 = arith.select %eq3A_177, %jit3A_178, %jit3A_175 : i32
      %rem3A_180 = arith.remsi %scan3A_150, %select_n3A_179 : i32
      %ne3A_181 = arith.constant 0 : i32
      %ne3A_182 = arith.cmpi ne, %rem3A_180, %ne3A_181 : i32
      %lt3A_183 = arith.constant 0 : i32
      %lt3A_184 = arith.cmpi slt, %rem3A_180, %lt3A_183 : i32
      %lt3A_185 = arith.constant 0 : i32
      %lt3A_186 = arith.cmpi slt, %select_n3A_179, %lt3A_185 : i32
      %ne3A_187 = arith.xori %lt3A_184, %lt3A_186 : i1
      %and3A_188 = arith.andi %ne3A_187, %ne3A_182 : i1
      %add3A_189 = arith.addi %rem3A_180, %select_n3A_179 : i32
      %select_n3A_190 = arith.select %and3A_188, %add3A_189, %rem3A_180 : i32
      %broadcast_in_dim3A_191 = arith.constant 0.000000e+00 : f32
      %broadcast_in_dim3A_192 = vector.broadcast %broadcast_in_dim3A_191 : f32 to vector<16xf32>
      %mul3A_193 = arith.constant 16 : i32
      %mul3A_194 = arith.muli %select_n3A_190, %mul3A_193 : i32
      %swap3A_195 = arith.index_cast %select_n3A_174 : i32 to index
      %swap3A_196 = arith.index_cast %mul3A_194 : i32 to index
      %swap3A_197 = tpu.vector_load %arg9[%swap3A_195, %swap3A_196] {strides = array<i32>} : memref<128x128xf32, #tpu.memory_space<vmem>>, vector<1x16xf32>,
      %swap3A_198 = vector.shape_cast %swap3A_197 : vector<1x16xf32> to vector<16xf32>
      %swap3A_199 = vector.shape_cast %broadcast_in_dim3A_192 : vector<16xf32> to vector<1x16xf32>
      tpu.vector_store %arg9[%swap3A_195, %swap3A_196], %swap3A_199 {strides = array<i32>} : memref<128x128xf32, #tpu.memory_space<vmem>>, vector<1x16xf32>,
      %scan3A_200 = arith.constant 0 : i32
      %scan3A_201 = arith.constant 3 : i32
      %scan3A_202 = arith.addi %scan3A_57, %scan3A_201 : i32
      %jit3A_203 = arith.constant 8 : i32
      %div3A_204 = arith.divsi %scan3A_202, %jit3A_203 : i32
      %sign3A_205 = arith.constant 0 : i32
      %sign3A_206 = arith.cmpi sgt, %scan3A_202, %sign3A_205 : i32
      %sign3A_207 = arith.extui %sign3A_206 : i1 to i32
      %sign3A_208 = arith.constant 0 : i32
      %sign3A_209 = arith.cmpi slt, %scan3A_202, %sign3A_208 : i32
      %sign3A_210 = arith.extui %sign3A_209 : i1 to i32
      %sign3A_211 = arith.subi %sign3A_207, %sign3A_210 : i32
      %sign3A_212 = arith.constant 0 : i32
      %sign3A_213 = arith.cmpi sgt, %jit3A_203, %sign3A_212 : i32
      %sign3A_214 = arith.extui %sign3A_213 : i1 to i32
      %sign3A_215 = arith.constant 0 : i32
      %sign3A_216 = arith.cmpi slt, %jit3A_203, %sign3A_215 : i32
      %sign3A_217 = arith.extui %sign3A_216 : i1 to i32
      %sign3A_218 = arith.subi %sign3A_214, %sign3A_217 : i32
      %ne3A_219 = arith.cmpi ne, %sign3A_211, %sign3A_218 : i32
      %rem3A_220 = arith.remsi %scan3A_202, %jit3A_203 : i32
      %ne3A_221 = arith.constant 0 : i32
      %ne3A_222 = arith.cmpi ne, %rem3A_220, %ne3A_221 : i32
      %and3A_223 = arith.andi %ne3A_219, %ne3A_222 : i1
      %sub3A_224 = arith.constant 1 : i32
      %sub3A_225 = arith.subi %div3A_204, %sub3A_224 : i32
      %select_n3A_226 = arith.select %and3A_223, %sub3A_225, %div3A_204 : i32
      %jit3A_227 = arith.constant 8 : i32
      %eq3A_228 = arith.constant 0 : i32
      %eq3A_229 = arith.cmpi eq, %jit3A_227, %eq3A_228 : i32
      %jit3A_230 = arith.constant 1 : i32
      %select_n3A_231 = arith.select %eq3A_229, %jit3A_230, %jit3A_227 : i32
      %rem3A_232 = arith.remsi %scan3A_202, %select_n3A_231 : i32
      %ne3A_233 = arith.constant 0 : i32
      %ne3A_234 = arith.cmpi ne, %rem3A_232, %ne3A_233 : i32
      %lt3A_235 = arith.constant 0 : i32
      %lt3A_236 = arith.cmpi slt, %rem3A_232, %lt3A_235 : i32
      %lt3A_237 = arith.constant 0 : i32
      %lt3A_238 = arith.cmpi slt, %select_n3A_231, %lt3A_237 : i32
      %ne3A_239 = arith.xori %lt3A_236, %lt3A_238 : i1
      %and3A_240 = arith.andi %ne3A_239, %ne3A_234 : i1
      %add3A_241 = arith.addi %rem3A_232, %select_n3A_231 : i32
      %select_n3A_242 = arith.select %and3A_240, %add3A_241, %rem3A_232 : i32
      %broadcast_in_dim3A_243 = arith.constant 0.000000e+00 : f32
      %broadcast_in_dim3A_244 = vector.broadcast %broadcast_in_dim3A_243 : f32 to vector<16xf32>
      %mul3A_245 = arith.constant 16 : i32
      %mul3A_246 = arith.muli %select_n3A_242, %mul3A_245 : i32
      %swap3A_247 = arith.index_cast %select_n3A_226 : i32 to index
      %swap3A_248 = arith.index_cast %mul3A_246 : i32 to index
      %swap3A_249 = tpu.vector_load %arg9[%swap3A_247, %swap3A_248] {strides = array<i32>} : memref<128x128xf32, #tpu.memory_space<vmem>>, vector<1x16xf32>,
      %swap3A_250 = vector.shape_cast %swap3A_249 : vector<1x16xf32> to vector<16xf32>
      %swap3A_251 = vector.shape_cast %broadcast_in_dim3A_244 : vector<16xf32> to vector<1x16xf32>
      tpu.vector_store %arg9[%swap3A_247, %swap3A_248], %swap3A_251 {strides = array<i32>} : memref<128x128xf32, #tpu.memory_space<vmem>>, vector<1x16xf32>,
      %scan3A_252 = arith.constant 0 : i32
      scf.yield %scan3A_252 : i32
    }
    %scan3A_6 = arith.constant 1024 : i32
    %mul3A_7 = arith.constant 640 : i32
    %mul3A_8 = arith.muli %arg1, %mul3A_7 : i32
    %add3A_9 = arith.constant 0 : i32
    %add3A_10 = arith.addi %mul3A_8, %add3A_9 : i32
    "tpu.region"() ({
      %run_scoped3A = tpu.sem_alloc : memref<!tpu.dma_semaphore, #tpu.memory_space<semaphore_mem>>
      %dma_start3A = arith.constant 0 : i32
      %dma_start3A_57 = tpu.memref_slice %arg10[%add3A_10, %dma_start3A] : memref<10240x128xf32, #tpu.memory_space<vmem_shared>> -> memref<128x128xf32, #tpu.memory_space<vmem_shared>>
      %dma_start3A_58 = arith.constant 0 : i32
      %dma_start3A_59 = tpu.memref_slice %arg10[%add3A_10, %dma_start3A_58] : memref<10240x128xf32, #tpu.memory_space<vmem_shared>> -> memref<128x128xf32, #tpu.memory_space<vmem_shared>>
      tpu.enqueue_dma source(%arg9 : memref<128x128xf32, #tpu.memory_space<vmem>>) target(%dma_start3A_59 : memref<128x128xf32, #tpu.memory_space<vmem_shared>>) target_semaphore(%run_scoped3A : memref<!tpu.dma_semaphore, #tpu.memory_space<semaphore_mem>>)
      %dma_wait3A = arith.constant 0 : i32
      %dma_wait3A_60 = tpu.memref_slice %arg10[%add3A_10, %dma_wait3A] : memref<10240x128xf32, #tpu.memory_space<vmem_shared>> -> memref<128x128xf32, #tpu.memory_space<vmem_shared>>
      %dma_wait3A_61 = arith.constant 0 : i32
      %dma_wait3A_62 = tpu.memref_slice %arg10[%add3A_10, %dma_wait3A_61] : memref<10240x128xf32, #tpu.memory_space<vmem_shared>> -> memref<128x128xf32, #tpu.memory_space<vmem_shared>>
      tpu.wait_dma2 semaphore(%run_scoped3A : memref<!tpu.dma_semaphore, #tpu.memory_space<semaphore_mem>>) src(%arg9 : memref<128x128xf32, #tpu.memory_space<vmem>>) dst(%dma_wait3A_62 : memref<128x128xf32, #tpu.memory_space<vmem_shared>>)
      tpu.yield
    }) : () -> ()
    %mul3A_11 = arith.constant 640 : i32
    %mul3A_12 = arith.muli %arg1, %mul3A_11 : i32
    %add3A_13 = arith.constant 128 : i32
    %add3A_14 = arith.addi %mul3A_12, %add3A_13 : i32
    "tpu.region"() ({
      %run_scoped3A = tpu.sem_alloc : memref<!tpu.dma_semaphore, #tpu.memory_space<semaphore_mem>>
      %dma_start3A = arith.constant 0 : i32
      %dma_start3A_57 = tpu.memref_slice %arg10[%add3A_14, %dma_start3A] : memref<10240x128xf32, #tpu.memory_space<vmem_shared>> -> memref<128x128xf32, #tpu.memory_space<vmem_shared>>
      %dma_start3A_58 = arith.constant 0 : i32
      %dma_start3A_59 = tpu.memref_slice %arg10[%add3A_14, %dma_start3A_58] : memref<10240x128xf32, #tpu.memory_space<vmem_shared>> -> memref<128x128xf32, #tpu.memory_space<vmem_shared>>
      tpu.enqueue_dma source(%arg9 : memref<128x128xf32, #tpu.memory_space<vmem>>) target(%dma_start3A_59 : memref<128x128xf32, #tpu.memory_space<vmem_shared>>) target_semaphore(%run_scoped3A : memref<!tpu.dma_semaphore, #tpu.memory_space<semaphore_mem>>)
      %dma_wait3A = arith.constant 0 : i32
      %dma_wait3A_60 = tpu.memref_slice %arg10[%add3A_14, %dma_wait3A] : memref<10240x128xf32, #tpu.memory_space<vmem_shared>> -> memref<128x128xf32, #tpu.memory_space<vmem_shared>>
      %dma_wait3A_61 = arith.constant 0 : i32
      %dma_wait3A_62 = tpu.memref_slice %arg10[%add3A_14, %dma_wait3A_61] : memref<10240x128xf32, #tpu.memory_space<vmem_shared>> -> memref<128x128xf32, #tpu.memory_space<vmem_shared>>
      tpu.wait_dma2 semaphore(%run_scoped3A : memref<!tpu.dma_semaphore, #tpu.memory_space<semaphore_mem>>) src(%arg9 : memref<128x128xf32, #tpu.memory_space<vmem>>) dst(%dma_wait3A_62 : memref<128x128xf32, #tpu.memory_space<vmem_shared>>)
      tpu.yield
    }) : () -> ()
    %mul3A_15 = arith.constant 640 : i32
    %mul3A_16 = arith.muli %arg1, %mul3A_15 : i32
    %add3A_17 = arith.constant 256 : i32
    %add3A_18 = arith.addi %mul3A_16, %add3A_17 : i32
    "tpu.region"() ({
      %run_scoped3A = tpu.sem_alloc : memref<!tpu.dma_semaphore, #tpu.memory_space<semaphore_mem>>
      %dma_start3A = arith.constant 0 : i32
      %dma_start3A_57 = tpu.memref_slice %arg10[%add3A_18, %dma_start3A] : memref<10240x128xf32, #tpu.memory_space<vmem_shared>> -> memref<128x128xf32, #tpu.memory_space<vmem_shared>>
      %dma_start3A_58 = arith.constant 0 : i32
      %dma_start3A_59 = tpu.memref_slice %arg10[%add3A_18, %dma_start3A_58] : memref<10240x128xf32, #tpu.memory_space<vmem_shared>> -> memref<128x128xf32, #tpu.memory_space<vmem_shared>>
      tpu.enqueue_dma source(%arg9 : memref<128x128xf32, #tpu.memory_space<vmem>>) target(%dma_start3A_59 : memref<128x128xf32, #tpu.memory_space<vmem_shared>>) target_semaphore(%run_scoped3A : memref<!tpu.dma_semaphore, #tpu.memory_space<semaphore_mem>>)
      %dma_wait3A = arith.constant 0 : i32
      %dma_wait3A_60 = tpu.memref_slice %arg10[%add3A_18, %dma_wait3A] : memref<10240x128xf32, #tpu.memory_space<vmem_shared>> -> memref<128x128xf32, #tpu.memory_space<vmem_shared>>
      %dma_wait3A_61 = arith.constant 0 : i32
      %dma_wait3A_62 = tpu.memref_slice %arg10[%add3A_18, %dma_wait3A_61] : memref<10240x128xf32, #tpu.memory_space<vmem_shared>> -> memref<128x128xf32, #tpu.memory_space<vmem_shared>>
      tpu.wait_dma2 semaphore(%run_scoped3A : memref<!tpu.dma_semaphore, #tpu.memory_space<semaphore_mem>>) src(%arg9 : memref<128x128xf32, #tpu.memory_space<vmem>>) dst(%dma_wait3A_62 : memref<128x128xf32, #tpu.memory_space<vmem_shared>>)
      tpu.yield
    }) : () -> ()
    %mul3A_19 = arith.constant 640 : i32
    %mul3A_20 = arith.muli %arg1, %mul3A_19 : i32
    %add3A_21 = arith.constant 384 : i32
    %add3A_22 = arith.addi %mul3A_20, %add3A_21 : i32
    "tpu.region"() ({
      %run_scoped3A = tpu.sem_alloc : memref<!tpu.dma_semaphore, #tpu.memory_space<semaphore_mem>>
      %dma_start3A = arith.constant 0 : i32
      %dma_start3A_57 = tpu.memref_slice %arg10[%add3A_22, %dma_start3A] : memref<10240x128xf32, #tpu.memory_space<vmem_shared>> -> memref<128x128xf32, #tpu.memory_space<vmem_shared>>
      %dma_start3A_58 = arith.constant 0 : i32
      %dma_start3A_59 = tpu.memref_slice %arg10[%add3A_22, %dma_start3A_58] : memref<10240x128xf32, #tpu.memory_space<vmem_shared>> -> memref<128x128xf32, #tpu.memory_space<vmem_shared>>
      tpu.enqueue_dma source(%arg9 : memref<128x128xf32, #tpu.memory_space<vmem>>) target(%dma_start3A_59 : memref<128x128xf32, #tpu.memory_space<vmem_shared>>) target_semaphore(%run_scoped3A : memref<!tpu.dma_semaphore, #tpu.memory_space<semaphore_mem>>)
      %dma_wait3A = arith.constant 0 : i32
      %dma_wait3A_60 = tpu.memref_slice %arg10[%add3A_22, %dma_wait3A] : memref<10240x128xf32, #tpu.memory_space<vmem_shared>> -> memref<128x128xf32, #tpu.memory_space<vmem_shared>>
      %dma_wait3A_61 = arith.constant 0 : i32
      %dma_wait3A_62 = tpu.memref_slice %arg10[%add3A_22, %dma_wait3A_61] : memref<10240x128xf32, #tpu.memory_space<vmem_shared>> -> memref<128x128xf32, #tpu.memory_space<vmem_shared>>
      tpu.wait_dma2 semaphore(%run_scoped3A : memref<!tpu.dma_semaphore, #tpu.memory_space<semaphore_mem>>) src(%arg9 : memref<128x128xf32, #tpu.memory_space<vmem>>) dst(%dma_wait3A_62 : memref<128x128xf32, #tpu.memory_space<vmem_shared>>)
      tpu.yield
    }) : () -> ()
    %mul3A_23 = arith.constant 640 : i32
    %mul3A_24 = arith.muli %arg1, %mul3A_23 : i32
    %add3A_25 = arith.constant 512 : i32
    %add3A_26 = arith.addi %mul3A_24, %add3A_25 : i32
    "tpu.region"() ({
      %run_scoped3A = tpu.sem_alloc : memref<!tpu.dma_semaphore, #tpu.memory_space<semaphore_mem>>
      %dma_start3A = arith.constant 0 : i32
      %dma_start3A_57 = tpu.memref_slice %arg10[%add3A_26, %dma_start3A] : memref<10240x128xf32, #tpu.memory_space<vmem_shared>> -> memref<128x128xf32, #tpu.memory_space<vmem_shared>>
      %dma_start3A_58 = arith.constant 0 : i32
      %dma_start3A_59 = tpu.memref_slice %arg10[%add3A_26, %dma_start3A_58] : memref<10240x128xf32, #tpu.memory_space<vmem_shared>> -> memref<128x128xf32, #tpu.memory_space<vmem_shared>>
      tpu.enqueue_dma source(%arg9 : memref<128x128xf32, #tpu.memory_space<vmem>>) target(%dma_start3A_59 : memref<128x128xf32, #tpu.memory_space<vmem_shared>>) target_semaphore(%run_scoped3A : memref<!tpu.dma_semaphore, #tpu.memory_space<semaphore_mem>>)
      %dma_wait3A = arith.constant 0 : i32
      %dma_wait3A_60 = tpu.memref_slice %arg10[%add3A_26, %dma_wait3A] : memref<10240x128xf32, #tpu.memory_space<vmem_shared>> -> memref<128x128xf32, #tpu.memory_space<vmem_shared>>
      %dma_wait3A_61 = arith.constant 0 : i32
      %dma_wait3A_62 = tpu.memref_slice %arg10[%add3A_26, %dma_wait3A_61] : memref<10240x128xf32, #tpu.memory_space<vmem_shared>> -> memref<128x128xf32, #tpu.memory_space<vmem_shared>>
      tpu.wait_dma2 semaphore(%run_scoped3A : memref<!tpu.dma_semaphore, #tpu.memory_space<semaphore_mem>>) src(%arg9 : memref<128x128xf32, #tpu.memory_space<vmem>>) dst(%dma_wait3A_62 : memref<128x128xf32, #tpu.memory_space<vmem_shared>>)
      tpu.yield
    }) : () -> ()
    %barrier3A = arith.constant 0 : index
    tpu.barrier barrier_id(%barrier3A)
    %mul3A_27 = arith.constant 10112 : i32
    %mul3A_28 = arith.muli %add3A, %mul3A_27 : i32
    %scan3A_29 = arith.constant 0 : i32
    %scan3A_30 = arith.constant 0 : i32
    %scan3A_31 = arith.constant 79 : i32
    %scan3A_32 = arith.addi %scan3A_30, %scan3A_31 : i32
    %scan3A_33 = arith.constant 1 : i32
    %scan3A_34 = scf.for %scan3A_57 = %scan3A_30 to %scan3A_32 step %scan3A_33 iter_args(%scan3A_58 = %scan3A_29) -> (i32)  : i32 {
      %mul3A_59 = arith.constant 128 : i32
      %mul3A_60 = arith.muli %scan3A_57, %mul3A_59 : i32
      %add3A_61 = arith.addi %mul3A_28, %mul3A_60 : i32
      %run_scoped3A = arith.constant 0 : i32
      "tpu.region"() ({
        %run_scoped3A_77 = tpu.sem_alloc : memref<!tpu.dma_semaphore, #tpu.memory_space<semaphore_mem>>
        %dma_start3A_78 = arith.constant 0 : i32
        %dma_start3A_79 = tpu.memref_slice %arg6[%run_scoped3A, %dma_start3A_78] : memref<1x128xi32, #tpu.memory_space<vmem>> -> memref<1x128xi32, #tpu.memory_space<vmem>>
        %dma_start3A_80 = tpu.memref_squeeze %dma_start3A_79 : memref<1x128xi32, #tpu.memory_space<vmem>> -> memref<128xi32, #tpu.memory_space<vmem>>
        %dma_start3A_81 = tpu.memref_slice %arg2[%add3A_61] : memref<323584xi32, #tpu.memory_space<hbm>> -> memref<128xi32, #tpu.memory_space<hbm>>
        %dma_start3A_82 = arith.constant 0 : i32
        %dma_start3A_83 = tpu.memref_slice %arg6[%run_scoped3A, %dma_start3A_82] : memref<1x128xi32, #tpu.memory_space<vmem>> -> memref<1x128xi32, #tpu.memory_space<vmem>>
        %dma_start3A_84 = tpu.memref_squeeze %dma_start3A_83 : memref<1x128xi32, #tpu.memory_space<vmem>> -> memref<128xi32, #tpu.memory_space<vmem>>
        %dma_start3A_85 = tpu.memref_slice %arg2[%add3A_61] : memref<323584xi32, #tpu.memory_space<hbm>> -> memref<128xi32, #tpu.memory_space<hbm>>
        tpu.enqueue_dma source(%dma_start3A_85 : memref<128xi32, #tpu.memory_space<hbm>>) target(%dma_start3A_84 : memref<128xi32, #tpu.memory_space<vmem>>) target_semaphore(%run_scoped3A_77 : memref<!tpu.dma_semaphore, #tpu.memory_space<semaphore_mem>>)
        %dma_wait3A_86 = arith.constant 0 : i32
        %dma_wait3A_87 = tpu.memref_slice %arg6[%run_scoped3A, %dma_wait3A_86] : memref<1x128xi32, #tpu.memory_space<vmem>> -> memref<1x128xi32, #tpu.memory_space<vmem>>
        %dma_wait3A_88 = tpu.memref_squeeze %dma_wait3A_87 : memref<1x128xi32, #tpu.memory_space<vmem>> -> memref<128xi32, #tpu.memory_space<vmem>>
        %dma_wait3A_89 = tpu.memref_slice %arg2[%add3A_61] : memref<323584xi32, #tpu.memory_space<hbm>> -> memref<128xi32, #tpu.memory_space<hbm>>
        %dma_wait3A_90 = arith.constant 0 : i32
        %dma_wait3A_91 = tpu.memref_slice %arg6[%run_scoped3A, %dma_wait3A_90] : memref<1x128xi32, #tpu.memory_space<vmem>> -> memref<1x128xi32, #tpu.memory_space<vmem>>
        %dma_wait3A_92 = tpu.memref_squeeze %dma_wait3A_91 : memref<1x128xi32, #tpu.memory_space<vmem>> -> memref<128xi32, #tpu.memory_space<vmem>>
        %dma_wait3A_93 = tpu.memref_slice %arg2[%add3A_61] : memref<323584xi32, #tpu.memory_space<hbm>> -> memref<128xi32, #tpu.memory_space<hbm>>
        tpu.wait_dma2 semaphore(%run_scoped3A_77 : memref<!tpu.dma_semaphore, #tpu.memory_space<semaphore_mem>>) src(%dma_wait3A_93 : memref<128xi32, #tpu.memory_space<hbm>>) dst(%dma_wait3A_92 : memref<128xi32, #tpu.memory_space<vmem>>)
        tpu.yield
      }) : () -> ()
      %run_scoped3A_62 = arith.constant 0 : i32
      "tpu.region"() ({
        %run_scoped3A_77 = tpu.sem_alloc : memref<!tpu.dma_semaphore, #tpu.memory_space<semaphore_mem>>
        %dma_start3A_78 = arith.constant 0 : i32
        %dma_start3A_79 = tpu.memref_slice %arg7[%run_scoped3A_62, %dma_start3A_78] : memref<1x128xi32, #tpu.memory_space<vmem>> -> memref<1x128xi32, #tpu.memory_space<vmem>>
        %dma_start3A_80 = tpu.memref_squeeze %dma_start3A_79 : memref<1x128xi32, #tpu.memory_space<vmem>> -> memref<128xi32, #tpu.memory_space<vmem>>
        %dma_start3A_81 = tpu.memref_slice %arg3[%add3A_61] : memref<323584xi32, #tpu.memory_space<hbm>> -> memref<128xi32, #tpu.memory_space<hbm>>
        %dma_start3A_82 = arith.constant 0 : i32
        %dma_start3A_83 = tpu.memref_slice %arg7[%run_scoped3A_62, %dma_start3A_82] : memref<1x128xi32, #tpu.memory_space<vmem>> -> memref<1x128xi32, #tpu.memory_space<vmem>>
        %dma_start3A_84 = tpu.memref_squeeze %dma_start3A_83 : memref<1x128xi32, #tpu.memory_space<vmem>> -> memref<128xi32, #tpu.memory_space<vmem>>
        %dma_start3A_85 = tpu.memref_slice %arg3[%add3A_61] : memref<323584xi32, #tpu.memory_space<hbm>> -> memref<128xi32, #tpu.memory_space<hbm>>
        tpu.enqueue_dma source(%dma_start3A_85 : memref<128xi32, #tpu.memory_space<hbm>>) target(%dma_start3A_84 : memref<128xi32, #tpu.memory_space<vmem>>) target_semaphore(%run_scoped3A_77 : memref<!tpu.dma_semaphore, #tpu.memory_space<semaphore_mem>>)
        %dma_wait3A_86 = arith.constant 0 : i32
        %dma_wait3A_87 = tpu.memref_slice %arg7[%run_scoped3A_62, %dma_wait3A_86] : memref<1x128xi32, #tpu.memory_space<vmem>> -> memref<1x128xi32, #tpu.memory_space<vmem>>
        %dma_wait3A_88 = tpu.memref_squeeze %dma_wait3A_87 : memref<1x128xi32, #tpu.memory_space<vmem>> -> memref<128xi32, #tpu.memory_space<vmem>>
        %dma_wait3A_89 = tpu.memref_slice %arg3[%add3A_61] : memref<323584xi32, #tpu.memory_space<hbm>> -> memref<128xi32, #tpu.memory_space<hbm>>
        %dma_wait3A_90 = arith.constant 0 : i32
        %dma_wait3A_91 = tpu.memref_slice %arg7[%run_scoped3A_62, %dma_wait3A_90] : memref<1x128xi32, #tpu.memory_space<vmem>> -> memref<1x128xi32, #tpu.memory_space<vmem>>
        %dma_wait3A_92 = tpu.memref_squeeze %dma_wait3A_91 : memref<1x128xi32, #tpu.memory_space<vmem>> -> memref<128xi32, #tpu.memory_space<vmem>>
        %dma_wait3A_93 = tpu.memref_slice %arg3[%add3A_61] : memref<323584xi32, #tpu.memory_space<hbm>> -> memref<128xi32, #tpu.memory_space<hbm>>
        tpu.wait_dma2 semaphore(%run_scoped3A_77 : memref<!tpu.dma_semaphore, #tpu.memory_space<semaphore_mem>>) src(%dma_wait3A_93 : memref<128xi32, #tpu.memory_space<hbm>>) dst(%dma_wait3A_92 : memref<128xi32, #tpu.memory_space<vmem>>)
        tpu.yield
      }) : () -> ()
      %dma_start3A = arith.constant 0 : i32
      %dma_start3A_63 = arith.constant 0 : i32
      %dma_start3A_64 = tpu.memref_slice %arg6[%dma_start3A, %dma_start3A_63] : memref<1x128xi32, #tpu.memory_space<vmem>> -> memref<1x128xi32, #tpu.memory_space<vmem>>
      %dma_start3A_65 = tpu.memref_squeeze %dma_start3A_64 : memref<1x128xi32, #tpu.memory_space<vmem>> -> memref<128xi32, #tpu.memory_space<vmem>>
      %dma_start3A_66 = arith.constant 0 : i32
      %dma_start3A_67 = arith.constant 0 : i32
      %dma_start3A_68 = tpu.memref_slice %arg4[%dma_start3A_66, %dma_start3A_67] : memref<10240x128xf32, #tpu.memory_space<hbm>> -> memref<10240x128xf32, #tpu.memory_space<hbm>>
      tpu.enqueue_indirect_dma source(%dma_start3A_68 : memref<10240x128xf32, #tpu.memory_space<hbm>>) target(%arg8 : memref<128x128xf32, #tpu.memory_space<vmem>>) offsets(%dma_start3A_65 : memref<128xi32, #tpu.memory_space<vmem>>) semaphore(%arg11 : memref<!tpu.dma_semaphore, #tpu.memory_space<semaphore_mem>>)
      %dma_wait3A = arith.constant 0 : i32
      %dma_wait3A_69 = arith.constant 0 : i32
      %dma_wait3A_70 = tpu.memref_slice %arg6[%dma_wait3A, %dma_wait3A_69] : memref<1x128xi32, #tpu.memory_space<vmem>> -> memref<1x128xi32, #tpu.memory_space<vmem>>
      %dma_wait3A_71 = tpu.memref_squeeze %dma_wait3A_70 : memref<1x128xi32, #tpu.memory_space<vmem>> -> memref<128xi32, #tpu.memory_space<vmem>>
      %dma_wait3A_72 = arith.constant 0 : i32
      %dma_wait3A_73 = arith.constant 0 : i32
      %dma_wait3A_74 = tpu.memref_slice %arg4[%dma_wait3A_72, %dma_wait3A_73] : memref<10240x128xf32, #tpu.memory_space<hbm>> -> memref<10240x128xf32, #tpu.memory_space<hbm>>
      tpu.wait_indirect_dma semaphore(%arg11 : memref<!tpu.dma_semaphore, #tpu.memory_space<semaphore_mem>>) src(%dma_wait3A_74 : memref<10240x128xf32, #tpu.memory_space<hbm>>) dst(%arg8 : memref<128x128xf32, #tpu.memory_space<vmem>>)
      %run_scoped3A_75 = arith.constant 0 : i32
      "tpu.region"() ({
        %run_scoped3A_77 = tpu.sem_alloc : memref<!tpu.dma_semaphore, #tpu.memory_space<semaphore_mem>>
        %dma_start3A_78 = arith.constant 0 : i32
        %dma_start3A_79 = tpu.memref_slice %arg7[%run_scoped3A_75, %dma_start3A_78] : memref<1x128xi32, #tpu.memory_space<vmem>> -> memref<1x128xi32, #tpu.memory_space<vmem>>
        %dma_start3A_80 = tpu.memref_squeeze %dma_start3A_79 : memref<1x128xi32, #tpu.memory_space<vmem>> -> memref<128xi32, #tpu.memory_space<vmem>>
        %dma_start3A_81 = arith.constant 0 : i32
        %dma_start3A_82 = arith.constant 0 : i32
        %dma_start3A_83 = tpu.memref_slice %arg10[%dma_start3A_81, %dma_start3A_82] : memref<10240x128xf32, #tpu.memory_space<vmem_shared>> -> memref<10240x128xf32, #tpu.memory_space<vmem_shared>>
        tpu.enqueue_indirect_dma source(%arg8 : memref<128x128xf32, #tpu.memory_space<vmem>>) target(%dma_start3A_83 : memref<10240x128xf32, #tpu.memory_space<vmem_shared>>) offsets(%dma_start3A_80 : memref<128xi32, #tpu.memory_space<vmem>>) semaphore(%run_scoped3A_77 : memref<!tpu.dma_semaphore, #tpu.memory_space<semaphore_mem>>) {add = true}
        %dma_wait3A_84 = arith.constant 0 : i32
        %dma_wait3A_85 = tpu.memref_slice %arg7[%run_scoped3A_75, %dma_wait3A_84] : memref<1x128xi32, #tpu.memory_space<vmem>> -> memref<1x128xi32, #tpu.memory_space<vmem>>
        %dma_wait3A_86 = tpu.memref_squeeze %dma_wait3A_85 : memref<1x128xi32, #tpu.memory_space<vmem>> -> memref<128xi32, #tpu.memory_space<vmem>>
        %dma_wait3A_87 = arith.constant 0 : i32
        %dma_wait3A_88 = arith.constant 0 : i32
        %dma_wait3A_89 = tpu.memref_slice %arg10[%dma_wait3A_87, %dma_wait3A_88] : memref<10240x128xf32, #tpu.memory_space<vmem_shared>> -> memref<10240x128xf32, #tpu.memory_space<vmem_shared>>
        tpu.wait_indirect_dma semaphore(%run_scoped3A_77 : memref<!tpu.dma_semaphore, #tpu.memory_space<semaphore_mem>>) src(%arg8 : memref<128x128xf32, #tpu.memory_space<vmem>>) dst(%dma_wait3A_89 : memref<10240x128xf32, #tpu.memory_space<vmem_shared>>)
        tpu.yield
      }) : () -> ()
      %scan3A_76 = arith.constant 0 : i32
      scf.yield %scan3A_76 : i32
    }
    %scan3A_35 = arith.constant 79 : i32
    %barrier3A_36 = arith.constant 0 : index
    tpu.barrier barrier_id(%barrier3A_36)
    %mul3A_37 = arith.constant 640 : i32
    %mul3A_38 = arith.muli %arg1, %mul3A_37 : i32
    %add3A_39 = arith.constant 0 : i32
    %add3A_40 = arith.addi %mul3A_38, %add3A_39 : i32
    "tpu.region"() ({
      %run_scoped3A = tpu.sem_alloc : memref<!tpu.dma_semaphore, #tpu.memory_space<semaphore_mem>>
      %dma_start3A = arith.constant 0 : i32
      %dma_start3A_57 = arith.constant 0 : i32
      %dma_start3A_58 = tpu.memref_slice %arg5[%arg0, %dma_start3A, %dma_start3A_57] : memref<2x10240x128xf32, #tpu.memory_space<hbm>> -> memref<1x10240x128xf32, #tpu.memory_space<hbm>>
      %dma_start3A_59 = tpu.memref_squeeze %dma_start3A_58 : memref<1x10240x128xf32, #tpu.memory_space<hbm>> -> memref<10240x128xf32, #tpu.memory_space<hbm>>
      %dma_start3A_60 = arith.constant 0 : i32
      %dma_start3A_61 = tpu.memref_slice %dma_start3A_59[%add3A_40, %dma_start3A_60] : memref<10240x128xf32, #tpu.memory_space<hbm>> -> memref<128x128xf32, #tpu.memory_space<hbm>>
      %dma_start3A_62 = arith.constant 0 : i32
      %dma_start3A_63 = tpu.memref_slice %arg10[%add3A_40, %dma_start3A_62] : memref<10240x128xf32, #tpu.memory_space<vmem_shared>> -> memref<128x128xf32, #tpu.memory_space<vmem_shared>>
      tpu.enqueue_dma source(%dma_start3A_63 : memref<128x128xf32, #tpu.memory_space<vmem_shared>>) target(%dma_start3A_61 : memref<128x128xf32, #tpu.memory_space<hbm>>) target_semaphore(%run_scoped3A : memref<!tpu.dma_semaphore, #tpu.memory_space<semaphore_mem>>)
      %dma_wait3A = arith.constant 0 : i32
      %dma_wait3A_64 = arith.constant 0 : i32
      %dma_wait3A_65 = tpu.memref_slice %arg5[%arg0, %dma_wait3A, %dma_wait3A_64] : memref<2x10240x128xf32, #tpu.memory_space<hbm>> -> memref<1x10240x128xf32, #tpu.memory_space<hbm>>
      %dma_wait3A_66 = tpu.memref_squeeze %dma_wait3A_65 : memref<1x10240x128xf32, #tpu.memory_space<hbm>> -> memref<10240x128xf32, #tpu.memory_space<hbm>>
      %dma_wait3A_67 = arith.constant 0 : i32
      %dma_wait3A_68 = tpu.memref_slice %dma_wait3A_66[%add3A_40, %dma_wait3A_67] : memref<10240x128xf32, #tpu.memory_space<hbm>> -> memref<128x128xf32, #tpu.memory_space<hbm>>
      %dma_wait3A_69 = arith.constant 0 : i32
      %dma_wait3A_70 = tpu.memref_slice %arg10[%add3A_40, %dma_wait3A_69] : memref<10240x128xf32, #tpu.memory_space<vmem_shared>> -> memref<128x128xf32, #tpu.memory_space<vmem_shared>>
      tpu.wait_dma2 semaphore(%run_scoped3A : memref<!tpu.dma_semaphore, #tpu.memory_space<semaphore_mem>>) src(%dma_wait3A_70 : memref<128x128xf32, #tpu.memory_space<vmem_shared>>) dst(%dma_wait3A_68 : memref<128x128xf32, #tpu.memory_space<hbm>>)
      tpu.yield
    }) : () -> ()
    %mul3A_41 = arith.constant 640 : i32
    %mul3A_42 = arith.muli %arg1, %mul3A_41 : i32
    %add3A_43 = arith.constant 128 : i32
    %add3A_44 = arith.addi %mul3A_42, %add3A_43 : i32
    "tpu.region"() ({
      %run_scoped3A = tpu.sem_alloc : memref<!tpu.dma_semaphore, #tpu.memory_space<semaphore_mem>>
      %dma_start3A = arith.constant 0 : i32
      %dma_start3A_57 = arith.constant 0 : i32
      %dma_start3A_58 = tpu.memref_slice %arg5[%arg0, %dma_start3A, %dma_start3A_57] : memref<2x10240x128xf32, #tpu.memory_space<hbm>> -> memref<1x10240x128xf32, #tpu.memory_space<hbm>>
      %dma_start3A_59 = tpu.memref_squeeze %dma_start3A_58 : memref<1x10240x128xf32, #tpu.memory_space<hbm>> -> memref<10240x128xf32, #tpu.memory_space<hbm>>
      %dma_start3A_60 = arith.constant 0 : i32
      %dma_start3A_61 = tpu.memref_slice %dma_start3A_59[%add3A_44, %dma_start3A_60] : memref<10240x128xf32, #tpu.memory_space<hbm>> -> memref<128x128xf32, #tpu.memory_space<hbm>>
      %dma_start3A_62 = arith.constant 0 : i32
      %dma_start3A_63 = tpu.memref_slice %arg10[%add3A_44, %dma_start3A_62] : memref<10240x128xf32, #tpu.memory_space<vmem_shared>> -> memref<128x128xf32, #tpu.memory_space<vmem_shared>>
      tpu.enqueue_dma source(%dma_start3A_63 : memref<128x128xf32, #tpu.memory_space<vmem_shared>>) target(%dma_start3A_61 : memref<128x128xf32, #tpu.memory_space<hbm>>) target_semaphore(%run_scoped3A : memref<!tpu.dma_semaphore, #tpu.memory_space<semaphore_mem>>)
      %dma_wait3A = arith.constant 0 : i32
      %dma_wait3A_64 = arith.constant 0 : i32
      %dma_wait3A_65 = tpu.memref_slice %arg5[%arg0, %dma_wait3A, %dma_wait3A_64] : memref<2x10240x128xf32, #tpu.memory_space<hbm>> -> memref<1x10240x128xf32, #tpu.memory_space<hbm>>
      %dma_wait3A_66 = tpu.memref_squeeze %dma_wait3A_65 : memref<1x10240x128xf32, #tpu.memory_space<hbm>> -> memref<10240x128xf32, #tpu.memory_space<hbm>>
      %dma_wait3A_67 = arith.constant 0 : i32
      %dma_wait3A_68 = tpu.memref_slice %dma_wait3A_66[%add3A_44, %dma_wait3A_67] : memref<10240x128xf32, #tpu.memory_space<hbm>> -> memref<128x128xf32, #tpu.memory_space<hbm>>
      %dma_wait3A_69 = arith.constant 0 : i32
      %dma_wait3A_70 = tpu.memref_slice %arg10[%add3A_44, %dma_wait3A_69] : memref<10240x128xf32, #tpu.memory_space<vmem_shared>> -> memref<128x128xf32, #tpu.memory_space<vmem_shared>>
      tpu.wait_dma2 semaphore(%run_scoped3A : memref<!tpu.dma_semaphore, #tpu.memory_space<semaphore_mem>>) src(%dma_wait3A_70 : memref<128x128xf32, #tpu.memory_space<vmem_shared>>) dst(%dma_wait3A_68 : memref<128x128xf32, #tpu.memory_space<hbm>>)
      tpu.yield
    }) : () -> ()
    %mul3A_45 = arith.constant 640 : i32
    %mul3A_46 = arith.muli %arg1, %mul3A_45 : i32
    %add3A_47 = arith.constant 256 : i32
    %add3A_48 = arith.addi %mul3A_46, %add3A_47 : i32
    "tpu.region"() ({
      %run_scoped3A = tpu.sem_alloc : memref<!tpu.dma_semaphore, #tpu.memory_space<semaphore_mem>>
      %dma_start3A = arith.constant 0 : i32
      %dma_start3A_57 = arith.constant 0 : i32
      %dma_start3A_58 = tpu.memref_slice %arg5[%arg0, %dma_start3A, %dma_start3A_57] : memref<2x10240x128xf32, #tpu.memory_space<hbm>> -> memref<1x10240x128xf32, #tpu.memory_space<hbm>>
      %dma_start3A_59 = tpu.memref_squeeze %dma_start3A_58 : memref<1x10240x128xf32, #tpu.memory_space<hbm>> -> memref<10240x128xf32, #tpu.memory_space<hbm>>
      %dma_start3A_60 = arith.constant 0 : i32
      %dma_start3A_61 = tpu.memref_slice %dma_start3A_59[%add3A_48, %dma_start3A_60] : memref<10240x128xf32, #tpu.memory_space<hbm>> -> memref<128x128xf32, #tpu.memory_space<hbm>>
      %dma_start3A_62 = arith.constant 0 : i32
      %dma_start3A_63 = tpu.memref_slice %arg10[%add3A_48, %dma_start3A_62] : memref<10240x128xf32, #tpu.memory_space<vmem_shared>> -> memref<128x128xf32, #tpu.memory_space<vmem_shared>>
      tpu.enqueue_dma source(%dma_start3A_63 : memref<128x128xf32, #tpu.memory_space<vmem_shared>>) target(%dma_start3A_61 : memref<128x128xf32, #tpu.memory_space<hbm>>) target_semaphore(%run_scoped3A : memref<!tpu.dma_semaphore, #tpu.memory_space<semaphore_mem>>)
      %dma_wait3A = arith.constant 0 : i32
      %dma_wait3A_64 = arith.constant 0 : i32
      %dma_wait3A_65 = tpu.memref_slice %arg5[%arg0, %dma_wait3A, %dma_wait3A_64] : memref<2x10240x128xf32, #tpu.memory_space<hbm>> -> memref<1x10240x128xf32, #tpu.memory_space<hbm>>
      %dma_wait3A_66 = tpu.memref_squeeze %dma_wait3A_65 : memref<1x10240x128xf32, #tpu.memory_space<hbm>> -> memref<10240x128xf32, #tpu.memory_space<hbm>>
      %dma_wait3A_67 = arith.constant 0 : i32
      %dma_wait3A_68 = tpu.memref_slice %dma_wait3A_66[%add3A_48, %dma_wait3A_67] : memref<10240x128xf32, #tpu.memory_space<hbm>> -> memref<128x128xf32, #tpu.memory_space<hbm>>
      %dma_wait3A_69 = arith.constant 0 : i32
      %dma_wait3A_70 = tpu.memref_slice %arg10[%add3A_48, %dma_wait3A_69] : memref<10240x128xf32, #tpu.memory_space<vmem_shared>> -> memref<128x128xf32, #tpu.memory_space<vmem_shared>>
      tpu.wait_dma2 semaphore(%run_scoped3A : memref<!tpu.dma_semaphore, #tpu.memory_space<semaphore_mem>>) src(%dma_wait3A_70 : memref<128x128xf32, #tpu.memory_space<vmem_shared>>) dst(%dma_wait3A_68 : memref<128x128xf32, #tpu.memory_space<hbm>>)
      tpu.yield
    }) : () -> ()
    %mul3A_49 = arith.constant 640 : i32
    %mul3A_50 = arith.muli %arg1, %mul3A_49 : i32
    %add3A_51 = arith.constant 384 : i32
    %add3A_52 = arith.addi %mul3A_50, %add3A_51 : i32
    "tpu.region"() ({
      %run_scoped3A = tpu.sem_alloc : memref<!tpu.dma_semaphore, #tpu.memory_space<semaphore_mem>>
      %dma_start3A = arith.constant 0 : i32
      %dma_start3A_57 = arith.constant 0 : i32
      %dma_start3A_58 = tpu.memref_slice %arg5[%arg0, %dma_start3A, %dma_start3A_57] : memref<2x10240x128xf32, #tpu.memory_space<hbm>> -> memref<1x10240x128xf32, #tpu.memory_space<hbm>>
      %dma_start3A_59 = tpu.memref_squeeze %dma_start3A_58 : memref<1x10240x128xf32, #tpu.memory_space<hbm>> -> memref<10240x128xf32, #tpu.memory_space<hbm>>
      %dma_start3A_60 = arith.constant 0 : i32
      %dma_start3A_61 = tpu.memref_slice %dma_start3A_59[%add3A_52, %dma_start3A_60] : memref<10240x128xf32, #tpu.memory_space<hbm>> -> memref<128x128xf32, #tpu.memory_space<hbm>>
      %dma_start3A_62 = arith.constant 0 : i32
      %dma_start3A_63 = tpu.memref_slice %arg10[%add3A_52, %dma_start3A_62] : memref<10240x128xf32, #tpu.memory_space<vmem_shared>> -> memref<128x128xf32, #tpu.memory_space<vmem_shared>>
      tpu.enqueue_dma source(%dma_start3A_63 : memref<128x128xf32, #tpu.memory_space<vmem_shared>>) target(%dma_start3A_61 : memref<128x128xf32, #tpu.memory_space<hbm>>) target_semaphore(%run_scoped3A : memref<!tpu.dma_semaphore, #tpu.memory_space<semaphore_mem>>)
      %dma_wait3A = arith.constant 0 : i32
      %dma_wait3A_64 = arith.constant 0 : i32
      %dma_wait3A_65 = tpu.memref_slice %arg5[%arg0, %dma_wait3A, %dma_wait3A_64] : memref<2x10240x128xf32, #tpu.memory_space<hbm>> -> memref<1x10240x128xf32, #tpu.memory_space<hbm>>
      %dma_wait3A_66 = tpu.memref_squeeze %dma_wait3A_65 : memref<1x10240x128xf32, #tpu.memory_space<hbm>> -> memref<10240x128xf32, #tpu.memory_space<hbm>>
      %dma_wait3A_67 = arith.constant 0 : i32
      %dma_wait3A_68 = tpu.memref_slice %dma_wait3A_66[%add3A_52, %dma_wait3A_67] : memref<10240x128xf32, #tpu.memory_space<hbm>> -> memref<128x128xf32, #tpu.memory_space<hbm>>
      %dma_wait3A_69 = arith.constant 0 : i32
      %dma_wait3A_70 = tpu.memref_slice %arg10[%add3A_52, %dma_wait3A_69] : memref<10240x128xf32, #tpu.memory_space<vmem_shared>> -> memref<128x128xf32, #tpu.memory_space<vmem_shared>>
      tpu.wait_dma2 semaphore(%run_scoped3A : memref<!tpu.dma_semaphore, #tpu.memory_space<semaphore_mem>>) src(%dma_wait3A_70 : memref<128x128xf32, #tpu.memory_space<vmem_shared>>) dst(%dma_wait3A_68 : memref<128x128xf32, #tpu.memory_space<hbm>>)
      tpu.yield
    }) : () -> ()
    %mul3A_53 = arith.constant 640 : i32
    %mul3A_54 = arith.muli %arg1, %mul3A_53 : i32
    %add3A_55 = arith.constant 512 : i32
    %add3A_56 = arith.addi %mul3A_54, %add3A_55 : i32
    "tpu.region"() ({
      %run_scoped3A = tpu.sem_alloc : memref<!tpu.dma_semaphore, #tpu.memory_space<semaphore_mem>>
      %dma_start3A = arith.constant 0 : i32
      %dma_start3A_57 = arith.constant 0 : i32
      %dma_start3A_58 = tpu.memref_slice %arg5[%arg0, %dma_start3A, %dma_start3A_57] : memref<2x10240x128xf32, #tpu.memory_space<hbm>> -> memref<1x10240x128xf32, #tpu.memory_space<hbm>>
      %dma_start3A_59 = tpu.memref_squeeze %dma_start3A_58 : memref<1x10240x128xf32, #tpu.memory_space<hbm>> -> memref<10240x128xf32, #tpu.memory_space<hbm>>
      %dma_start3A_60 = arith.constant 0 : i32
      %dma_start3A_61 = tpu.memref_slice %dma_start3A_59[%add3A_56, %dma_start3A_60] : memref<10240x128xf32, #tpu.memory_space<hbm>> -> memref<128x128xf32, #tpu.memory_space<hbm>>
      %dma_start3A_62 = arith.constant 0 : i32
      %dma_start3A_63 = tpu.memref_slice %arg10[%add3A_56, %dma_start3A_62] : memref<10240x128xf32, #tpu.memory_space<vmem_shared>> -> memref<128x128xf32, #tpu.memory_space<vmem_shared>>
      tpu.enqueue_dma source(%dma_start3A_63 : memref<128x128xf32, #tpu.memory_space<vmem_shared>>) target(%dma_start3A_61 : memref<128x128xf32, #tpu.memory_space<hbm>>) target_semaphore(%run_scoped3A : memref<!tpu.dma_semaphore, #tpu.memory_space<semaphore_mem>>)
      %dma_wait3A = arith.constant 0 : i32
      %dma_wait3A_64 = arith.constant 0 : i32
      %dma_wait3A_65 = tpu.memref_slice %arg5[%arg0, %dma_wait3A, %dma_wait3A_64] : memref<2x10240x128xf32, #tpu.memory_space<hbm>> -> memref<1x10240x128xf32, #tpu.memory_space<hbm>>
      %dma_wait3A_66 = tpu.memref_squeeze %dma_wait3A_65 : memref<1x10240x128xf32, #tpu.memory_space<hbm>> -> memref<10240x128xf32, #tpu.memory_space<hbm>>
      %dma_wait3A_67 = arith.constant 0 : i32
      %dma_wait3A_68 = tpu.memref_slice %dma_wait3A_66[%add3A_56, %dma_wait3A_67] : memref<10240x128xf32, #tpu.memory_space<hbm>> -> memref<128x128xf32, #tpu.memory_space<hbm>>
      %dma_wait3A_69 = arith.constant 0 : i32
      %dma_wait3A_70 = tpu.memref_slice %arg10[%add3A_56, %dma_wait3A_69] : memref<10240x128xf32, #tpu.memory_space<vmem_shared>> -> memref<128x128xf32, #tpu.memory_space<vmem_shared>>
      tpu.wait_dma2 semaphore(%run_scoped3A : memref<!tpu.dma_semaphore, #tpu.memory_space<semaphore_mem>>) src(%dma_wait3A_70 : memref<128x128xf32, #tpu.memory_space<vmem_shared>>) dst(%dma_wait3A_68 : memref<128x128xf32, #tpu.memory_space<hbm>>)
      tpu.yield
    }) : () -> ()
    return
  }
}

#map = affine_map<(d0, d1) -> (0)>
#map1 = affine_map<(d0, d1) -> (0, 0)>
#map2 = affine_map<(d0, d1) -> (0, 0, 0)>
module attributes {stable_mosaic.version = 14 : i64} {
  func.func @_sc_agg_body(%arg0: i32, %arg1: i32, %arg2: memref<323584xi32, #tpu.memory_space<hbm>>, %arg3: memref<323584xi32, #tpu.memory_space<hbm>>, %arg4: memref<10240x128xf32, #tpu.memory_space<hbm>>, %arg5: memref<2x10240x128xf32, #tpu.memory_space<hbm>>, %arg6: memref<1x128xi32, #tpu.memory_space<vmem>>, %arg7: memref<1x128xi32, #tpu.memory_space<vmem>>, %arg8: memref<128x128xf32, #tpu.memory_space<vmem>>, %arg9: memref<128x128xf32, #tpu.memory_space<vmem>>, %arg10: memref<10240x128xf32, #tpu.memory_space<vmem_shared>>, %arg11: memref<!tpu.dma_semaphore, #tpu.memory_space<semaphore_mem>>) attributes {dimension_semantics = [#tpu.dimension_semantics<core_parallel>, #tpu.dimension_semantics<subcore_parallel>], iteration_bounds = array<i64: 2, 16>, scalar_prefetch = 0 : i64, scratch_operands = 6 : i64, tpu.core_type = #tpu.core_type<sc_vector_subcore>, window_params = [{transform_indices = #map}, {transform_indices = #map}, {transform_indices = #map1}, {transform_indices = #map2}]} {
    %mul3A = arith.constant 16 : i32
    %mul3A_0 = arith.muli %arg0, %mul3A : i32
    %add3A = arith.addi %mul3A_0, %arg1 : i32
    %scan3A = arith.constant 0 : i32
    %scan3A_1 = arith.constant 0 : i32
    %scan3A_2 = arith.constant 1024 : i32
    %scan3A_3 = arith.addi %scan3A_1, %scan3A_2 : i32
    %scan3A_4 = arith.constant 4 : i32
    %scan3A_5 = scf.for %scan3A_57 = %scan3A_1 to %scan3A_3 step %scan3A_4 iter_args(%scan3A_58 = %scan3A) -> (i32)  : i32 {
      %jit3A = arith.constant 8 : i32
      %div3A = arith.divsi %scan3A_57, %jit3A : i32
      %sign3A = arith.constant 0 : i32
      %sign3A_59 = arith.cmpi sgt, %scan3A_57, %sign3A : i32
      %sign3A_60 = arith.extui %sign3A_59 : i1 to i32
      %sign3A_61 = arith.constant 0 : i32
      %sign3A_62 = arith.cmpi slt, %scan3A_57, %sign3A_61 : i32
      %sign3A_63 = arith.extui %sign3A_62 : i1 to i32
      %sign3A_64 = arith.subi %sign3A_60, %sign3A_63 : i32
      %sign3A_65 = arith.constant 0 : i32
      %sign3A_66 = arith.cmpi sgt, %jit3A, %sign3A_65 : i32
      %sign3A_67 = arith.extui %sign3A_66 : i1 to i32
      %sign3A_68 = arith.constant 0 : i32
      %sign3A_69 = arith.cmpi slt, %jit3A, %sign3A_68 : i32
      %sign3A_70 = arith.extui %sign3A_69 : i1 to i32
      %sign3A_71 = arith.subi %sign3A_67, %sign3A_70 : i32
      %ne3A = arith.cmpi ne, %sign3A_64, %sign3A_71 : i32
      %rem3A = arith.remsi %scan3A_57, %jit3A : i32
      %ne3A_72 = arith.constant 0 : i32
      %ne3A_73 = arith.cmpi ne, %rem3A, %ne3A_72 : i32
      %and3A = arith.andi %ne3A, %ne3A_73 : i1
      %sub3A = arith.constant 1 : i32
      %sub3A_74 = arith.subi %div3A, %sub3A : i32
      %select_n3A = arith.select %and3A, %sub3A_74, %div3A : i32
      %jit3A_75 = arith.constant 8 : i32
      %eq3A = arith.constant 0 : i32
      %eq3A_76 = arith.cmpi eq, %jit3A_75, %eq3A : i32
      %jit3A_77 = arith.constant 1 : i32
      %select_n3A_78 = arith.select %eq3A_76, %jit3A_77, %jit3A_75 : i32
      %rem3A_79 = arith.remsi %scan3A_57, %select_n3A_78 : i32
      %ne3A_80 = arith.constant 0 : i32
      %ne3A_81 = arith.cmpi ne, %rem3A_79, %ne3A_80 : i32
      %lt3A = arith.constant 0 : i32
      %lt3A_82 = arith.cmpi slt, %rem3A_79, %lt3A : i32
      %lt3A_83 = arith.constant 0 : i32
      %lt3A_84 = arith.cmpi slt, %select_n3A_78, %lt3A_83 : i32
      %ne3A_85 = arith.xori %lt3A_82, %lt3A_84 : i1
      %and3A_86 = arith.andi %ne3A_85, %ne3A_81 : i1
      %add3A_87 = arith.addi %rem3A_79, %select_n3A_78 : i32
      %select_n3A_88 = arith.select %and3A_86, %add3A_87, %rem3A_79 : i32
      %broadcast_in_dim3A = arith.constant 0.000000e+00 : f32
      %broadcast_in_dim3A_89 = vector.broadcast %broadcast_in_dim3A : f32 to vector<16xf32>
      %mul3A_90 = arith.constant 16 : i32
      %mul3A_91 = arith.muli %select_n3A_88, %mul3A_90 : i32
      %swap3A = arith.index_cast %select_n3A : i32 to index
      %swap3A_92 = arith.index_cast %mul3A_91 : i32 to index
      %swap3A_93 = tpu.vector_load %arg9[%swap3A, %swap3A_92] {strides = array<i32>} : memref<128x128xf32, #tpu.memory_space<vmem>>, vector<1x16xf32>,
      %swap3A_94 = vector.shape_cast %swap3A_93 : vector<1x16xf32> to vector<16xf32>
      %swap3A_95 = vector.shape_cast %broadcast_in_dim3A_89 : vector<16xf32> to vector<1x16xf32>
      tpu.vector_store %arg9[%swap3A, %swap3A_92], %swap3A_95 {strides = array<i32>} : memref<128x128xf32, #tpu.memory_space<vmem>>, vector<1x16xf32>,
      %scan3A_96 = arith.constant 0 : i32
      %scan3A_97 = arith.constant 1 : i32
      %scan3A_98 = arith.addi %scan3A_57, %scan3A_97 : i32
      %jit3A_99 = arith.constant 8 : i32
      %div3A_100 = arith.divsi %scan3A_98, %jit3A_99 : i32
      %sign3A_101 = arith.constant 0 : i32
      %sign3A_102 = arith.cmpi sgt, %scan3A_98, %sign3A_101 : i32
      %sign3A_103 = arith.extui %sign3A_102 : i1 to i32
      %sign3A_104 = arith.constant 0 : i32
      %sign3A_105 = arith.cmpi slt, %scan3A_98, %sign3A_104 : i32
      %sign3A_106 = arith.extui %sign3A_105 : i1 to i32
      %sign3A_107 = arith.subi %sign3A_103, %sign3A_106 : i32
      %sign3A_108 = arith.constant 0 : i32
      %sign3A_109 = arith.cmpi sgt, %jit3A_99, %sign3A_108 : i32
      %sign3A_110 = arith.extui %sign3A_109 : i1 to i32
      %sign3A_111 = arith.constant 0 : i32
      %sign3A_112 = arith.cmpi slt, %jit3A_99, %sign3A_111 : i32
      %sign3A_113 = arith.extui %sign3A_112 : i1 to i32
      %sign3A_114 = arith.subi %sign3A_110, %sign3A_113 : i32
      %ne3A_115 = arith.cmpi ne, %sign3A_107, %sign3A_114 : i32
      %rem3A_116 = arith.remsi %scan3A_98, %jit3A_99 : i32
      %ne3A_117 = arith.constant 0 : i32
      %ne3A_118 = arith.cmpi ne, %rem3A_116, %ne3A_117 : i32
      %and3A_119 = arith.andi %ne3A_115, %ne3A_118 : i1
      %sub3A_120 = arith.constant 1 : i32
      %sub3A_121 = arith.subi %div3A_100, %sub3A_120 : i32
      %select_n3A_122 = arith.select %and3A_119, %sub3A_121, %div3A_100 : i32
      %jit3A_123 = arith.constant 8 : i32
      %eq3A_124 = arith.constant 0 : i32
      %eq3A_125 = arith.cmpi eq, %jit3A_123, %eq3A_124 : i32
      %jit3A_126 = arith.constant 1 : i32
      %select_n3A_127 = arith.select %eq3A_125, %jit3A_126, %jit3A_123 : i32
      %rem3A_128 = arith.remsi %scan3A_98, %select_n3A_127 : i32
      %ne3A_129 = arith.constant 0 : i32
      %ne3A_130 = arith.cmpi ne, %rem3A_128, %ne3A_129 : i32
      %lt3A_131 = arith.constant 0 : i32
      %lt3A_132 = arith.cmpi slt, %rem3A_128, %lt3A_131 : i32
      %lt3A_133 = arith.constant 0 : i32
      %lt3A_134 = arith.cmpi slt, %select_n3A_127, %lt3A_133 : i32
      %ne3A_135 = arith.xori %lt3A_132, %lt3A_134 : i1
      %and3A_136 = arith.andi %ne3A_135, %ne3A_130 : i1
      %add3A_137 = arith.addi %rem3A_128, %select_n3A_127 : i32
      %select_n3A_138 = arith.select %and3A_136, %add3A_137, %rem3A_128 : i32
      %broadcast_in_dim3A_139 = arith.constant 0.000000e+00 : f32
      %broadcast_in_dim3A_140 = vector.broadcast %broadcast_in_dim3A_139 : f32 to vector<16xf32>
      %mul3A_141 = arith.constant 16 : i32
      %mul3A_142 = arith.muli %select_n3A_138, %mul3A_141 : i32
      %swap3A_143 = arith.index_cast %select_n3A_122 : i32 to index
      %swap3A_144 = arith.index_cast %mul3A_142 : i32 to index
      %swap3A_145 = tpu.vector_load %arg9[%swap3A_143, %swap3A_144] {strides = array<i32>} : memref<128x128xf32, #tpu.memory_space<vmem>>, vector<1x16xf32>,
      %swap3A_146 = vector.shape_cast %swap3A_145 : vector<1x16xf32> to vector<16xf32>
      %swap3A_147 = vector.shape_cast %broadcast_in_dim3A_140 : vector<16xf32> to vector<1x16xf32>
      tpu.vector_store %arg9[%swap3A_143, %swap3A_144], %swap3A_147 {strides = array<i32>} : memref<128x128xf32, #tpu.memory_space<vmem>>, vector<1x16xf32>,
      %scan3A_148 = arith.constant 0 : i32
      %scan3A_149 = arith.constant 2 : i32
      %scan3A_150 = arith.addi %scan3A_57, %scan3A_149 : i32
      %jit3A_151 = arith.constant 8 : i32
      %div3A_152 = arith.divsi %scan3A_150, %jit3A_151 : i32
      %sign3A_153 = arith.constant 0 : i32
      %sign3A_154 = arith.cmpi sgt, %scan3A_150, %sign3A_153 : i32
      %sign3A_155 = arith.extui %sign3A_154 : i1 to i32
      %sign3A_156 = arith.constant 0 : i32
      %sign3A_157 = arith.cmpi slt, %scan3A_150, %sign3A_156 : i32
      %sign3A_158 = arith.extui %sign3A_157 : i1 to i32
      %sign3A_159 = arith.subi %sign3A_155, %sign3A_158 : i32
      %sign3A_160 = arith.constant 0 : i32
      %sign3A_161 = arith.cmpi sgt, %jit3A_151, %sign3A_160 : i32
      %sign3A_162 = arith.extui %sign3A_161 : i1 to i32
      %sign3A_163 = arith.constant 0 : i32
      %sign3A_164 = arith.cmpi slt, %jit3A_151, %sign3A_163 : i32
      %sign3A_165 = arith.extui %sign3A_164 : i1 to i32
      %sign3A_166 = arith.subi %sign3A_162, %sign3A_165 : i32
      %ne3A_167 = arith.cmpi ne, %sign3A_159, %sign3A_166 : i32
      %rem3A_168 = arith.remsi %scan3A_150, %jit3A_151 : i32
      %ne3A_169 = arith.constant 0 : i32
      %ne3A_170 = arith.cmpi ne, %rem3A_168, %ne3A_169 : i32
      %and3A_171 = arith.andi %ne3A_167, %ne3A_170 : i1
      %sub3A_172 = arith.constant 1 : i32
      %sub3A_173 = arith.subi %div3A_152, %sub3A_172 : i32
      %select_n3A_174 = arith.select %and3A_171, %sub3A_173, %div3A_152 : i32
      %jit3A_175 = arith.constant 8 : i32
      %eq3A_176 = arith.constant 0 : i32
      %eq3A_177 = arith.cmpi eq, %jit3A_175, %eq3A_176 : i32
      %jit3A_178 = arith.constant 1 : i32
      %select_n3A_179 = arith.select %eq3A_177, %jit3A_178, %jit3A_175 : i32
      %rem3A_180 = arith.remsi %scan3A_150, %select_n3A_179 : i32
      %ne3A_181 = arith.constant 0 : i32
      %ne3A_182 = arith.cmpi ne, %rem3A_180, %ne3A_181 : i32
      %lt3A_183 = arith.constant 0 : i32
      %lt3A_184 = arith.cmpi slt, %rem3A_180, %lt3A_183 : i32
      %lt3A_185 = arith.constant 0 : i32
      %lt3A_186 = arith.cmpi slt, %select_n3A_179, %lt3A_185 : i32
      %ne3A_187 = arith.xori %lt3A_184, %lt3A_186 : i1
      %and3A_188 = arith.andi %ne3A_187, %ne3A_182 : i1
      %add3A_189 = arith.addi %rem3A_180, %select_n3A_179 : i32
      %select_n3A_190 = arith.select %and3A_188, %add3A_189, %rem3A_180 : i32
      %broadcast_in_dim3A_191 = arith.constant 0.000000e+00 : f32
      %broadcast_in_dim3A_192 = vector.broadcast %broadcast_in_dim3A_191 : f32 to vector<16xf32>
      %mul3A_193 = arith.constant 16 : i32
      %mul3A_194 = arith.muli %select_n3A_190, %mul3A_193 : i32
      %swap3A_195 = arith.index_cast %select_n3A_174 : i32 to index
      %swap3A_196 = arith.index_cast %mul3A_194 : i32 to index
      %swap3A_197 = tpu.vector_load %arg9[%swap3A_195, %swap3A_196] {strides = array<i32>} : memref<128x128xf32, #tpu.memory_space<vmem>>, vector<1x16xf32>,
      %swap3A_198 = vector.shape_cast %swap3A_197 : vector<1x16xf32> to vector<16xf32>
      %swap3A_199 = vector.shape_cast %broadcast_in_dim3A_192 : vector<16xf32> to vector<1x16xf32>
      tpu.vector_store %arg9[%swap3A_195, %swap3A_196], %swap3A_199 {strides = array<i32>} : memref<128x128xf32, #tpu.memory_space<vmem>>, vector<1x16xf32>,
      %scan3A_200 = arith.constant 0 : i32
      %scan3A_201 = arith.constant 3 : i32
      %scan3A_202 = arith.addi %scan3A_57, %scan3A_201 : i32
      %jit3A_203 = arith.constant 8 : i32
      %div3A_204 = arith.divsi %scan3A_202, %jit3A_203 : i32
      %sign3A_205 = arith.constant 0 : i32
      %sign3A_206 = arith.cmpi sgt, %scan3A_202, %sign3A_205 : i32
      %sign3A_207 = arith.extui %sign3A_206 : i1 to i32
      %sign3A_208 = arith.constant 0 : i32
      %sign3A_209 = arith.cmpi slt, %scan3A_202, %sign3A_208 : i32
      %sign3A_210 = arith.extui %sign3A_209 : i1 to i32
      %sign3A_211 = arith.subi %sign3A_207, %sign3A_210 : i32
      %sign3A_212 = arith.constant 0 : i32
      %sign3A_213 = arith.cmpi sgt, %jit3A_203, %sign3A_212 : i32
      %sign3A_214 = arith.extui %sign3A_213 : i1 to i32
      %sign3A_215 = arith.constant 0 : i32
      %sign3A_216 = arith.cmpi slt, %jit3A_203, %sign3A_215 : i32
      %sign3A_217 = arith.extui %sign3A_216 : i1 to i32
      %sign3A_218 = arith.subi %sign3A_214, %sign3A_217 : i32
      %ne3A_219 = arith.cmpi ne, %sign3A_211, %sign3A_218 : i32
      %rem3A_220 = arith.remsi %scan3A_202, %jit3A_203 : i32
      %ne3A_221 = arith.constant 0 : i32
      %ne3A_222 = arith.cmpi ne, %rem3A_220, %ne3A_221 : i32
      %and3A_223 = arith.andi %ne3A_219, %ne3A_222 : i1
      %sub3A_224 = arith.constant 1 : i32
      %sub3A_225 = arith.subi %div3A_204, %sub3A_224 : i32
      %select_n3A_226 = arith.select %and3A_223, %sub3A_225, %div3A_204 : i32
      %jit3A_227 = arith.constant 8 : i32
      %eq3A_228 = arith.constant 0 : i32
      %eq3A_229 = arith.cmpi eq, %jit3A_227, %eq3A_228 : i32
      %jit3A_230 = arith.constant 1 : i32
      %select_n3A_231 = arith.select %eq3A_229, %jit3A_230, %jit3A_227 : i32
      %rem3A_232 = arith.remsi %scan3A_202, %select_n3A_231 : i32
      %ne3A_233 = arith.constant 0 : i32
      %ne3A_234 = arith.cmpi ne, %rem3A_232, %ne3A_233 : i32
      %lt3A_235 = arith.constant 0 : i32
      %lt3A_236 = arith.cmpi slt, %rem3A_232, %lt3A_235 : i32
      %lt3A_237 = arith.constant 0 : i32
      %lt3A_238 = arith.cmpi slt, %select_n3A_231, %lt3A_237 : i32
      %ne3A_239 = arith.xori %lt3A_236, %lt3A_238 : i1
      %and3A_240 = arith.andi %ne3A_239, %ne3A_234 : i1
      %add3A_241 = arith.addi %rem3A_232, %select_n3A_231 : i32
      %select_n3A_242 = arith.select %and3A_240, %add3A_241, %rem3A_232 : i32
      %broadcast_in_dim3A_243 = arith.constant 0.000000e+00 : f32
      %broadcast_in_dim3A_244 = vector.broadcast %broadcast_in_dim3A_243 : f32 to vector<16xf32>
      %mul3A_245 = arith.constant 16 : i32
      %mul3A_246 = arith.muli %select_n3A_242, %mul3A_245 : i32
      %swap3A_247 = arith.index_cast %select_n3A_226 : i32 to index
      %swap3A_248 = arith.index_cast %mul3A_246 : i32 to index
      %swap3A_249 = tpu.vector_load %arg9[%swap3A_247, %swap3A_248] {strides = array<i32>} : memref<128x128xf32, #tpu.memory_space<vmem>>, vector<1x16xf32>,
      %swap3A_250 = vector.shape_cast %swap3A_249 : vector<1x16xf32> to vector<16xf32>
      %swap3A_251 = vector.shape_cast %broadcast_in_dim3A_244 : vector<16xf32> to vector<1x16xf32>
      tpu.vector_store %arg9[%swap3A_247, %swap3A_248], %swap3A_251 {strides = array<i32>} : memref<128x128xf32, #tpu.memory_space<vmem>>, vector<1x16xf32>,
      %scan3A_252 = arith.constant 0 : i32
      scf.yield %scan3A_252 : i32
    }
    %scan3A_6 = arith.constant 1024 : i32
    %mul3A_7 = arith.constant 640 : i32
    %mul3A_8 = arith.muli %arg1, %mul3A_7 : i32
    %add3A_9 = arith.constant 0 : i32
    %add3A_10 = arith.addi %mul3A_8, %add3A_9 : i32
    "tpu.region"() ({
      %run_scoped3A = tpu.sem_alloc : memref<!tpu.dma_semaphore, #tpu.memory_space<semaphore_mem>>
      %dma_start3A = arith.constant 0 : i32
      %dma_start3A_57 = tpu.memref_slice %arg10[%add3A_10, %dma_start3A] : memref<10240x128xf32, #tpu.memory_space<vmem_shared>> -> memref<128x128xf32, #tpu.memory_space<vmem_shared>>
      %dma_start3A_58 = arith.constant 0 : i32
      %dma_start3A_59 = tpu.memref_slice %arg10[%add3A_10, %dma_start3A_58] : memref<10240x128xf32, #tpu.memory_space<vmem_shared>> -> memref<128x128xf32, #tpu.memory_space<vmem_shared>>
      tpu.enqueue_dma source(%arg9 : memref<128x128xf32, #tpu.memory_space<vmem>>) target(%dma_start3A_59 : memref<128x128xf32, #tpu.memory_space<vmem_shared>>) target_semaphore(%run_scoped3A : memref<!tpu.dma_semaphore, #tpu.memory_space<semaphore_mem>>)
      %dma_wait3A = arith.constant 0 : i32
      %dma_wait3A_60 = tpu.memref_slice %arg10[%add3A_10, %dma_wait3A] : memref<10240x128xf32, #tpu.memory_space<vmem_shared>> -> memref<128x128xf32, #tpu.memory_space<vmem_shared>>
      %dma_wait3A_61 = arith.constant 0 : i32
      %dma_wait3A_62 = tpu.memref_slice %arg10[%add3A_10, %dma_wait3A_61] : memref<10240x128xf32, #tpu.memory_space<vmem_shared>> -> memref<128x128xf32, #tpu.memory_space<vmem_shared>>
      tpu.wait_dma2 semaphore(%run_scoped3A : memref<!tpu.dma_semaphore, #tpu.memory_space<semaphore_mem>>) src(%arg9 : memref<128x128xf32, #tpu.memory_space<vmem>>) dst(%dma_wait3A_62 : memref<128x128xf32, #tpu.memory_space<vmem_shared>>)
      tpu.yield
    }) : () -> ()
    %mul3A_11 = arith.constant 640 : i32
    %mul3A_12 = arith.muli %arg1, %mul3A_11 : i32
    %add3A_13 = arith.constant 128 : i32
    %add3A_14 = arith.addi %mul3A_12, %add3A_13 : i32
    "tpu.region"() ({
      %run_scoped3A = tpu.sem_alloc : memref<!tpu.dma_semaphore, #tpu.memory_space<semaphore_mem>>
      %dma_start3A = arith.constant 0 : i32
      %dma_start3A_57 = tpu.memref_slice %arg10[%add3A_14, %dma_start3A] : memref<10240x128xf32, #tpu.memory_space<vmem_shared>> -> memref<128x128xf32, #tpu.memory_space<vmem_shared>>
      %dma_start3A_58 = arith.constant 0 : i32
      %dma_start3A_59 = tpu.memref_slice %arg10[%add3A_14, %dma_start3A_58] : memref<10240x128xf32, #tpu.memory_space<vmem_shared>> -> memref<128x128xf32, #tpu.memory_space<vmem_shared>>
      tpu.enqueue_dma source(%arg9 : memref<128x128xf32, #tpu.memory_space<vmem>>) target(%dma_start3A_59 : memref<128x128xf32, #tpu.memory_space<vmem_shared>>) target_semaphore(%run_scoped3A : memref<!tpu.dma_semaphore, #tpu.memory_space<semaphore_mem>>)
      %dma_wait3A = arith.constant 0 : i32
      %dma_wait3A_60 = tpu.memref_slice %arg10[%add3A_14, %dma_wait3A] : memref<10240x128xf32, #tpu.memory_space<vmem_shared>> -> memref<128x128xf32, #tpu.memory_space<vmem_shared>>
      %dma_wait3A_61 = arith.constant 0 : i32
      %dma_wait3A_62 = tpu.memref_slice %arg10[%add3A_14, %dma_wait3A_61] : memref<10240x128xf32, #tpu.memory_space<vmem_shared>> -> memref<128x128xf32, #tpu.memory_space<vmem_shared>>
      tpu.wait_dma2 semaphore(%run_scoped3A : memref<!tpu.dma_semaphore, #tpu.memory_space<semaphore_mem>>) src(%arg9 : memref<128x128xf32, #tpu.memory_space<vmem>>) dst(%dma_wait3A_62 : memref<128x128xf32, #tpu.memory_space<vmem_shared>>)
      tpu.yield
    }) : () -> ()
    %mul3A_15 = arith.constant 640 : i32
    %mul3A_16 = arith.muli %arg1, %mul3A_15 : i32
    %add3A_17 = arith.constant 256 : i32
    %add3A_18 = arith.addi %mul3A_16, %add3A_17 : i32
    "tpu.region"() ({
      %run_scoped3A = tpu.sem_alloc : memref<!tpu.dma_semaphore, #tpu.memory_space<semaphore_mem>>
      %dma_start3A = arith.constant 0 : i32
      %dma_start3A_57 = tpu.memref_slice %arg10[%add3A_18, %dma_start3A] : memref<10240x128xf32, #tpu.memory_space<vmem_shared>> -> memref<128x128xf32, #tpu.memory_space<vmem_shared>>
      %dma_start3A_58 = arith.constant 0 : i32
      %dma_start3A_59 = tpu.memref_slice %arg10[%add3A_18, %dma_start3A_58] : memref<10240x128xf32, #tpu.memory_space<vmem_shared>> -> memref<128x128xf32, #tpu.memory_space<vmem_shared>>
      tpu.enqueue_dma source(%arg9 : memref<128x128xf32, #tpu.memory_space<vmem>>) target(%dma_start3A_59 : memref<128x128xf32, #tpu.memory_space<vmem_shared>>) target_semaphore(%run_scoped3A : memref<!tpu.dma_semaphore, #tpu.memory_space<semaphore_mem>>)
      %dma_wait3A = arith.constant 0 : i32
      %dma_wait3A_60 = tpu.memref_slice %arg10[%add3A_18, %dma_wait3A] : memref<10240x128xf32, #tpu.memory_space<vmem_shared>> -> memref<128x128xf32, #tpu.memory_space<vmem_shared>>
      %dma_wait3A_61 = arith.constant 0 : i32
      %dma_wait3A_62 = tpu.memref_slice %arg10[%add3A_18, %dma_wait3A_61] : memref<10240x128xf32, #tpu.memory_space<vmem_shared>> -> memref<128x128xf32, #tpu.memory_space<vmem_shared>>
      tpu.wait_dma2 semaphore(%run_scoped3A : memref<!tpu.dma_semaphore, #tpu.memory_space<semaphore_mem>>) src(%arg9 : memref<128x128xf32, #tpu.memory_space<vmem>>) dst(%dma_wait3A_62 : memref<128x128xf32, #tpu.memory_space<vmem_shared>>)
      tpu.yield
    }) : () -> ()
    %mul3A_19 = arith.constant 640 : i32
    %mul3A_20 = arith.muli %arg1, %mul3A_19 : i32
    %add3A_21 = arith.constant 384 : i32
    %add3A_22 = arith.addi %mul3A_20, %add3A_21 : i32
    "tpu.region"() ({
      %run_scoped3A = tpu.sem_alloc : memref<!tpu.dma_semaphore, #tpu.memory_space<semaphore_mem>>
      %dma_start3A = arith.constant 0 : i32
      %dma_start3A_57 = tpu.memref_slice %arg10[%add3A_22, %dma_start3A] : memref<10240x128xf32, #tpu.memory_space<vmem_shared>> -> memref<128x128xf32, #tpu.memory_space<vmem_shared>>
      %dma_start3A_58 = arith.constant 0 : i32
      %dma_start3A_59 = tpu.memref_slice %arg10[%add3A_22, %dma_start3A_58] : memref<10240x128xf32, #tpu.memory_space<vmem_shared>> -> memref<128x128xf32, #tpu.memory_space<vmem_shared>>
      tpu.enqueue_dma source(%arg9 : memref<128x128xf32, #tpu.memory_space<vmem>>) target(%dma_start3A_59 : memref<128x128xf32, #tpu.memory_space<vmem_shared>>) target_semaphore(%run_scoped3A : memref<!tpu.dma_semaphore, #tpu.memory_space<semaphore_mem>>)
      %dma_wait3A = arith.constant 0 : i32
      %dma_wait3A_60 = tpu.memref_slice %arg10[%add3A_22, %dma_wait3A] : memref<10240x128xf32, #tpu.memory_space<vmem_shared>> -> memref<128x128xf32, #tpu.memory_space<vmem_shared>>
      %dma_wait3A_61 = arith.constant 0 : i32
      %dma_wait3A_62 = tpu.memref_slice %arg10[%add3A_22, %dma_wait3A_61] : memref<10240x128xf32, #tpu.memory_space<vmem_shared>> -> memref<128x128xf32, #tpu.memory_space<vmem_shared>>
      tpu.wait_dma2 semaphore(%run_scoped3A : memref<!tpu.dma_semaphore, #tpu.memory_space<semaphore_mem>>) src(%arg9 : memref<128x128xf32, #tpu.memory_space<vmem>>) dst(%dma_wait3A_62 : memref<128x128xf32, #tpu.memory_space<vmem_shared>>)
      tpu.yield
    }) : () -> ()
    %mul3A_23 = arith.constant 640 : i32
    %mul3A_24 = arith.muli %arg1, %mul3A_23 : i32
    %add3A_25 = arith.constant 512 : i32
    %add3A_26 = arith.addi %mul3A_24, %add3A_25 : i32
    "tpu.region"() ({
      %run_scoped3A = tpu.sem_alloc : memref<!tpu.dma_semaphore, #tpu.memory_space<semaphore_mem>>
      %dma_start3A = arith.constant 0 : i32
      %dma_start3A_57 = tpu.memref_slice %arg10[%add3A_26, %dma_start3A] : memref<10240x128xf32, #tpu.memory_space<vmem_shared>> -> memref<128x128xf32, #tpu.memory_space<vmem_shared>>
      %dma_start3A_58 = arith.constant 0 : i32
      %dma_start3A_59 = tpu.memref_slice %arg10[%add3A_26, %dma_start3A_58] : memref<10240x128xf32, #tpu.memory_space<vmem_shared>> -> memref<128x128xf32, #tpu.memory_space<vmem_shared>>
      tpu.enqueue_dma source(%arg9 : memref<128x128xf32, #tpu.memory_space<vmem>>) target(%dma_start3A_59 : memref<128x128xf32, #tpu.memory_space<vmem_shared>>) target_semaphore(%run_scoped3A : memref<!tpu.dma_semaphore, #tpu.memory_space<semaphore_mem>>)
      %dma_wait3A = arith.constant 0 : i32
      %dma_wait3A_60 = tpu.memref_slice %arg10[%add3A_26, %dma_wait3A] : memref<10240x128xf32, #tpu.memory_space<vmem_shared>> -> memref<128x128xf32, #tpu.memory_space<vmem_shared>>
      %dma_wait3A_61 = arith.constant 0 : i32
      %dma_wait3A_62 = tpu.memref_slice %arg10[%add3A_26, %dma_wait3A_61] : memref<10240x128xf32, #tpu.memory_space<vmem_shared>> -> memref<128x128xf32, #tpu.memory_space<vmem_shared>>
      tpu.wait_dma2 semaphore(%run_scoped3A : memref<!tpu.dma_semaphore, #tpu.memory_space<semaphore_mem>>) src(%arg9 : memref<128x128xf32, #tpu.memory_space<vmem>>) dst(%dma_wait3A_62 : memref<128x128xf32, #tpu.memory_space<vmem_shared>>)
      tpu.yield
    }) : () -> ()
    %barrier3A = arith.constant 0 : index
    tpu.barrier barrier_id(%barrier3A)
    %mul3A_27 = arith.constant 10112 : i32
    %mul3A_28 = arith.muli %add3A, %mul3A_27 : i32
    %scan3A_29 = arith.constant 0 : i32
    %scan3A_30 = arith.constant 0 : i32
    %scan3A_31 = arith.constant 79 : i32
    %scan3A_32 = arith.addi %scan3A_30, %scan3A_31 : i32
    %scan3A_33 = arith.constant 1 : i32
    %scan3A_34 = scf.for %scan3A_57 = %scan3A_30 to %scan3A_32 step %scan3A_33 iter_args(%scan3A_58 = %scan3A_29) -> (i32)  : i32 {
      %mul3A_59 = arith.constant 128 : i32
      %mul3A_60 = arith.muli %scan3A_57, %mul3A_59 : i32
      %add3A_61 = arith.addi %mul3A_28, %mul3A_60 : i32
      %run_scoped3A = arith.constant 0 : i32
      "tpu.region"() ({
        %run_scoped3A_77 = tpu.sem_alloc : memref<!tpu.dma_semaphore, #tpu.memory_space<semaphore_mem>>
        %dma_start3A_78 = arith.constant 0 : i32
        %dma_start3A_79 = tpu.memref_slice %arg6[%run_scoped3A, %dma_start3A_78] : memref<1x128xi32, #tpu.memory_space<vmem>> -> memref<1x128xi32, #tpu.memory_space<vmem>>
        %dma_start3A_80 = tpu.memref_squeeze %dma_start3A_79 : memref<1x128xi32, #tpu.memory_space<vmem>> -> memref<128xi32, #tpu.memory_space<vmem>>
        %dma_start3A_81 = tpu.memref_slice %arg2[%add3A_61] : memref<323584xi32, #tpu.memory_space<hbm>> -> memref<128xi32, #tpu.memory_space<hbm>>
        %dma_start3A_82 = arith.constant 0 : i32
        %dma_start3A_83 = tpu.memref_slice %arg6[%run_scoped3A, %dma_start3A_82] : memref<1x128xi32, #tpu.memory_space<vmem>> -> memref<1x128xi32, #tpu.memory_space<vmem>>
        %dma_start3A_84 = tpu.memref_squeeze %dma_start3A_83 : memref<1x128xi32, #tpu.memory_space<vmem>> -> memref<128xi32, #tpu.memory_space<vmem>>
        %dma_start3A_85 = tpu.memref_slice %arg2[%add3A_61] : memref<323584xi32, #tpu.memory_space<hbm>> -> memref<128xi32, #tpu.memory_space<hbm>>
        tpu.enqueue_dma source(%dma_start3A_85 : memref<128xi32, #tpu.memory_space<hbm>>) target(%dma_start3A_84 : memref<128xi32, #tpu.memory_space<vmem>>) target_semaphore(%run_scoped3A_77 : memref<!tpu.dma_semaphore, #tpu.memory_space<semaphore_mem>>)
        %dma_wait3A_86 = arith.constant 0 : i32
        %dma_wait3A_87 = tpu.memref_slice %arg6[%run_scoped3A, %dma_wait3A_86] : memref<1x128xi32, #tpu.memory_space<vmem>> -> memref<1x128xi32, #tpu.memory_space<vmem>>
        %dma_wait3A_88 = tpu.memref_squeeze %dma_wait3A_87 : memref<1x128xi32, #tpu.memory_space<vmem>> -> memref<128xi32, #tpu.memory_space<vmem>>
        %dma_wait3A_89 = tpu.memref_slice %arg2[%add3A_61] : memref<323584xi32, #tpu.memory_space<hbm>> -> memref<128xi32, #tpu.memory_space<hbm>>
        %dma_wait3A_90 = arith.constant 0 : i32
        %dma_wait3A_91 = tpu.memref_slice %arg6[%run_scoped3A, %dma_wait3A_90] : memref<1x128xi32, #tpu.memory_space<vmem>> -> memref<1x128xi32, #tpu.memory_space<vmem>>
        %dma_wait3A_92 = tpu.memref_squeeze %dma_wait3A_91 : memref<1x128xi32, #tpu.memory_space<vmem>> -> memref<128xi32, #tpu.memory_space<vmem>>
        %dma_wait3A_93 = tpu.memref_slice %arg2[%add3A_61] : memref<323584xi32, #tpu.memory_space<hbm>> -> memref<128xi32, #tpu.memory_space<hbm>>
        tpu.wait_dma2 semaphore(%run_scoped3A_77 : memref<!tpu.dma_semaphore, #tpu.memory_space<semaphore_mem>>) src(%dma_wait3A_93 : memref<128xi32, #tpu.memory_space<hbm>>) dst(%dma_wait3A_92 : memref<128xi32, #tpu.memory_space<vmem>>)
        tpu.yield
      }) : () -> ()
      %run_scoped3A_62 = arith.constant 0 : i32
      "tpu.region"() ({
        %run_scoped3A_77 = tpu.sem_alloc : memref<!tpu.dma_semaphore, #tpu.memory_space<semaphore_mem>>
        %dma_start3A_78 = arith.constant 0 : i32
        %dma_start3A_79 = tpu.memref_slice %arg7[%run_scoped3A_62, %dma_start3A_78] : memref<1x128xi32, #tpu.memory_space<vmem>> -> memref<1x128xi32, #tpu.memory_space<vmem>>
        %dma_start3A_80 = tpu.memref_squeeze %dma_start3A_79 : memref<1x128xi32, #tpu.memory_space<vmem>> -> memref<128xi32, #tpu.memory_space<vmem>>
        %dma_start3A_81 = tpu.memref_slice %arg3[%add3A_61] : memref<323584xi32, #tpu.memory_space<hbm>> -> memref<128xi32, #tpu.memory_space<hbm>>
        %dma_start3A_82 = arith.constant 0 : i32
        %dma_start3A_83 = tpu.memref_slice %arg7[%run_scoped3A_62, %dma_start3A_82] : memref<1x128xi32, #tpu.memory_space<vmem>> -> memref<1x128xi32, #tpu.memory_space<vmem>>
        %dma_start3A_84 = tpu.memref_squeeze %dma_start3A_83 : memref<1x128xi32, #tpu.memory_space<vmem>> -> memref<128xi32, #tpu.memory_space<vmem>>
        %dma_start3A_85 = tpu.memref_slice %arg3[%add3A_61] : memref<323584xi32, #tpu.memory_space<hbm>> -> memref<128xi32, #tpu.memory_space<hbm>>
        tpu.enqueue_dma source(%dma_start3A_85 : memref<128xi32, #tpu.memory_space<hbm>>) target(%dma_start3A_84 : memref<128xi32, #tpu.memory_space<vmem>>) target_semaphore(%run_scoped3A_77 : memref<!tpu.dma_semaphore, #tpu.memory_space<semaphore_mem>>)
        %dma_wait3A_86 = arith.constant 0 : i32
        %dma_wait3A_87 = tpu.memref_slice %arg7[%run_scoped3A_62, %dma_wait3A_86] : memref<1x128xi32, #tpu.memory_space<vmem>> -> memref<1x128xi32, #tpu.memory_space<vmem>>
        %dma_wait3A_88 = tpu.memref_squeeze %dma_wait3A_87 : memref<1x128xi32, #tpu.memory_space<vmem>> -> memref<128xi32, #tpu.memory_space<vmem>>
        %dma_wait3A_89 = tpu.memref_slice %arg3[%add3A_61] : memref<323584xi32, #tpu.memory_space<hbm>> -> memref<128xi32, #tpu.memory_space<hbm>>
        %dma_wait3A_90 = arith.constant 0 : i32
        %dma_wait3A_91 = tpu.memref_slice %arg7[%run_scoped3A_62, %dma_wait3A_90] : memref<1x128xi32, #tpu.memory_space<vmem>> -> memref<1x128xi32, #tpu.memory_space<vmem>>
        %dma_wait3A_92 = tpu.memref_squeeze %dma_wait3A_91 : memref<1x128xi32, #tpu.memory_space<vmem>> -> memref<128xi32, #tpu.memory_space<vmem>>
        %dma_wait3A_93 = tpu.memref_slice %arg3[%add3A_61] : memref<323584xi32, #tpu.memory_space<hbm>> -> memref<128xi32, #tpu.memory_space<hbm>>
        tpu.wait_dma2 semaphore(%run_scoped3A_77 : memref<!tpu.dma_semaphore, #tpu.memory_space<semaphore_mem>>) src(%dma_wait3A_93 : memref<128xi32, #tpu.memory_space<hbm>>) dst(%dma_wait3A_92 : memref<128xi32, #tpu.memory_space<vmem>>)
        tpu.yield
      }) : () -> ()
      %dma_start3A = arith.constant 0 : i32
      %dma_start3A_63 = arith.constant 0 : i32
      %dma_start3A_64 = tpu.memref_slice %arg6[%dma_start3A, %dma_start3A_63] : memref<1x128xi32, #tpu.memory_space<vmem>> -> memref<1x128xi32, #tpu.memory_space<vmem>>
      %dma_start3A_65 = tpu.memref_squeeze %dma_start3A_64 : memref<1x128xi32, #tpu.memory_space<vmem>> -> memref<128xi32, #tpu.memory_space<vmem>>
      %dma_start3A_66 = arith.constant 0 : i32
      %dma_start3A_67 = arith.constant 0 : i32
      %dma_start3A_68 = tpu.memref_slice %arg4[%dma_start3A_66, %dma_start3A_67] : memref<10240x128xf32, #tpu.memory_space<hbm>> -> memref<10240x128xf32, #tpu.memory_space<hbm>>
      tpu.enqueue_indirect_dma source(%dma_start3A_68 : memref<10240x128xf32, #tpu.memory_space<hbm>>) target(%arg8 : memref<128x128xf32, #tpu.memory_space<vmem>>) offsets(%dma_start3A_65 : memref<128xi32, #tpu.memory_space<vmem>>) semaphore(%arg11 : memref<!tpu.dma_semaphore, #tpu.memory_space<semaphore_mem>>)
      %dma_wait3A = arith.constant 0 : i32
      %dma_wait3A_69 = arith.constant 0 : i32
      %dma_wait3A_70 = tpu.memref_slice %arg6[%dma_wait3A, %dma_wait3A_69] : memref<1x128xi32, #tpu.memory_space<vmem>> -> memref<1x128xi32, #tpu.memory_space<vmem>>
      %dma_wait3A_71 = tpu.memref_squeeze %dma_wait3A_70 : memref<1x128xi32, #tpu.memory_space<vmem>> -> memref<128xi32, #tpu.memory_space<vmem>>
      %dma_wait3A_72 = arith.constant 0 : i32
      %dma_wait3A_73 = arith.constant 0 : i32
      %dma_wait3A_74 = tpu.memref_slice %arg4[%dma_wait3A_72, %dma_wait3A_73] : memref<10240x128xf32, #tpu.memory_space<hbm>> -> memref<10240x128xf32, #tpu.memory_space<hbm>>
      tpu.wait_indirect_dma semaphore(%arg11 : memref<!tpu.dma_semaphore, #tpu.memory_space<semaphore_mem>>) src(%dma_wait3A_74 : memref<10240x128xf32, #tpu.memory_space<hbm>>) dst(%arg8 : memref<128x128xf32, #tpu.memory_space<vmem>>)
      %run_scoped3A_75 = arith.constant 0 : i32
      "tpu.region"() ({
        %run_scoped3A_77 = tpu.sem_alloc : memref<!tpu.dma_semaphore, #tpu.memory_space<semaphore_mem>>
        %dma_start3A_78 = arith.constant 0 : i32
        %dma_start3A_79 = tpu.memref_slice %arg7[%run_scoped3A_75, %dma_start3A_78] : memref<1x128xi32, #tpu.memory_space<vmem>> -> memref<1x128xi32, #tpu.memory_space<vmem>>
        %dma_start3A_80 = tpu.memref_squeeze %dma_start3A_79 : memref<1x128xi32, #tpu.memory_space<vmem>> -> memref<128xi32, #tpu.memory_space<vmem>>
        %dma_start3A_81 = arith.constant 0 : i32
        %dma_start3A_82 = arith.constant 0 : i32
        %dma_start3A_83 = tpu.memref_slice %arg10[%dma_start3A_81, %dma_start3A_82] : memref<10240x128xf32, #tpu.memory_space<vmem_shared>> -> memref<10240x128xf32, #tpu.memory_space<vmem_shared>>
        tpu.enqueue_indirect_dma source(%arg8 : memref<128x128xf32, #tpu.memory_space<vmem>>) target(%dma_start3A_83 : memref<10240x128xf32, #tpu.memory_space<vmem_shared>>) offsets(%dma_start3A_80 : memref<128xi32, #tpu.memory_space<vmem>>) semaphore(%run_scoped3A_77 : memref<!tpu.dma_semaphore, #tpu.memory_space<semaphore_mem>>) {add = true}
        %dma_wait3A_84 = arith.constant 0 : i32
        %dma_wait3A_85 = tpu.memref_slice %arg7[%run_scoped3A_75, %dma_wait3A_84] : memref<1x128xi32, #tpu.memory_space<vmem>> -> memref<1x128xi32, #tpu.memory_space<vmem>>
        %dma_wait3A_86 = tpu.memref_squeeze %dma_wait3A_85 : memref<1x128xi32, #tpu.memory_space<vmem>> -> memref<128xi32, #tpu.memory_space<vmem>>
        %dma_wait3A_87 = arith.constant 0 : i32
        %dma_wait3A_88 = arith.constant 0 : i32
        %dma_wait3A_89 = tpu.memref_slice %arg10[%dma_wait3A_87, %dma_wait3A_88] : memref<10240x128xf32, #tpu.memory_space<vmem_shared>> -> memref<10240x128xf32, #tpu.memory_space<vmem_shared>>
        tpu.wait_indirect_dma semaphore(%run_scoped3A_77 : memref<!tpu.dma_semaphore, #tpu.memory_space<semaphore_mem>>) src(%arg8 : memref<128x128xf32, #tpu.memory_space<vmem>>) dst(%dma_wait3A_89 : memref<10240x128xf32, #tpu.memory_space<vmem_shared>>)
        tpu.yield
      }) : () -> ()
      %scan3A_76 = arith.constant 0 : i32
      scf.yield %scan3A_76 : i32
    }
    %scan3A_35 = arith.constant 79 : i32
    %barrier3A_36 = arith.constant 0 : index
    tpu.barrier barrier_id(%barrier3A_36)
    %mul3A_37 = arith.constant 640 : i32
    %mul3A_38 = arith.muli %arg1, %mul3A_37 : i32
    %add3A_39 = arith.constant 0 : i32
    %add3A_40 = arith.addi %mul3A_38, %add3A_39 : i32
    "tpu.region"() ({
      %run_scoped3A = tpu.sem_alloc : memref<!tpu.dma_semaphore, #tpu.memory_space<semaphore_mem>>
      %dma_start3A = arith.constant 0 : i32
      %dma_start3A_57 = arith.constant 0 : i32
      %dma_start3A_58 = tpu.memref_slice %arg5[%arg0, %dma_start3A, %dma_start3A_57] : memref<2x10240x128xf32, #tpu.memory_space<hbm>> -> memref<1x10240x128xf32, #tpu.memory_space<hbm>>
      %dma_start3A_59 = tpu.memref_squeeze %dma_start3A_58 : memref<1x10240x128xf32, #tpu.memory_space<hbm>> -> memref<10240x128xf32, #tpu.memory_space<hbm>>
      %dma_start3A_60 = arith.constant 0 : i32
      %dma_start3A_61 = tpu.memref_slice %dma_start3A_59[%add3A_40, %dma_start3A_60] : memref<10240x128xf32, #tpu.memory_space<hbm>> -> memref<128x128xf32, #tpu.memory_space<hbm>>
      %dma_start3A_62 = arith.constant 0 : i32
      %dma_start3A_63 = tpu.memref_slice %arg10[%add3A_40, %dma_start3A_62] : memref<10240x128xf32, #tpu.memory_space<vmem_shared>> -> memref<128x128xf32, #tpu.memory_space<vmem_shared>>
      tpu.enqueue_dma source(%dma_start3A_63 : memref<128x128xf32, #tpu.memory_space<vmem_shared>>) target(%dma_start3A_61 : memref<128x128xf32, #tpu.memory_space<hbm>>) target_semaphore(%run_scoped3A : memref<!tpu.dma_semaphore, #tpu.memory_space<semaphore_mem>>)
      %dma_wait3A = arith.constant 0 : i32
      %dma_wait3A_64 = arith.constant 0 : i32
      %dma_wait3A_65 = tpu.memref_slice %arg5[%arg0, %dma_wait3A, %dma_wait3A_64] : memref<2x10240x128xf32, #tpu.memory_space<hbm>> -> memref<1x10240x128xf32, #tpu.memory_space<hbm>>
      %dma_wait3A_66 = tpu.memref_squeeze %dma_wait3A_65 : memref<1x10240x128xf32, #tpu.memory_space<hbm>> -> memref<10240x128xf32, #tpu.memory_space<hbm>>
      %dma_wait3A_67 = arith.constant 0 : i32
      %dma_wait3A_68 = tpu.memref_slice %dma_wait3A_66[%add3A_40, %dma_wait3A_67] : memref<10240x128xf32, #tpu.memory_space<hbm>> -> memref<128x128xf32, #tpu.memory_space<hbm>>
      %dma_wait3A_69 = arith.constant 0 : i32
      %dma_wait3A_70 = tpu.memref_slice %arg10[%add3A_40, %dma_wait3A_69] : memref<10240x128xf32, #tpu.memory_space<vmem_shared>> -> memref<128x128xf32, #tpu.memory_space<vmem_shared>>
      tpu.wait_dma2 semaphore(%run_scoped3A : memref<!tpu.dma_semaphore, #tpu.memory_space<semaphore_mem>>) src(%dma_wait3A_70 : memref<128x128xf32, #tpu.memory_space<vmem_shared>>) dst(%dma_wait3A_68 : memref<128x128xf32, #tpu.memory_space<hbm>>)
      tpu.yield
    }) : () -> ()
    %mul3A_41 = arith.constant 640 : i32
    %mul3A_42 = arith.muli %arg1, %mul3A_41 : i32
    %add3A_43 = arith.constant 128 : i32
    %add3A_44 = arith.addi %mul3A_42, %add3A_43 : i32
    "tpu.region"() ({
      %run_scoped3A = tpu.sem_alloc : memref<!tpu.dma_semaphore, #tpu.memory_space<semaphore_mem>>
      %dma_start3A = arith.constant 0 : i32
      %dma_start3A_57 = arith.constant 0 : i32
      %dma_start3A_58 = tpu.memref_slice %arg5[%arg0, %dma_start3A, %dma_start3A_57] : memref<2x10240x128xf32, #tpu.memory_space<hbm>> -> memref<1x10240x128xf32, #tpu.memory_space<hbm>>
      %dma_start3A_59 = tpu.memref_squeeze %dma_start3A_58 : memref<1x10240x128xf32, #tpu.memory_space<hbm>> -> memref<10240x128xf32, #tpu.memory_space<hbm>>
      %dma_start3A_60 = arith.constant 0 : i32
      %dma_start3A_61 = tpu.memref_slice %dma_start3A_59[%add3A_44, %dma_start3A_60] : memref<10240x128xf32, #tpu.memory_space<hbm>> -> memref<128x128xf32, #tpu.memory_space<hbm>>
      %dma_start3A_62 = arith.constant 0 : i32
      %dma_start3A_63 = tpu.memref_slice %arg10[%add3A_44, %dma_start3A_62] : memref<10240x128xf32, #tpu.memory_space<vmem_shared>> -> memref<128x128xf32, #tpu.memory_space<vmem_shared>>
      tpu.enqueue_dma source(%dma_start3A_63 : memref<128x128xf32, #tpu.memory_space<vmem_shared>>) target(%dma_start3A_61 : memref<128x128xf32, #tpu.memory_space<hbm>>) target_semaphore(%run_scoped3A : memref<!tpu.dma_semaphore, #tpu.memory_space<semaphore_mem>>)
      %dma_wait3A = arith.constant 0 : i32
      %dma_wait3A_64 = arith.constant 0 : i32
      %dma_wait3A_65 = tpu.memref_slice %arg5[%arg0, %dma_wait3A, %dma_wait3A_64] : memref<2x10240x128xf32, #tpu.memory_space<hbm>> -> memref<1x10240x128xf32, #tpu.memory_space<hbm>>
      %dma_wait3A_66 = tpu.memref_squeeze %dma_wait3A_65 : memref<1x10240x128xf32, #tpu.memory_space<hbm>> -> memref<10240x128xf32, #tpu.memory_space<hbm>>
      %dma_wait3A_67 = arith.constant 0 : i32
      %dma_wait3A_68 = tpu.memref_slice %dma_wait3A_66[%add3A_44, %dma_wait3A_67] : memref<10240x128xf32, #tpu.memory_space<hbm>> -> memref<128x128xf32, #tpu.memory_space<hbm>>
      %dma_wait3A_69 = arith.constant 0 : i32
      %dma_wait3A_70 = tpu.memref_slice %arg10[%add3A_44, %dma_wait3A_69] : memref<10240x128xf32, #tpu.memory_space<vmem_shared>> -> memref<128x128xf32, #tpu.memory_space<vmem_shared>>
      tpu.wait_dma2 semaphore(%run_scoped3A : memref<!tpu.dma_semaphore, #tpu.memory_space<semaphore_mem>>) src(%dma_wait3A_70 : memref<128x128xf32, #tpu.memory_space<vmem_shared>>) dst(%dma_wait3A_68 : memref<128x128xf32, #tpu.memory_space<hbm>>)
      tpu.yield
    }) : () -> ()
    %mul3A_45 = arith.constant 640 : i32
    %mul3A_46 = arith.muli %arg1, %mul3A_45 : i32
    %add3A_47 = arith.constant 256 : i32
    %add3A_48 = arith.addi %mul3A_46, %add3A_47 : i32
    "tpu.region"() ({
      %run_scoped3A = tpu.sem_alloc : memref<!tpu.dma_semaphore, #tpu.memory_space<semaphore_mem>>
      %dma_start3A = arith.constant 0 : i32
      %dma_start3A_57 = arith.constant 0 : i32
      %dma_start3A_58 = tpu.memref_slice %arg5[%arg0, %dma_start3A, %dma_start3A_57] : memref<2x10240x128xf32, #tpu.memory_space<hbm>> -> memref<1x10240x128xf32, #tpu.memory_space<hbm>>
      %dma_start3A_59 = tpu.memref_squeeze %dma_start3A_58 : memref<1x10240x128xf32, #tpu.memory_space<hbm>> -> memref<10240x128xf32, #tpu.memory_space<hbm>>
      %dma_start3A_60 = arith.constant 0 : i32
      %dma_start3A_61 = tpu.memref_slice %dma_start3A_59[%add3A_48, %dma_start3A_60] : memref<10240x128xf32, #tpu.memory_space<hbm>> -> memref<128x128xf32, #tpu.memory_space<hbm>>
      %dma_start3A_62 = arith.constant 0 : i32
      %dma_start3A_63 = tpu.memref_slice %arg10[%add3A_48, %dma_start3A_62] : memref<10240x128xf32, #tpu.memory_space<vmem_shared>> -> memref<128x128xf32, #tpu.memory_space<vmem_shared>>
      tpu.enqueue_dma source(%dma_start3A_63 : memref<128x128xf32, #tpu.memory_space<vmem_shared>>) target(%dma_start3A_61 : memref<128x128xf32, #tpu.memory_space<hbm>>) target_semaphore(%run_scoped3A : memref<!tpu.dma_semaphore, #tpu.memory_space<semaphore_mem>>)
      %dma_wait3A = arith.constant 0 : i32
      %dma_wait3A_64 = arith.constant 0 : i32
      %dma_wait3A_65 = tpu.memref_slice %arg5[%arg0, %dma_wait3A, %dma_wait3A_64] : memref<2x10240x128xf32, #tpu.memory_space<hbm>> -> memref<1x10240x128xf32, #tpu.memory_space<hbm>>
      %dma_wait3A_66 = tpu.memref_squeeze %dma_wait3A_65 : memref<1x10240x128xf32, #tpu.memory_space<hbm>> -> memref<10240x128xf32, #tpu.memory_space<hbm>>
      %dma_wait3A_67 = arith.constant 0 : i32
      %dma_wait3A_68 = tpu.memref_slice %dma_wait3A_66[%add3A_48, %dma_wait3A_67] : memref<10240x128xf32, #tpu.memory_space<hbm>> -> memref<128x128xf32, #tpu.memory_space<hbm>>
      %dma_wait3A_69 = arith.constant 0 : i32
      %dma_wait3A_70 = tpu.memref_slice %arg10[%add3A_48, %dma_wait3A_69] : memref<10240x128xf32, #tpu.memory_space<vmem_shared>> -> memref<128x128xf32, #tpu.memory_space<vmem_shared>>
      tpu.wait_dma2 semaphore(%run_scoped3A : memref<!tpu.dma_semaphore, #tpu.memory_space<semaphore_mem>>) src(%dma_wait3A_70 : memref<128x128xf32, #tpu.memory_space<vmem_shared>>) dst(%dma_wait3A_68 : memref<128x128xf32, #tpu.memory_space<hbm>>)
      tpu.yield
    }) : () -> ()
    %mul3A_49 = arith.constant 640 : i32
    %mul3A_50 = arith.muli %arg1, %mul3A_49 : i32
    %add3A_51 = arith.constant 384 : i32
    %add3A_52 = arith.addi %mul3A_50, %add3A_51 : i32
    "tpu.region"() ({
      %run_scoped3A = tpu.sem_alloc : memref<!tpu.dma_semaphore, #tpu.memory_space<semaphore_mem>>
      %dma_start3A = arith.constant 0 : i32
      %dma_start3A_57 = arith.constant 0 : i32
      %dma_start3A_58 = tpu.memref_slice %arg5[%arg0, %dma_start3A, %dma_start3A_57] : memref<2x10240x128xf32, #tpu.memory_space<hbm>> -> memref<1x10240x128xf32, #tpu.memory_space<hbm>>
      %dma_start3A_59 = tpu.memref_squeeze %dma_start3A_58 : memref<1x10240x128xf32, #tpu.memory_space<hbm>> -> memref<10240x128xf32, #tpu.memory_space<hbm>>
      %dma_start3A_60 = arith.constant 0 : i32
      %dma_start3A_61 = tpu.memref_slice %dma_start3A_59[%add3A_52, %dma_start3A_60] : memref<10240x128xf32, #tpu.memory_space<hbm>> -> memref<128x128xf32, #tpu.memory_space<hbm>>
      %dma_start3A_62 = arith.constant 0 : i32
      %dma_start3A_63 = tpu.memref_slice %arg10[%add3A_52, %dma_start3A_62] : memref<10240x128xf32, #tpu.memory_space<vmem_shared>> -> memref<128x128xf32, #tpu.memory_space<vmem_shared>>
      tpu.enqueue_dma source(%dma_start3A_63 : memref<128x128xf32, #tpu.memory_space<vmem_shared>>) target(%dma_start3A_61 : memref<128x128xf32, #tpu.memory_space<hbm>>) target_semaphore(%run_scoped3A : memref<!tpu.dma_semaphore, #tpu.memory_space<semaphore_mem>>)
      %dma_wait3A = arith.constant 0 : i32
      %dma_wait3A_64 = arith.constant 0 : i32
      %dma_wait3A_65 = tpu.memref_slice %arg5[%arg0, %dma_wait3A, %dma_wait3A_64] : memref<2x10240x128xf32, #tpu.memory_space<hbm>> -> memref<1x10240x128xf32, #tpu.memory_space<hbm>>
      %dma_wait3A_66 = tpu.memref_squeeze %dma_wait3A_65 : memref<1x10240x128xf32, #tpu.memory_space<hbm>> -> memref<10240x128xf32, #tpu.memory_space<hbm>>
      %dma_wait3A_67 = arith.constant 0 : i32
      %dma_wait3A_68 = tpu.memref_slice %dma_wait3A_66[%add3A_52, %dma_wait3A_67] : memref<10240x128xf32, #tpu.memory_space<hbm>> -> memref<128x128xf32, #tpu.memory_space<hbm>>
      %dma_wait3A_69 = arith.constant 0 : i32
      %dma_wait3A_70 = tpu.memref_slice %arg10[%add3A_52, %dma_wait3A_69] : memref<10240x128xf32, #tpu.memory_space<vmem_shared>> -> memref<128x128xf32, #tpu.memory_space<vmem_shared>>
      tpu.wait_dma2 semaphore(%run_scoped3A : memref<!tpu.dma_semaphore, #tpu.memory_space<semaphore_mem>>) src(%dma_wait3A_70 : memref<128x128xf32, #tpu.memory_space<vmem_shared>>) dst(%dma_wait3A_68 : memref<128x128xf32, #tpu.memory_space<hbm>>)
      tpu.yield
    }) : () -> ()
    %mul3A_53 = arith.constant 640 : i32
    %mul3A_54 = arith.muli %arg1, %mul3A_53 : i32
    %add3A_55 = arith.constant 512 : i32
    %add3A_56 = arith.addi %mul3A_54, %add3A_55 : i32
    "tpu.region"() ({
      %run_scoped3A = tpu.sem_alloc : memref<!tpu.dma_semaphore, #tpu.memory_space<semaphore_mem>>
      %dma_start3A = arith.constant 0 : i32
      %dma_start3A_57 = arith.constant 0 : i32
      %dma_start3A_58 = tpu.memref_slice %arg5[%arg0, %dma_start3A, %dma_start3A_57] : memref<2x10240x128xf32, #tpu.memory_space<hbm>> -> memref<1x10240x128xf32, #tpu.memory_space<hbm>>
      %dma_start3A_59 = tpu.memref_squeeze %dma_start3A_58 : memref<1x10240x128xf32, #tpu.memory_space<hbm>> -> memref<10240x128xf32, #tpu.memory_space<hbm>>
      %dma_start3A_60 = arith.constant 0 : i32
      %dma_start3A_61 = tpu.memref_slice %dma_start3A_59[%add3A_56, %dma_start3A_60] : memref<10240x128xf32, #tpu.memory_space<hbm>> -> memref<128x128xf32, #tpu.memory_space<hbm>>
      %dma_start3A_62 = arith.constant 0 : i32
      %dma_start3A_63 = tpu.memref_slice %arg10[%add3A_56, %dma_start3A_62] : memref<10240x128xf32, #tpu.memory_space<vmem_shared>> -> memref<128x128xf32, #tpu.memory_space<vmem_shared>>
      tpu.enqueue_dma source(%dma_start3A_63 : memref<128x128xf32, #tpu.memory_space<vmem_shared>>) target(%dma_start3A_61 : memref<128x128xf32, #tpu.memory_space<hbm>>) target_semaphore(%run_scoped3A : memref<!tpu.dma_semaphore, #tpu.memory_space<semaphore_mem>>)
      %dma_wait3A = arith.constant 0 : i32
      %dma_wait3A_64 = arith.constant 0 : i32
      %dma_wait3A_65 = tpu.memref_slice %arg5[%arg0, %dma_wait3A, %dma_wait3A_64] : memref<2x10240x128xf32, #tpu.memory_space<hbm>> -> memref<1x10240x128xf32, #tpu.memory_space<hbm>>
      %dma_wait3A_66 = tpu.memref_squeeze %dma_wait3A_65 : memref<1x10240x128xf32, #tpu.memory_space<hbm>> -> memref<10240x128xf32, #tpu.memory_space<hbm>>
      %dma_wait3A_67 = arith.constant 0 : i32
      %dma_wait3A_68 = tpu.memref_slice %dma_wait3A_66[%add3A_56, %dma_wait3A_67] : memref<10240x128xf32, #tpu.memory_space<hbm>> -> memref<128x128xf32, #tpu.memory_space<hbm>>
      %dma_wait3A_69 = arith.constant 0 : i32
      %dma_wait3A_70 = tpu.memref_slice %arg10[%add3A_56, %dma_wait3A_69] : memref<10240x128xf32, #tpu.memory_space<vmem_shared>> -> memref<128x128xf32, #tpu.memory_space<vmem_shared>>
      tpu.wait_dma2 semaphore(%run_scoped3A : memref<!tpu.dma_semaphore, #tpu.memory_space<semaphore_mem>>) src(%dma_wait3A_70 : memref<128x128xf32, #tpu.memory_space<vmem_shared>>) dst(%dma_wait3A_68 : memref<128x128xf32, #tpu.memory_space<hbm>>)
      tpu.yield
    }) : () -> ()
    return
  }
}

module attributes {stable_mosaic.version = 14 : i64} {
  func.func @_tc_norm_g1_body(%arg0: i32, %arg1: memref<32x1024xf32, #tpu.memory_space<vmem>>, %arg2: memref<1024x128xf32, #tpu.memory_space<vmem>>, %arg3: memref<128x128xf32, #tpu.memory_space<vmem>>, %arg4: memref<1024x1xf32, #tpu.memory_space<vmem>>, %arg5: memref<1024x128xf32, #tpu.memory_space<vmem>>) attributes {dimension_semantics = [#tpu.dimension_semantics<arbitrary>], iteration_bounds = array<i64: 10>, scalar_prefetch = 0 : i64, scratch_operands = 0 : i64, tpu.core_type = #tpu.core_type<tc>, window_params = [{transform_indices = @transform_0, window_bounds = array<i64: 32, 1024>}, {transform_indices = @transform_1, window_bounds = array<i64: 1024, 128>}, {pipeline_mode = #tpu.pipeline_mode<synchronous>, transform_indices = @transform_2, window_bounds = array<i64: 128, 128>}, {transform_indices = @transform_3, window_bounds = array<i64: 1024, 1>}, {transform_indices = @transform_4, window_bounds = array<i64: 1024, 128>}]} {
    %get3A = arith.constant 0 : index
    %get3A_0 = arith.constant 0 : index
    %get3A_1 = vector.load %arg1[%get3A, %get3A_0] : memref<32x1024xf32, #tpu.memory_space<vmem>>, vector<32x1024xf32>
    %broadcast_in_dim3A = arith.constant 1.000000e+00 : f32
    %broadcast_in_dim3A_2 = vector.broadcast %broadcast_in_dim3A : f32 to vector<32x1xf32>
    %dot_general3A = arith.constant dense<0.000000e+00> : vector<1024x1xf32>
    %dot_general3A_3 = tpu.matmul %get3A_1, %broadcast_in_dim3A_2, %dot_general3A {dimension_numbers = #tpu.dot_dimension_numbers<[0], [0], [1], [1], [0, 1, 1, 1], [], []>, transpose_lhs_hint = false} : vector<32x1024xf32>, vector<32x1xf32>, vector<1024x1xf32> -> vector<1024x1xf32>
    %add3A = arith.constant 1.000000e+00 : f32
    %add3A_4 = vector.broadcast %add3A : f32 to vector<1024x1xf32>
    %add3A_5 = arith.addf %dot_general3A_3, %add3A_4 : vector<1024x1xf32>
    %rsqrt3A = math.rsqrt %add3A_5 : vector<1024x1xf32>
    %swap3A = arith.constant 0 : index
    %swap3A_6 = arith.constant 0 : index
    %swap3A_7 = vector.load %arg4[%swap3A, %swap3A_6] : memref<1024x1xf32, #tpu.memory_space<vmem>>, vector<1024x1xf32>
    tpu.vector_store %arg4[%swap3A, %swap3A_6], %rsqrt3A {strides = array<i32>} : memref<1024x1xf32, #tpu.memory_space<vmem>>, vector<1024x1xf32>,
    %get3A_8 = arith.constant 0 : index
    %get3A_9 = arith.constant 0 : index
    %get3A_10 = vector.load %arg2[%get3A_8, %get3A_9] : memref<1024x128xf32, #tpu.memory_space<vmem>>, vector<1024x128xf32>
    %get3A_11 = arith.constant 0 : index
    %get3A_12 = arith.constant 0 : index
    %get3A_13 = vector.load %arg3[%get3A_11, %get3A_12] : memref<128x128xf32, #tpu.memory_space<vmem>>, vector<128x128xf32>
    %dot_general3A_14 = arith.constant dense<0.000000e+00> : vector<1024x128xf32>
    %dot_general3A_15 = tpu.matmul %get3A_10, %get3A_13, %dot_general3A_14 {dimension_numbers = #tpu.dot_dimension_numbers<[1], [0], [0], [1], [0, 0, 1, 1], [], []>, transpose_lhs_hint = false} : vector<1024x128xf32>, vector<128x128xf32>, vector<1024x128xf32> -> vector<1024x128xf32>
    %mul3A = vector.broadcast %rsqrt3A : vector<1024x1xf32> to vector<1024x128xf32>
    %mul3A_16 = arith.mulf %dot_general3A_15, %mul3A : vector<1024x128xf32>
    %swap3A_17 = arith.constant 0 : index
    %swap3A_18 = arith.constant 0 : index
    %swap3A_19 = vector.load %arg5[%swap3A_17, %swap3A_18] : memref<1024x128xf32, #tpu.memory_space<vmem>>, vector<1024x128xf32>
    tpu.vector_store %arg5[%swap3A_17, %swap3A_18], %mul3A_16 {strides = array<i32>} : memref<1024x128xf32, #tpu.memory_space<vmem>>, vector<1024x128xf32>,
    return
  }
  func.func @transform_0(%arg0: i32) -> (i32, i32) {
    %c0_i32 = arith.constant 0 : i32
    %c0_i32_0 = arith.constant 0 : i32
    return %c0_i32, %arg0 : i32, i32
  }
  func.func @transform_1(%arg0: i32) -> (i32, i32) {
    %c0_i32 = arith.constant 0 : i32
    %c0_i32_0 = arith.constant 0 : i32
    return %arg0, %c0_i32 : i32, i32
  }
  func.func @transform_2(%arg0: i32) -> (i32, i32) {
    %c0_i32 = arith.constant 0 : i32
    %c0_i32_0 = arith.constant 0 : i32
    %c0_i32_1 = arith.constant 0 : i32
    return %c0_i32, %c0_i32_0 : i32, i32
  }
  func.func @transform_3(%arg0: i32) -> (i32, i32) {
    %c0_i32 = arith.constant 0 : i32
    %c0_i32_0 = arith.constant 0 : i32
    return %arg0, %c0_i32 : i32, i32
  }
  func.func @transform_4(%arg0: i32) -> (i32, i32) {
    %c0_i32 = arith.constant 0 : i32
    %c0_i32_0 = arith.constant 0 : i32
    return %arg0, %c0_i32 : i32, i32
  }
}

module attributes {stable_mosaic.version = 14 : i64} {
  func.func @_tc_h1_g2_body(%arg0: i32, %arg1: memref<2x1024x128xf32, #tpu.memory_space<vmem>>, %arg2: memref<1024x128xf32, #tpu.memory_space<vmem>>, %arg3: memref<1024x1xf32, #tpu.memory_space<vmem>>, %arg4: memref<1x128xf32, #tpu.memory_space<vmem>>, %arg5: memref<128x128xf32, #tpu.memory_space<vmem>>, %arg6: memref<1024x128xf32, #tpu.memory_space<vmem>>) attributes {dimension_semantics = [#tpu.dimension_semantics<arbitrary>], iteration_bounds = array<i64: 10>, scalar_prefetch = 0 : i64, scratch_operands = 0 : i64, tpu.core_type = #tpu.core_type<tc>, window_params = [{transform_indices = @transform_0, window_bounds = array<i64: 2, 1024, 128>}, {transform_indices = @transform_1, window_bounds = array<i64: 1024, 128>}, {transform_indices = @transform_2, window_bounds = array<i64: 1024, 1>}, {pipeline_mode = #tpu.pipeline_mode<synchronous>, transform_indices = @transform_3, window_bounds = array<i64: 1, 128>}, {pipeline_mode = #tpu.pipeline_mode<synchronous>, transform_indices = @transform_4, window_bounds = array<i64: 128, 128>}, {transform_indices = @transform_5, window_bounds = array<i64: 1024, 128>}]} {
    %get3A = arith.constant 0 : index
    %get3A_0 = arith.constant 0 : index
    %get3A_1 = arith.constant 0 : index
    %get3A_2 = vector.load %arg1[%get3A, %get3A_0, %get3A_1] : memref<2x1024x128xf32, #tpu.memory_space<vmem>>, vector<1x1024x128xf32>
    %get3A_3 = vector.shape_cast %get3A_2 : vector<1x1024x128xf32> to vector<1024x128xf32>
    %get3A_4 = arith.constant 1 : index
    %get3A_5 = arith.constant 0 : index
    %get3A_6 = arith.constant 0 : index
    %get3A_7 = vector.load %arg1[%get3A_4, %get3A_5, %get3A_6] : memref<2x1024x128xf32, #tpu.memory_space<vmem>>, vector<1x1024x128xf32>
    %get3A_8 = vector.shape_cast %get3A_7 : vector<1x1024x128xf32> to vector<1024x128xf32>
    %add3A = arith.addf %get3A_3, %get3A_8 : vector<1024x128xf32>
    %get3A_9 = arith.constant 0 : index
    %get3A_10 = arith.constant 0 : index
    %get3A_11 = vector.load %arg3[%get3A_9, %get3A_10] : memref<1024x1xf32, #tpu.memory_space<vmem>>, vector<1024x1xf32>
    %get3A_12 = arith.constant 0 : index
    %get3A_13 = arith.constant 0 : index
    %get3A_14 = vector.load %arg2[%get3A_12, %get3A_13] : memref<1024x128xf32, #tpu.memory_space<vmem>>, vector<1024x128xf32>
    %add3A_15 = arith.addf %add3A, %get3A_14 : vector<1024x128xf32>
    %mul3A = vector.broadcast %get3A_11 : vector<1024x1xf32> to vector<1024x128xf32>
    %mul3A_16 = arith.mulf %mul3A, %add3A_15 : vector<1024x128xf32>
    %get3A_17 = arith.constant 0 : index
    %get3A_18 = arith.constant 0 : index
    %get3A_19 = vector.load %arg4[%get3A_17, %get3A_18] : memref<1x128xf32, #tpu.memory_space<vmem>>, vector<1x128xf32>
    %add3A_20 = vector.broadcast %get3A_19 : vector<1x128xf32> to vector<1024x128xf32>
    %add3A_21 = arith.addf %mul3A_16, %add3A_20 : vector<1024x128xf32>
    %max3A = arith.constant 0.000000e+00 : f32
    %max3A_22 = vector.broadcast %max3A : f32 to vector<1024x128xf32>
    %max3A_23 = arith.maximumf %add3A_21, %max3A_22 : vector<1024x128xf32>
    %get3A_24 = arith.constant 0 : index
    %get3A_25 = arith.constant 0 : index
    %get3A_26 = vector.load %arg5[%get3A_24, %get3A_25] : memref<128x128xf32, #tpu.memory_space<vmem>>, vector<128x128xf32>
    %dot_general3A = arith.constant dense<0.000000e+00> : vector<1024x128xf32>
    %dot_general3A_27 = tpu.matmul %max3A_23, %get3A_26, %dot_general3A {dimension_numbers = #tpu.dot_dimension_numbers<[1], [0], [0], [1], [0, 0, 1, 1], [], []>, transpose_lhs_hint = false} : vector<1024x128xf32>, vector<128x128xf32>, vector<1024x128xf32> -> vector<1024x128xf32>
    %mul3A_28 = vector.broadcast %get3A_11 : vector<1024x1xf32> to vector<1024x128xf32>
    %mul3A_29 = arith.mulf %dot_general3A_27, %mul3A_28 : vector<1024x128xf32>
    %swap3A = arith.constant 0 : index
    %swap3A_30 = arith.constant 0 : index
    %swap3A_31 = vector.load %arg6[%swap3A, %swap3A_30] : memref<1024x128xf32, #tpu.memory_space<vmem>>, vector<1024x128xf32>
    tpu.vector_store %arg6[%swap3A, %swap3A_30], %mul3A_29 {strides = array<i32>} : memref<1024x128xf32, #tpu.memory_space<vmem>>, vector<1024x128xf32>,
    return
  }
  func.func @transform_0(%arg0: i32) -> (i32, i32, i32) {
    %c0_i32 = arith.constant 0 : i32
    %c0_i32_0 = arith.constant 0 : i32
    %c0_i32_1 = arith.constant 0 : i32
    return %c0_i32, %arg0, %c0_i32_0 : i32, i32, i32
  }
  func.func @transform_1(%arg0: i32) -> (i32, i32) {
    %c0_i32 = arith.constant 0 : i32
    %c0_i32_0 = arith.constant 0 : i32
    return %arg0, %c0_i32 : i32, i32
  }
  func.func @transform_2(%arg0: i32) -> (i32, i32) {
    %c0_i32 = arith.constant 0 : i32
    %c0_i32_0 = arith.constant 0 : i32
    return %arg0, %c0_i32 : i32, i32
  }
  func.func @transform_3(%arg0: i32) -> (i32, i32) {
    %c0_i32 = arith.constant 0 : i32
    %c0_i32_0 = arith.constant 0 : i32
    %c0_i32_1 = arith.constant 0 : i32
    return %c0_i32, %c0_i32_0 : i32, i32
  }
  func.func @transform_4(%arg0: i32) -> (i32, i32) {
    %c0_i32 = arith.constant 0 : i32
    %c0_i32_0 = arith.constant 0 : i32
    %c0_i32_1 = arith.constant 0 : i32
    return %c0_i32, %c0_i32_0 : i32, i32
  }
  func.func @transform_5(%arg0: i32) -> (i32, i32) {
    %c0_i32 = arith.constant 0 : i32
    %c0_i32_0 = arith.constant 0 : i32
    return %arg0, %c0_i32 : i32, i32
  }
}

module attributes {stable_mosaic.version = 14 : i64} {
  func.func @_tc_head_body(%arg0: i32, %arg1: memref<2x1024x128xf32, #tpu.memory_space<vmem>>, %arg2: memref<1024x128xf32, #tpu.memory_space<vmem>>, %arg3: memref<1024x1xf32, #tpu.memory_space<vmem>>, %arg4: memref<1x8xi32, #tpu.memory_space<vmem>>, %arg5: memref<1x1xi32, #tpu.memory_space<vmem>>, %arg6: memref<32x64xf32, #tpu.memory_space<vmem>>, %arg7: memref<64x128xf32, #tpu.memory_space<vmem>>, %arg8: memref<1x128xf32, #tpu.memory_space<vmem>>, %arg9: memref<1x128xf32, #tpu.memory_space<vmem>>, %arg10: memref<128x128xf32, #tpu.memory_space<vmem>>, %arg11: memref<1x128xf32, #tpu.memory_space<vmem>>, %arg12: memref<128x64xf32, #tpu.memory_space<vmem>>, %arg13: memref<1x64xf32, #tpu.memory_space<vmem>>, %arg14: memref<64x1xf32, #tpu.memory_space<vmem>>, %arg15: memref<1x1xf32, #tpu.memory_space<vmem>>, %arg16: memref<128x64xf32, #tpu.memory_space<vmem>>, %arg17: memref<1x64xf32, #tpu.memory_space<vmem>>, %arg18: memref<64x1xf32, #tpu.memory_space<vmem>>, %arg19: memref<1x1xf32, #tpu.memory_space<vmem>>, %arg20: memref<8x1xf32, #tpu.memory_space<vmem>>, %arg21: memref<8x128xf32, #tpu.memory_space<vmem>>, %arg22: memref<8x128xf32, #tpu.memory_space<vmem>>, %arg23: memref<8x1xf32, #tpu.memory_space<vmem>>) attributes {dimension_semantics = [#tpu.dimension_semantics<arbitrary>], iteration_bounds = array<i64: 10>, scalar_prefetch = 0 : i64, scratch_operands = 3 : i64, tpu.core_type = #tpu.core_type<tc>, window_params = [{transform_indices = @transform_0, window_bounds = array<i64: 2, 1024, 128>}, {transform_indices = @transform_1, window_bounds = array<i64: 1024, 128>}, {transform_indices = @transform_2, window_bounds = array<i64: 1024, 1>}, {pipeline_mode = #tpu.pipeline_mode<synchronous>, transform_indices = @transform_3, window_bounds = array<i64: 1, 8>}, {pipeline_mode = #tpu.pipeline_mode<synchronous>, transform_indices = @transform_4, window_bounds = array<i64: 1, 1>}, {pipeline_mode = #tpu.pipeline_mode<synchronous>, transform_indices = @transform_5, window_bounds = array<i64: 32, 64>}, {pipeline_mode = #tpu.pipeline_mode<synchronous>, transform_indices = @transform_6, window_bounds = array<i64: 64, 128>}, {pipeline_mode = #tpu.pipeline_mode<synchronous>, transform_indices = @transform_7, window_bounds = array<i64: 1, 128>}, {pipeline_mode = #tpu.pipeline_mode<synchronous>, transform_indices = @transform_8, window_bounds = array<i64: 1, 128>}, {pipeline_mode = #tpu.pipeline_mode<synchronous>, transform_indices = @transform_9, window_bounds = array<i64: 128, 128>}, {pipeline_mode = #tpu.pipeline_mode<synchronous>, transform_indices = @transform_10, window_bounds = array<i64: 1, 128>}, {pipeline_mode = #tpu.pipeline_mode<synchronous>, transform_indices = @transform_11, window_bounds = array<i64: 128, 64>}, {pipeline_mode = #tpu.pipeline_mode<synchronous>, transform_indices = @transform_12, window_bounds = array<i64: 1, 64>}, {pipeline_mode = #tpu.pipeline_mode<synchronous>, transform_indices = @transform_13, window_bounds = array<i64: 64, 1>}, {pipeline_mode = #tpu.pipeline_mode<synchronous>, transform_indices = @transform_14, window_bounds = array<i64: 1, 1>}, {pipeline_mode = #tpu.pipeline_mode<synchronous>, transform_indices = @transform_15, window_bounds = array<i64: 128, 64>}, {pipeline_mode = #tpu.pipeline_mode<synchronous>, transform_indices = @transform_16, window_bounds = array<i64: 1, 64>}, {pipeline_mode = #tpu.pipeline_mode<synchronous>, transform_indices = @transform_17, window_bounds = array<i64: 64, 1>}, {pipeline_mode = #tpu.pipeline_mode<synchronous>, transform_indices = @transform_18, window_bounds = array<i64: 1, 1>}, {pipeline_mode = #tpu.pipeline_mode<synchronous>, transform_indices = @transform_19, window_bounds = array<i64: 8, 1>}]} {
    %eq3A = arith.constant 0 : i32
    %eq3A_0 = arith.cmpi eq, %arg0, %eq3A : i32
    %convert_element_type3A = arith.extui %eq3A_0 : i1 to i32
    %cond3A = arith.constant 0 : i32
    %cond3A_1 = arith.cmpi ne, %convert_element_type3A, %cond3A : i32
    scf.if %cond3A_1 {
      %broadcast_in_dim3A = arith.constant 0.000000e+00 : f32
      %broadcast_in_dim3A_57 = vector.broadcast %broadcast_in_dim3A : f32 to vector<8x128xf32>
      %swap3A_58 = arith.constant 0 : index
      %swap3A_59 = arith.constant 0 : index
      %swap3A_60 = vector.load %arg21[%swap3A_58, %swap3A_59] : memref<8x128xf32, #tpu.memory_space<vmem>>, vector<8x128xf32>
      tpu.vector_store %arg21[%swap3A_58, %swap3A_59], %broadcast_in_dim3A_57 {strides = array<i32>} : memref<8x128xf32, #tpu.memory_space<vmem>>, vector<8x128xf32>,
      %broadcast_in_dim3A_61 = arith.constant 0.000000e+00 : f32
      %broadcast_in_dim3A_62 = vector.broadcast %broadcast_in_dim3A_61 : f32 to vector<8x128xf32>
      %swap3A_63 = arith.constant 0 : index
      %swap3A_64 = arith.constant 0 : index
      %swap3A_65 = vector.load %arg22[%swap3A_63, %swap3A_64] : memref<8x128xf32, #tpu.memory_space<vmem>>, vector<8x128xf32>
      tpu.vector_store %arg22[%swap3A_63, %swap3A_64], %broadcast_in_dim3A_62 {strides = array<i32>} : memref<8x128xf32, #tpu.memory_space<vmem>>, vector<8x128xf32>,
      %broadcast_in_dim3A_66 = arith.constant 0.000000e+00 : f32
      %broadcast_in_dim3A_67 = vector.broadcast %broadcast_in_dim3A_66 : f32 to vector<8x1xf32>
      %swap3A_68 = arith.constant 0 : index
      %swap3A_69 = arith.constant 0 : index
      %swap3A_70 = vector.load %arg23[%swap3A_68, %swap3A_69] : memref<8x1xf32, #tpu.memory_space<vmem>>, vector<8x1xf32>
      tpu.vector_store %arg23[%swap3A_68, %swap3A_69], %broadcast_in_dim3A_67 {strides = array<i32>} : memref<8x1xf32, #tpu.memory_space<vmem>>, vector<8x1xf32>,
    } else {
    }
    %iota3A = tpu.iota {dimensions = array<i32: 0>} : vector<1024x8xi32>
    %mul3A = arith.constant 1024 : i32
    %mul3A_2 = arith.muli %arg0, %mul3A : i32
    %add3A = vector.broadcast %mul3A_2 : i32 to vector<1024x8xi32>
    %add3A_3 = arith.addi %iota3A, %add3A : vector<1024x8xi32>
    %get3A = arith.constant 0 : index
    %get3A_4 = arith.constant 0 : index
    %get3A_5 = vector.load %arg4[%get3A, %get3A_4] : memref<1x8xi32, #tpu.memory_space<vmem>>, vector<1x8xi32>
    %eq3A_6 = vector.broadcast %get3A_5 : vector<1x8xi32> to vector<1024x8xi32>
    %eq3A_7 = arith.cmpi eq, %add3A_3, %eq3A_6 : vector<1024x8xi32>
    %convert_element_type3A_8 = arith.extui %eq3A_7 : vector<1024x8xi1> to vector<1024x8xi32>
    %convert_element_type3A_9 = arith.sitofp %convert_element_type3A_8 : vector<1024x8xi32> to vector<1024x8xf32>
    %get3A_10 = arith.constant 0 : index
    %get3A_11 = arith.constant 0 : index
    %get3A_12 = arith.constant 0 : index
    %get3A_13 = vector.load %arg1[%get3A_10, %get3A_11, %get3A_12] : memref<2x1024x128xf32, #tpu.memory_space<vmem>>, vector<1x1024x128xf32>
    %get3A_14 = vector.shape_cast %get3A_13 : vector<1x1024x128xf32> to vector<1024x128xf32>
    %get3A_15 = arith.constant 1 : index
    %get3A_16 = arith.constant 0 : index
    %get3A_17 = arith.constant 0 : index
    %get3A_18 = vector.load %arg1[%get3A_15, %get3A_16, %get3A_17] : memref<2x1024x128xf32, #tpu.memory_space<vmem>>, vector<1x1024x128xf32>
    %get3A_19 = vector.shape_cast %get3A_18 : vector<1x1024x128xf32> to vector<1024x128xf32>
    %add3A_20 = arith.addf %get3A_14, %get3A_19 : vector<1024x128xf32>
    %get3A_21 = arith.constant 0 : index
    %get3A_22 = arith.constant 0 : index
    %get3A_23 = vector.load %arg21[%get3A_21, %get3A_22] : memref<8x128xf32, #tpu.memory_space<vmem>>, vector<8x128xf32>
    %dot_general3A = arith.constant dense<0.000000e+00> : vector<8x128xf32>
    %dot_general3A_24 = tpu.matmul %convert_element_type3A_9, %add3A_20, %dot_general3A {dimension_numbers = #tpu.dot_dimension_numbers<[0], [0], [1], [1], [0, 1, 1, 1], [], []>, transpose_lhs_hint = false} : vector<1024x8xf32>, vector<1024x128xf32>, vector<8x128xf32> -> vector<8x128xf32>
    %add3A_25 = arith.addf %get3A_23, %dot_general3A_24 : vector<8x128xf32>
    %swap3A = arith.constant 0 : index
    %swap3A_26 = arith.constant 0 : index
    %swap3A_27 = vector.load %arg21[%swap3A, %swap3A_26] : memref<8x128xf32, #tpu.memory_space<vmem>>, vector<8x128xf32>
    tpu.vector_store %arg21[%swap3A, %swap3A_26], %add3A_25 {strides = array<i32>} : memref<8x128xf32, #tpu.memory_space<vmem>>, vector<8x128xf32>,
    %get3A_28 = arith.constant 0 : index
    %get3A_29 = arith.constant 0 : index
    %get3A_30 = vector.load %arg22[%get3A_28, %get3A_29] : memref<8x128xf32, #tpu.memory_space<vmem>>, vector<8x128xf32>
    %get3A_31 = arith.constant 0 : index
    %get3A_32 = arith.constant 0 : index
    %get3A_33 = vector.load %arg2[%get3A_31, %get3A_32] : memref<1024x128xf32, #tpu.memory_space<vmem>>, vector<1024x128xf32>
    %dot_general3A_34 = arith.constant dense<0.000000e+00> : vector<8x128xf32>
    %dot_general3A_35 = tpu.matmul %convert_element_type3A_9, %get3A_33, %dot_general3A_34 {dimension_numbers = #tpu.dot_dimension_numbers<[0], [0], [1], [1], [0, 1, 1, 1], [], []>, transpose_lhs_hint = false} : vector<1024x8xf32>, vector<1024x128xf32>, vector<8x128xf32> -> vector<8x128xf32>
    %add3A_36 = arith.addf %get3A_30, %dot_general3A_35 : vector<8x128xf32>
    %swap3A_37 = arith.constant 0 : index
    %swap3A_38 = arith.constant 0 : index
    %swap3A_39 = vector.load %arg22[%swap3A_37, %swap3A_38] : memref<8x128xf32, #tpu.memory_space<vmem>>, vector<8x128xf32>
    tpu.vector_store %arg22[%swap3A_37, %swap3A_38], %add3A_36 {strides = array<i32>} : memref<8x128xf32, #tpu.memory_space<vmem>>, vector<8x128xf32>,
    %get3A_40 = arith.constant 0 : index
    %get3A_41 = arith.constant 0 : index
    %get3A_42 = vector.load %arg23[%get3A_40, %get3A_41] : memref<8x1xf32, #tpu.memory_space<vmem>>, vector<8x1xf32>
    %get3A_43 = arith.constant 0 : index
    %get3A_44 = arith.constant 0 : index
    %get3A_45 = vector.load %arg3[%get3A_43, %get3A_44] : memref<1024x1xf32, #tpu.memory_space<vmem>>, vector<1024x1xf32>
    %dot_general3A_46 = arith.constant dense<0.000000e+00> : vector<8x1xf32>
    %dot_general3A_47 = tpu.matmul %convert_element_type3A_9, %get3A_45, %dot_general3A_46 {dimension_numbers = #tpu.dot_dimension_numbers<[0], [0], [1], [1], [0, 1, 1, 1], [], []>, transpose_lhs_hint = false} : vector<1024x8xf32>, vector<1024x1xf32>, vector<8x1xf32> -> vector<8x1xf32>
    %add3A_48 = arith.addf %get3A_42, %dot_general3A_47 : vector<8x1xf32>
    %swap3A_49 = arith.constant 0 : index
    %swap3A_50 = arith.constant 0 : index
    %swap3A_51 = vector.load %arg23[%swap3A_49, %swap3A_50] : memref<8x1xf32, #tpu.memory_space<vmem>>, vector<8x1xf32>
    tpu.vector_store %arg23[%swap3A_49, %swap3A_50], %add3A_48 {strides = array<i32>} : memref<8x1xf32, #tpu.memory_space<vmem>>, vector<8x1xf32>,
    %eq3A_52 = arith.constant 9 : i32
    %eq3A_53 = arith.cmpi eq, %arg0, %eq3A_52 : i32
    %convert_element_type3A_54 = arith.extui %eq3A_53 : i1 to i32
    %cond3A_55 = arith.constant 0 : i32
    %cond3A_56 = arith.cmpi ne, %convert_element_type3A_54, %cond3A_55 : i32
    scf.if %cond3A_56 {
      %get3A_57 = arith.constant 0 : index
      %get3A_58 = arith.constant 0 : index
      %get3A_59 = vector.load %arg23[%get3A_57, %get3A_58] : memref<8x1xf32, #tpu.memory_space<vmem>>, vector<8x1xf32>
      %get3A_60 = arith.constant 0 : index
      %get3A_61 = arith.constant 0 : index
      %get3A_62 = vector.load %arg21[%get3A_60, %get3A_61] : memref<8x128xf32, #tpu.memory_space<vmem>>, vector<8x128xf32>
      %get3A_63 = arith.constant 0 : index
      %get3A_64 = arith.constant 0 : index
      %get3A_65 = vector.load %arg22[%get3A_63, %get3A_64] : memref<8x128xf32, #tpu.memory_space<vmem>>, vector<8x128xf32>
      %add3A_66 = arith.addf %get3A_62, %get3A_65 : vector<8x128xf32>
      %mul3A_67 = vector.broadcast %get3A_59 : vector<8x1xf32> to vector<8x128xf32>
      %mul3A_68 = arith.mulf %mul3A_67, %add3A_66 : vector<8x128xf32>
      %get3A_69 = arith.constant 0 : index
      %get3A_70 = arith.constant 0 : index
      %get3A_71 = vector.load %arg9[%get3A_69, %get3A_70] : memref<1x128xf32, #tpu.memory_space<vmem>>, vector<1x128xf32>
      %add3A_72 = vector.broadcast %get3A_71 : vector<1x128xf32> to vector<8x128xf32>
      %add3A_73 = arith.addf %mul3A_68, %add3A_72 : vector<8x128xf32>
      %max3A = arith.constant 0.000000e+00 : f32
      %max3A_74 = vector.broadcast %max3A : f32 to vector<8x128xf32>
      %max3A_75 = arith.maximumf %add3A_73, %max3A_74 : vector<8x128xf32>
      %get3A_76 = arith.constant 0 : index
      %get3A_77 = arith.constant 0 : index
      %get3A_78 = vector.load %arg10[%get3A_76, %get3A_77] : memref<128x128xf32, #tpu.memory_space<vmem>>, vector<128x128xf32>
      %dot_general3A_79 = arith.constant dense<0.000000e+00> : vector<8x128xf32>
      %dot_general3A_80 = tpu.matmul %max3A_75, %get3A_78, %dot_general3A_79 {dimension_numbers = #tpu.dot_dimension_numbers<[1], [0], [0], [1], [0, 0, 1, 1], [], []>, transpose_lhs_hint = false} : vector<8x128xf32>, vector<128x128xf32>, vector<8x128xf32> -> vector<8x128xf32>
      %get3A_81 = arith.constant 0 : index
      %get3A_82 = arith.constant 0 : index
      %get3A_83 = vector.load %arg11[%get3A_81, %get3A_82] : memref<1x128xf32, #tpu.memory_space<vmem>>, vector<1x128xf32>
      %add3A_84 = vector.broadcast %get3A_83 : vector<1x128xf32> to vector<8x128xf32>
      %add3A_85 = arith.addf %dot_general3A_80, %add3A_84 : vector<8x128xf32>
      %max3A_86 = arith.constant 0.000000e+00 : f32
      %max3A_87 = vector.broadcast %max3A_86 : f32 to vector<8x128xf32>
      %max3A_88 = arith.maximumf %add3A_85, %max3A_87 : vector<8x128xf32>
      %get3A_89 = arith.constant 0 : index
      %get3A_90 = arith.constant 0 : index
      %get3A_91 = vector.load %arg12[%get3A_89, %get3A_90] : memref<128x64xf32, #tpu.memory_space<vmem>>, vector<128x64xf32>
      %dot_general3A_92 = arith.constant dense<0.000000e+00> : vector<8x64xf32>
      %dot_general3A_93 = tpu.matmul %max3A_88, %get3A_91, %dot_general3A_92 {dimension_numbers = #tpu.dot_dimension_numbers<[1], [0], [0], [1], [0, 0, 1, 1], [], []>, transpose_lhs_hint = false} : vector<8x128xf32>, vector<128x64xf32>, vector<8x64xf32> -> vector<8x64xf32>
      %get3A_94 = arith.constant 0 : index
      %get3A_95 = arith.constant 0 : index
      %get3A_96 = vector.load %arg13[%get3A_94, %get3A_95] : memref<1x64xf32, #tpu.memory_space<vmem>>, vector<1x64xf32>
      %add3A_97 = vector.broadcast %get3A_96 : vector<1x64xf32> to vector<8x64xf32>
      %add3A_98 = arith.addf %dot_general3A_93, %add3A_97 : vector<8x64xf32>
      %tanh3A = math.tanh %add3A_98 : vector<8x64xf32>
      %get3A_99 = arith.constant 0 : index
      %get3A_100 = arith.constant 0 : index
      %get3A_101 = vector.load %arg14[%get3A_99, %get3A_100] : memref<64x1xf32, #tpu.memory_space<vmem>>, vector<64x1xf32>
      %dot_general3A_102 = arith.constant dense<0.000000e+00> : vector<8x1xf32>
      %dot_general3A_103 = tpu.matmul %tanh3A, %get3A_101, %dot_general3A_102 {dimension_numbers = #tpu.dot_dimension_numbers<[1], [0], [0], [1], [0, 0, 1, 1], [], []>, transpose_lhs_hint = false} : vector<8x64xf32>, vector<64x1xf32>, vector<8x1xf32> -> vector<8x1xf32>
      %get3A_104 = arith.constant 0 : index
      %get3A_105 = arith.constant 0 : index
      %get3A_106 = vector.load %arg15[%get3A_104, %get3A_105] : memref<1x1xf32, #tpu.memory_space<vmem>>, vector<1x1xf32>
      %add3A_107 = vector.broadcast %get3A_106 : vector<1x1xf32> to vector<8x1xf32>
      %add3A_108 = arith.addf %dot_general3A_103, %add3A_107 : vector<8x1xf32>
      %logistic3A = arith.negf %add3A_108 : vector<8x1xf32>
      %logistic3A_109 = math.exp %logistic3A : vector<8x1xf32>
      %logistic3A_110 = arith.constant 1.000000e+00 : f32
      %logistic3A_111 = vector.broadcast %logistic3A_110 : f32 to vector<8x1xf32>
      %logistic3A_112 = arith.addf %logistic3A_111, %logistic3A_109 : vector<8x1xf32>
      %logistic3A_113 = arith.divf %logistic3A_111, %logistic3A_112 : vector<8x1xf32>
      %iota3A_114 = tpu.iota {dimensions = array<i32: 1>} : vector<1x32xi32>
      %get3A_115 = arith.constant 0 : index
      %get3A_116 = arith.constant 0 : index
      %get3A_117 = vector.load %arg5[%get3A_115, %get3A_116] : memref<1x1xi32, #tpu.memory_space<vmem>>, vector<1x1xi32>
      %eq3A_118 = vector.broadcast %get3A_117 : vector<1x1xi32> to vector<1x32xi32>
      %eq3A_119 = arith.cmpi eq, %iota3A_114, %eq3A_118 : vector<1x32xi32>
      %convert_element_type3A_120 = arith.extui %eq3A_119 : vector<1x32xi1> to vector<1x32xi32>
      %convert_element_type3A_121 = arith.sitofp %convert_element_type3A_120 : vector<1x32xi32> to vector<1x32xf32>
      %get3A_122 = arith.constant 0 : index
      %get3A_123 = arith.constant 0 : index
      %get3A_124 = vector.load %arg6[%get3A_122, %get3A_123] : memref<32x64xf32, #tpu.memory_space<vmem>>, vector<32x64xf32>
      %dot_general3A_125 = arith.constant dense<0.000000e+00> : vector<1x64xf32>
      %dot_general3A_126 = tpu.matmul %convert_element_type3A_121, %get3A_124, %dot_general3A_125 {dimension_numbers = #tpu.dot_dimension_numbers<[1], [0], [0], [1], [0, 0, 1, 1], [], []>, transpose_lhs_hint = false} : vector<1x32xf32>, vector<32x64xf32>, vector<1x64xf32> -> vector<1x64xf32>
      %get3A_127 = arith.constant 0 : index
      %get3A_128 = arith.constant 0 : index
      %get3A_129 = vector.load %arg7[%get3A_127, %get3A_128] : memref<64x128xf32, #tpu.memory_space<vmem>>, vector<64x128xf32>
      %dot_general3A_130 = arith.constant dense<0.000000e+00> : vector<1x128xf32>
      %dot_general3A_131 = tpu.matmul %dot_general3A_126, %get3A_129, %dot_general3A_130 {dimension_numbers = #tpu.dot_dimension_numbers<[1], [0], [0], [1], [0, 0, 1, 1], [], []>, transpose_lhs_hint = false} : vector<1x64xf32>, vector<64x128xf32>, vector<1x128xf32> -> vector<1x128xf32>
      %get3A_132 = arith.constant 0 : index
      %get3A_133 = arith.constant 0 : index
      %get3A_134 = vector.load %arg8[%get3A_132, %get3A_133] : memref<1x128xf32, #tpu.memory_space<vmem>>, vector<1x128xf32>
      %add3A_135 = arith.addf %dot_general3A_131, %get3A_134 : vector<1x128xf32>
      %max3A_136 = arith.constant 0.000000e+00 : f32
      %max3A_137 = vector.broadcast %max3A_136 : f32 to vector<1x128xf32>
      %max3A_138 = arith.maximumf %add3A_135, %max3A_137 : vector<1x128xf32>
      %mul3A_139 = vector.broadcast %logistic3A_113 : vector<8x1xf32> to vector<8x128xf32>
      %mul3A_140 = arith.mulf %mul3A_139, %max3A_88 : vector<8x128xf32>
      %add3A_141 = vector.broadcast %max3A_138 : vector<1x128xf32> to vector<8x128xf32>
      %add3A_142 = arith.addf %mul3A_140, %add3A_141 : vector<8x128xf32>
      %get3A_143 = arith.constant 0 : index
      %get3A_144 = arith.constant 0 : index
      %get3A_145 = vector.load %arg16[%get3A_143, %get3A_144] : memref<128x64xf32, #tpu.memory_space<vmem>>, vector<128x64xf32>
      %dot_general3A_146 = arith.constant dense<0.000000e+00> : vector<8x64xf32>
      %dot_general3A_147 = tpu.matmul %add3A_142, %get3A_145, %dot_general3A_146 {dimension_numbers = #tpu.dot_dimension_numbers<[1], [0], [0], [1], [0, 0, 1, 1], [], []>, transpose_lhs_hint = false} : vector<8x128xf32>, vector<128x64xf32>, vector<8x64xf32> -> vector<8x64xf32>
      %get3A_148 = arith.constant 0 : index
      %get3A_149 = arith.constant 0 : index
      %get3A_150 = vector.load %arg17[%get3A_148, %get3A_149] : memref<1x64xf32, #tpu.memory_space<vmem>>, vector<1x64xf32>
      %add3A_151 = vector.broadcast %get3A_150 : vector<1x64xf32> to vector<8x64xf32>
      %add3A_152 = arith.addf %dot_general3A_147, %add3A_151 : vector<8x64xf32>
      %get3A_153 = arith.constant 0 : index
      %get3A_154 = arith.constant 0 : index
      %get3A_155 = vector.load %arg18[%get3A_153, %get3A_154] : memref<64x1xf32, #tpu.memory_space<vmem>>, vector<64x1xf32>
      %dot_general3A_156 = arith.constant dense<0.000000e+00> : vector<8x1xf32>
      %dot_general3A_157 = tpu.matmul %add3A_152, %get3A_155, %dot_general3A_156 {dimension_numbers = #tpu.dot_dimension_numbers<[1], [0], [0], [1], [0, 0, 1, 1], [], []>, transpose_lhs_hint = false} : vector<8x64xf32>, vector<64x1xf32>, vector<8x1xf32> -> vector<8x1xf32>
      %get3A_158 = arith.constant 0 : index
      %get3A_159 = arith.constant 0 : index
      %get3A_160 = vector.load %arg19[%get3A_158, %get3A_159] : memref<1x1xf32, #tpu.memory_space<vmem>>, vector<1x1xf32>
      %add3A_161 = vector.broadcast %get3A_160 : vector<1x1xf32> to vector<8x1xf32>
      %add3A_162 = arith.addf %dot_general3A_157, %add3A_161 : vector<8x1xf32>
      %swap3A_163 = arith.constant 0 : index
      %swap3A_164 = arith.constant 0 : index
      %swap3A_165 = vector.load %arg20[%swap3A_163, %swap3A_164] : memref<8x1xf32, #tpu.memory_space<vmem>>, vector<8x1xf32>
      tpu.vector_store %arg20[%swap3A_163, %swap3A_164], %add3A_162 {strides = array<i32>} : memref<8x1xf32, #tpu.memory_space<vmem>>, vector<8x1xf32>,
    } else {
    }
    return
  }
  func.func @transform_0(%arg0: i32) -> (i32, i32, i32) {
    %c0_i32 = arith.constant 0 : i32
    %c0_i32_0 = arith.constant 0 : i32
    %c0_i32_1 = arith.constant 0 : i32
    return %c0_i32, %arg0, %c0_i32_0 : i32, i32, i32
  }
  func.func @transform_1(%arg0: i32) -> (i32, i32) {
    %c0_i32 = arith.constant 0 : i32
    %c0_i32_0 = arith.constant 0 : i32
    return %arg0, %c0_i32 : i32, i32
  }
  func.func @transform_2(%arg0: i32) -> (i32, i32) {
    %c0_i32 = arith.constant 0 : i32
    %c0_i32_0 = arith.constant 0 : i32
    return %arg0, %c0_i32 : i32, i32
  }
  func.func @transform_3(%arg0: i32) -> (i32, i32) {
    %c0_i32 = arith.constant 0 : i32
    %c0_i32_0 = arith.constant 0 : i32
    %c0_i32_1 = arith.constant 0 : i32
    return %c0_i32, %c0_i32_0 : i32, i32
  }
  func.func @transform_4(%arg0: i32) -> (i32, i32) {
    %c0_i32 = arith.constant 0 : i32
    %c0_i32_0 = arith.constant 0 : i32
    %c0_i32_1 = arith.constant 0 : i32
    return %c0_i32, %c0_i32_0 : i32, i32
  }
  func.func @transform_5(%arg0: i32) -> (i32, i32) {
    %c0_i32 = arith.constant 0 : i32
    %c0_i32_0 = arith.constant 0 : i32
    %c0_i32_1 = arith.constant 0 : i32
    return %c0_i32, %c0_i32_0 : i32, i32
  }
  func.func @transform_6(%arg0: i32) -> (i32, i32) {
    %c0_i32 = arith.constant 0 : i32
    %c0_i32_0 = arith.constant 0 : i32
    %c0_i32_1 = arith.constant 0 : i32
    return %c0_i32, %c0_i32_0 : i32, i32
  }
  func.func @transform_7(%arg0: i32) -> (i32, i32) {
    %c0_i32 = arith.constant 0 : i32
    %c0_i32_0 = arith.constant 0 : i32
    %c0_i32_1 = arith.constant 0 : i32
    return %c0_i32, %c0_i32_0 : i32, i32
  }
  func.func @transform_8(%arg0: i32) -> (i32, i32) {
    %c0_i32 = arith.constant 0 : i32
    %c0_i32_0 = arith.constant 0 : i32
    %c0_i32_1 = arith.constant 0 : i32
    return %c0_i32, %c0_i32_0 : i32, i32
  }
  func.func @transform_9(%arg0: i32) -> (i32, i32) {
    %c0_i32 = arith.constant 0 : i32
    %c0_i32_0 = arith.constant 0 : i32
    %c0_i32_1 = arith.constant 0 : i32
    return %c0_i32, %c0_i32_0 : i32, i32
  }
  func.func @transform_10(%arg0: i32) -> (i32, i32) {
    %c0_i32 = arith.constant 0 : i32
    %c0_i32_0 = arith.constant 0 : i32
    %c0_i32_1 = arith.constant 0 : i32
    return %c0_i32, %c0_i32_0 : i32, i32
  }
  func.func @transform_11(%arg0: i32) -> (i32, i32) {
    %c0_i32 = arith.constant 0 : i32
    %c0_i32_0 = arith.constant 0 : i32
    %c0_i32_1 = arith.constant 0 : i32
    return %c0_i32, %c0_i32_0 : i32, i32
  }
  func.func @transform_12(%arg0: i32) -> (i32, i32) {
    %c0_i32 = arith.constant 0 : i32
    %c0_i32_0 = arith.constant 0 : i32
    %c0_i32_1 = arith.constant 0 : i32
    return %c0_i32, %c0_i32_0 : i32, i32
  }
  func.func @transform_13(%arg0: i32) -> (i32, i32) {
    %c0_i32 = arith.constant 0 : i32
    %c0_i32_0 = arith.constant 0 : i32
    %c0_i32_1 = arith.constant 0 : i32
    return %c0_i32, %c0_i32_0 : i32, i32
  }
  func.func @transform_14(%arg0: i32) -> (i32, i32) {
    %c0_i32 = arith.constant 0 : i32
    %c0_i32_0 = arith.constant 0 : i32
    %c0_i32_1 = arith.constant 0 : i32
    return %c0_i32, %c0_i32_0 : i32, i32
  }
  func.func @transform_15(%arg0: i32) -> (i32, i32) {
    %c0_i32 = arith.constant 0 : i32
    %c0_i32_0 = arith.constant 0 : i32
    %c0_i32_1 = arith.constant 0 : i32
    return %c0_i32, %c0_i32_0 : i32, i32
  }
  func.func @transform_16(%arg0: i32) -> (i32, i32) {
    %c0_i32 = arith.constant 0 : i32
    %c0_i32_0 = arith.constant 0 : i32
    %c0_i32_1 = arith.constant 0 : i32
    return %c0_i32, %c0_i32_0 : i32, i32
  }
  func.func @transform_17(%arg0: i32) -> (i32, i32) {
    %c0_i32 = arith.constant 0 : i32
    %c0_i32_0 = arith.constant 0 : i32
    %c0_i32_1 = arith.constant 0 : i32
    return %c0_i32, %c0_i32_0 : i32, i32
  }
  func.func @transform_18(%arg0: i32) -> (i32, i32) {
    %c0_i32 = arith.constant 0 : i32
    %c0_i32_0 = arith.constant 0 : i32
    %c0_i32_1 = arith.constant 0 : i32
    return %c0_i32, %c0_i32_0 : i32, i32
  }
  func.func @transform_19(%arg0: i32) -> (i32, i32) {
    %c0_i32 = arith.constant 0 : i32
    %c0_i32_0 = arith.constant 0 : i32
    %c0_i32_1 = arith.constant 0 : i32
    return %c0_i32, %c0_i32_0 : i32, i32
  }
}

</mosaic_0001>

<sc_bundles>
// kernel: kernel.11.cloned.1.call-start
scs
__scs_entry_jumppad:
0x0: {  	(pc) =	sbr.rel $0x88, $3  }
0x1: {  	(tag) =	ssettag $0x0;
	lr =	simm.s32 $0x1  }
0x2: {  	[smem:$0x3F8C] =	sst lr;
	_ =	strace $0xD0000000  }
0x3: {  	_ = 	snop  }
0x4: {  	_ = 	snop  }
0x5: {  	_ = 	snop  }
0x6: {  	_ = 	snop  }
0x7: {  	_ = 	snop  }
__scs_overlays_trampoline_lowered:
0x8: {  	[smem:$0x3F9B] =	sst s0  }
0x9: {  	[smem:$0x3F9C] =	sst s1  }
0xa: {  	[smem:$0x3F9D] =	sst s2  }
0xb: {  	[smem:$0x3F9E] =	sst s3  }
0xc: {  	[smem:$0x3F9F] =	sst s4  }
0xd: {  	[smem:$0x3FA0] =	sst s5  }
0xe: {  	[smem:$0x3FA1] =	sst s6  }
0xf: {  	[smem:$0x3FA2] =	sst s7  }
0x10: {  	[smem:$0x3FA3] =	sst s8  }
0x11: {  	[smem:$0x3FA4] =	sst s9;
	s0 =	simm.s32 @!p0 $0x0  }
0x12: {  	s1 =	sld [smem:$0x3F8A];
	s0 =	simm.s32 @p0 $0x1  }
0x13: {  	[smem:$0x3FA5] =	sst s0;
	s0 =	simm.s32 @!p1 $0x0  }
0x14: {  	s2 =	sld [smem:$0x3F89];
	s0 =	simm.s32 @p1 $0x1  }
0x15: {  	[smem:$0x3FA6] =	sst s0;
	s0 =	simm.s32 @!p2 $0x0  }
0x16: {  	s3 =	sld [smem:$0x3FDB];
	s0 =	simm.s32 @p2 $0x1  }
0x17: {  	s4 =	simm.s32 $0x1BF5;
	[smem:$0x3FA8] =	sst s0  }
0x18: {  	s0 =	sld [smem:$0x3F8B];
	_ =	swait.ge [sflag:s4], $0x0  }
0x19: {  	s7 =	sld [smem:$0x3F8C]  }
0x1a: {  	s8 =	sadd.s32 $0xFFFFE003, lr  }
0x1b: {  	s9 =	sadd.s32 $0xFFFFFEF7, lr;
	s5 =	simm.s32 $0xFFFFFFFF;
	p2 =	slt.u32 s8, $0xFFFFF086  }
0x1c: {  	p1 =	slt.u32 s9, $0xF7A;
	s5 =	simm.s32 @!p2 $0x0  }
0x1d: {  	s5 =	simm.s32 @p1 $0x1;
	p0 =	seq.s32 s7, s2  }
0x1e: {  	s7 =	smul.u32 @!p0 $0xF7A, s2;
	p2 =	seq.s32 @!p0 s5, $0x0  }
0x1f: {  	s9 =	smul.u32 $0xF7A, s1;
	s8 =	simm.s32 @!p0 $0x1BF5;
	p2 =	por !p2, p0  }
0x20: {  	[sflag:s8] =	ssyncset.s32 @!p0 $0xFFFFF086;
	s6 =	sadd.s32 @!p0 s3, s7;
	s7 =	simm.s32 @!p0 $0x108  }
0x21: {  	s3 =	sadd.s32 s3, s9;
	s6 =	sadd.s32 @!p0 $0x88, s6;
	s7 =	simm.s32 @p2 $0x1082  }
0x22: {  	[simem:s7], [sflag:s8] =	dma.local @!p0 [hbm:s6], $0xF7A  }
0x23: {  	s9 =	sor.u32 $0xD0000000, s2;
	s6 =	simm.s32 $0x108;
	_ =	swait.ge @!p0 [sflag:s8], $0x0  }
0x24: {  	s3 =	sadd.s32 $0x88, s3;
	s6 =	simm.s32 @!p1 $0x1082;
	[sflag:s4] =	ssyncset.s32 $0xFFFFF086  }
0x25: {  	[simem:s6], [sflag:s4] =	dma.local [hbm:s3], $0xF7A  }
0x26: {  	[smem:$0x3F8C] =	sst s1;
	(tag) =	ssettag s2;
	_ =	strace s9  }
0x27: {  	s1 =	sld [smem:$0x3F9C]  }
0x28: {  	s2 =	sld [smem:$0x3F9D]  }
0x29: {  	s4 =	sld [smem:$0x3F9F]  }
0x2a: {  	p0 =	seq.s32 s5, $0x0;
	s5 =	sld [smem:$0x3FA0]  }
0x2b: {  	s6 =	sld [smem:$0x3FA1]  }
0x2c: {  	s7 =	sld [smem:$0x3FA2]  }
0x2d: {  	s3 =	simm.s32 $0x108;
	s8 =	sld [smem:$0x3FA3]  }
0x2e: {  	s3 =	simm.s32 @!p0 $0x1082;
	s9 =	sld [smem:$0x3FA4]  }
0x2f: {  	lr =	sadd.s32 s0, s3;
	s0 =	sld [smem:$0x3F9B]  }
0x30: {  	s3 =	sld [smem:$0x3F9E]  }
0x31: {  	[smem:$0x3FA7] =	sst s10  }
0x32: {  	s10 =	sld [smem:$0x3FA5];
	_ =	sdelay $0x3  }
0x33: {  	p0 =	seq.s32 s10, $0x1;
	s10 =	sld [smem:$0x3FA7];
	_ =	sdelay $0x3  }
0x34: {  	[smem:$0x3FA7] =	sst s10  }
0x35: {  	s10 =	sld [smem:$0x3FA6];
	_ =	sdelay $0x3  }
0x36: {  	p1 =	seq.s32 s10, $0x1;
	s10 =	sld [smem:$0x3FA7];
	_ =	sdelay $0x3  }
0x37: {  	[smem:$0x3FA7] =	sst s10  }
0x38: {  	s10 =	sld [smem:$0x3FA8]  }
0x39: {  	_ = 	snop;
	(pc) =	sbr.ind lr, $3  }
0x3a: {  	_ = 	snop  }
0x3b: {  	_ = 	snop  }
0x3c: {  	p2 =	seq.s32 s10, $0x1;
	s10 =	sld [smem:$0x3FA7]  }
0x3d: {  	_ =	shalt  }
0x3e: {  	_ =	shalt  }
0x3f: {  	_ =	shalt  }
0x40: {  	_ =	shalt  }
0x41: {  	_ =	shalt  }
0x42: {  	_ =	shalt  }
0x43: {  	_ =	shalt  }
0x44: {  	_ =	shalt  }
0x45: {  	_ =	shalt  }
0x46: {  	_ =	shalt  }
0x47: {  	_ =	shalt  }
0x48: {  	_ =	shalt  }
0x49: {  	_ =	shalt  }
0x4a: {  	_ =	shalt  }
0x4b: {  	_ =	shalt  }
0x4c: {  	_ =	shalt  }
0x4d: {  	_ =	shalt  }
0x4e: {  	_ =	shalt  }
0x4f: {  	_ =	shalt  }
0x50: {  	_ =	shalt  }
0x51: {  	_ =	shalt  }
0x52: {  	_ =	shalt  }
0x53: {  	_ =	shalt  }
0x54: {  	_ =	shalt  }
0x55: {  	_ =	shalt  }
0x56: {  	_ =	shalt  }
0x57: {  	_ =	shalt  }
0x58: {  	_ =	shalt  }
0x59: {  	_ =	shalt  }
0x5a: {  	_ =	shalt  }
0x5b: {  	_ =	shalt  }
0x5c: {  	_ =	shalt  }
0x5d: {  	_ =	shalt  }
0x5e: {  	_ =	shalt  }
0x5f: {  	_ =	shalt  }
0x60: {  	_ =	shalt  }
0x61: {  	_ =	shalt  }
0x62: {  	_ =	shalt  }
0x63: {  	_ =	shalt  }
0x64: {  	_ =	shalt  }
0x65: {  	_ =	shalt  }
0x66: {  	_ =	shalt  }
0x67: {  	_ =	shalt  }
0x68: {  	_ =	shalt  }
0x69: {  	_ =	shalt  }
0x6a: {  	_ =	shalt  }
0x6b: {  	_ =	shalt  }
0x6c: {  	_ =	shalt  }
0x6d: {  	_ =	shalt  }
0x6e: {  	_ =	shalt  }
0x6f: {  	_ =	shalt  }
0x70: {  	_ =	shalt  }
0x71: {  	_ =	shalt  }
0x72: {  	_ =	shalt  }
0x73: {  	_ =	shalt  }
0x74: {  	_ =	shalt  }
0x75: {  	_ =	shalt  }
0x76: {  	_ =	shalt  }
0x77: {  	_ =	shalt  }
0x78: {  	_ =	shalt  }
0x79: {  	_ =	shalt  }
0x7a: {  	_ =	shalt  }
0x7b: {  	_ =	shalt  }
0x7c: {  	_ =	shalt  }
0x7d: {  	_ =	shalt  }
0x7e: {  	_ =	shalt  }
0x7f: {  	_ =	shalt  }
0x80: {  	_ =	shalt  }
0x81: {  	_ =	shalt  }
0x82: {  	_ =	shalt  }
0x83: {  	_ =	shalt  }
0x84: {  	_ =	shalt  }
0x85: {  	_ =	shalt  }
0x86: {  	_ =	shalt  }
0x87: {  	_ =	shalt  }
.Lfunc_end0:
.L_simem_size_0:
called_computation.1_lowered:
.L_overlay_start_0:
0x88: {  	s2 =	sld [smem:$0x3FD9]  }
0x89: {  	s3 =	sld [smem:$0x3FFE];
	_ =	sdelay $0x1  }
0x8a: {  	s1 =	srdreg.scid  }
0x8b: {  	s0 =	sand.u32 $0x1, s1  }
0x8c: {  	s16 =	sshll.u32 s0, $0xA;
	s2 =	sadd.s32 s3, s2  }
0x8d: {  	s2 =	sadd.s32 s2, s16  }
0x8e: {  	[smem:$0x3FB3] =	sst s2  }
0x8f: {  	_ = 	snop  }
0x90: {  	(tm) =	ssettm $0x1  }
0x91: {  	s17 =	sld [smem:$0x3FFB];
	_ =	sdelay $0x3  }
0x92: {  	_ =	strace s17  }
0x93: {  	s2 =	sld [smem:$0x3FFC];
	_ =	sdelay $0x3  }
0x94: {  	_ =	strace s2  }
0x95: {  	s2 =	sld [smem:$0x3FFD];
	_ =	sdelay $0x3  }
0x96: {  	_ =	strace s2  }
0x97: {  	_ =	strace $0x8FFFFFFF  }
0x98: {  	s18 =	sld [smem:$0x3FDB];
	_ =	sdelay $0x1  }
0x99: {  	s19 =	simm.s32 $_scs_section_size  }
0x9a: {  	s4 =	simm.s32 $_size__tile_overlayer_lowered;
	s5 =	simm.s32 $_tile_overlayer_lowered  }
0x9b: {  	s22 =	simm.s32 $0x1BFF;
	s21 =	sshll.u32 s5, $0x1;
	s2 =	sadd.s32 s19, s18  }
0x9c: {  	s6 =	simm.s32 $0x0;
	s20 =	sshll.u32 s4, $0x1;
	s4 =	sadd.s32 s21, s2  }
0x9d: {  	[timem:s6], [sflag:s22] =	dma.local [hbm:s4], s20  }
0x9e: {  	_ =	swait.ge [sflag:s22], s20  }
0x9f: {  	s3 =	ssub.s32 $0x0, s20;
	[sflag:s22] =	ssyncset.done $0x0  }
0xa0: {  	[sflag:s22] =	ssyncadd.s32 s3;
	_ =	sdelay $0x1  }
0xa1: {  	s23 =	simm.s32 $0x1B8B  }
0xa2: {  	_ =	swait.ge [sflag:s23], $0x1  }
0xa3: {  	[sflag:s23] =	ssyncset.done $0x0  }
0xa4: {  	s25 =	simm.s32 $0x1B8E;
	s24 =	sld [smem:$0x3FFE];
	[sflag:s23] =	ssyncadd.s32 $0xFFFFFFFF  }
0xa5: {  	s26 =	simm.s32 $execute0_lowered;
	[smem:$0x3FD2] =	sst s25  }
0xa6: {  	s4 =	sshll.u32 s26, $0x1;
	_ =	strace $0x80000049;
	[dreg:$0x1] =	wrdreg $0xFFFFFFFF  }
0xa7: {  	s28 =	simm.s32 $_size_execute0_lowered;
	s2 =	sadd.s32 s2, s4;
	[dreg:$0x0] =	wrdreg $0x0  }
0xa8: {  	s4 =	sshll.u32 s28, $0x1;
	[dreg:$0x2] =	wrdreg s2  }
0xa9: {  	[dreg:$0x3] =	wrdreg s4  }
0xaa: {  	[dreg:$0x4] =	wrdreg $0xC0  }
0xab: {  	_ =	task [dreg:s6], $0x5FFFF  }
0xac: {  	[dreg:$0x1] =	wrdreg $0xFFFFFFFF  }
0xad: {  	[dreg:$0x0] =	wrdreg $0x60  }
0xae: {  	[dreg:$0x2] =	wrdreg s24  }
0xaf: {  	[dreg:$0x3] =	wrdreg $0x81000  }
0xb0: {  	[dreg:$0x4] =	wrdreg $0x9  }
0xb1: {  	_ =	task.clear_ibuf [dreg:s6], $0x5FFFF;
	_ =	strace $0x90000049  }
0xb2: {  	s29 =	simm.s32 $0x9;
	_ =	strace $0x8000004B  }
0xb3: {  	_ =	swait.ge [sflag:s29], $0x1  }
0xb4: {  	[sflag:s29] =	ssyncadd.s32 $0xFFFFFFFF  }
0xb5: {  	_ =	strace $0x9000004B  }
0xb6: {  	_ =	sfence  }
0xb7: {  	s30 =	sld [smem:$0x0];
	_ =	sdelay $0x2  }
0xb8: {  	s31 =	sshll.u32 s1, $0xD;
	s1 =	sshrl.u32 s1, $0x2  }
0xb9: {  	s3 =	sand.u32 $0x4000, s31;
	s1 =	sadd.s32 s1, s30  }
0xba: {  	s0 =	sor.u32 s3, s0;
	s1 =	sshll.u32 s1, $0x11  }
0xbb: {  	s0 =	sor.u32 s1, s0  }
0xbc: {  	s0 =	sadd.s32 $0x8F2B, s0  }
0xbd: {  	[sflag:s0] =	ssyncadd.remote.s32 $0x1  }
0xbe: {  	_ =	sfence.sel $0xFFFF  }
0xbf: {  	[dreg:$0x0] =	wrdreg $0xFFFFFFFF;
	(pc) =	sbr.abs _section_cstart, $3  }
0xc0: {  	[dreg:$0x1] =	wrdreg $0xFFFFFFFF  }
0xc1: {  	_ =	task.clear_ibuf [dreg:s6], $0x2FFFF;
	_ =	strace $0x9FFFFFFF  }
0xc2: {  	(tm) =	ssettm $0x7FFFFFFF  }
0xc3: {  	_ =	shalt  }
tec
execute0_lowered:
.L_overlay_start_1:
0x0: {  	(tag) =	ssettag $0x1  }
0x1: {  	s3 =	srdreg.scid  }
0x2: {  	s6 =	sand.u32 $0x1, s3  }
0x3: {  	s5 =	rddreg [dreg:$0x0];
	s4 =	smul.u32 $0x4F00, s6  }
0x4: {  	s3 =	stileid.u32;
	s7 =	smul.u32 $0x28000, s6  }
0x5: {  	s1 =	rddreg [dreg:$0x1];
	s8 =	smul.u32 $0x280, s3  }
0x6: {  	s0 =	rddreg [dreg:$0x2];
	s2 =	simm.s32 $0x0;
	s9 =	smul.u32 $0x50000, s3  }
0x7: {  	[smem:$0x7FF] =	sst s2;
	s17 =	smul.u32 $0x4F0, s3  }
0x8: {  	_ =	strace $0x8000004A;
	s6 =	ssub.s32 $0x2, s6;
	s18 =	smul.u32 $0x2800, s3  }
0x9: {  	s24 =	sshrl.u32 s6, $0x1;
	s10 =	sadd.s32 s4, s5;
	s4 =	sadd.s32 $0x21C00, s5  }
0xa: {  	s11 =	sadd.s32 s7, s5;
	s12 =	sadd.s32 $0x80, s8;
	s13 =	ssub.s32 s6, s24  }
0xb: {  	s25 =	sshrl.u32 s9, $0x2;
	s14 =	sadd.s32 $0x100, s8;
	s15 =	sadd.s32 $0x180, s8  }
0xc: {  	s16 =	sadd.s32 $0x200, s8;
	s26 =	sshll.u32 s12, $0x7;
	s5 =	sadd.s32 s25, s1  }
0xd: {  	s28 =	sshll.u32 s14, $0x7;
	s29 =	sshll.u32 s15, $0x7;
	s30 =	sshll.u32 s16, $0x7  }
0xe: {  	s22 =	sadd.s32 $0x49C00, s11;
	s19 =	sshll.u32 s12, $0x4;
	s20 =	sshll.u32 s14, $0x4  }
0xf: {  	s21 =	sshll.u32 s15, $0x4;
	s31 =	sadd.s32 s17, s10;
	s23 =	sshll.u32 s16, $0x4  }
0x10: {  	s10 =	smax.u32 s13, $0x1;
	s13 =	simm.s32 $0x4100;
	s14 =	simm.s32 $0x2  }
0x11: {  	s15 =	simm.s32 $0x80;
	s16 =	simm.s32 $0x100;
	s17 =	simm.s32 $0x1  }
0x12: {  	s6 =	sadd.s32 s26, s1;
	s7 =	sadd.s32 s28, s1;
	s8 =	sadd.s32 s29, s1  }
0x13: {  	s9 =	sadd.s32 s30, s1;
	s11 =	sadd.s32 $0x4000, s31;
	s12 =	sadd.s32 $0x17E00, s31  }
0x14: {  	s18 =	sadd.s32 s18, s22;
	s19 =	sadd.s32 s19, s22;
	s20 =	sadd.s32 s20, s22  }
0x15: {  	v0 =	vimm.f32 $0.0e+00;
	s21 =	sadd.s32 s21, s22;
	s22 =	sadd.s32 s23, s22;
	s23 =	simm.s32 $0x0  }
.LBB2_1:
0x16: {  	s25 =	sand.u32 $0xFE00, s2  }
0x17: {  	s24 =	simm.s32 $0x0;
	s26 =	sand.u32 $0x40, s2;
	s25 =	sshrl.u32 s25, $0x2  }
0x18: {  	s28 =	simm.s32 $0x0;
	s25 =	sor.u32 s26, s25;
	s26 =	simm.s32 $0x0  }
.LBB2_2:
0x19: {  	s24 =	sadd.s32 $0x4, s24  }
0x1a: {  	[tilespmem:s25+$0x4130] =	vst v0;
	s26 =	sadd.s32 $0x40, s26;
	s28 =	sadd.s32 $0x100, s28;
	p0 =	slt.u32 s24, $0x3FC  }
.Ltmp0:
0x1b: {  	[tilespmem:s25+$0x4120] =	vst v0;
	(pc) =	sbr.rel @p0 .LBB2_2-.Ltmp0, $4  }
0x1c: {  	[tilespmem:s25+$0x4100] =	vst v0  }
0x1d: {  	s29 =	sand.u32 $0xFE00, s28;
	[tilespmem:s25+$0x4110] =	vst v0  }
0x1e: {  	s29 =	sshrl.u32 s29, $0x2;
	s25 =	sand.u32 $0x40, s26  }
0x1f: {  	s25 =	sor.u32 s25, s29  }
0x20: {  	[tilespmem:s25+$0x4130] =	vst v0  }
0x21: {  	[tilespmem:s25+$0x4120] =	vst v0  }
0x22: {  	[tilespmem:s25+$0x4100] =	vst v0  }
0x23: {  	[tilespmem:s25+$0x4110] =	vst v0  }
0x24: {  	[spmem:s5] =	stream.linear.scatter [tilespmem:s13], [sflag:$0x2], $0x4000, $0x38;
	[tilespmem:$0x1C100] =	vst v63  }
0x25: {  	_ =	swait.ge [sflag:s14], $0x4000  }
0x26: {  	[sflag:s14] =	ssyncset.done $0x0  }
0x27: {  	[sflag:s14] =	ssyncadd.s32 $0xFFFFC000  }
0x28: {  	[spmem:s6] =	stream.linear.scatter [tilespmem:s13], [sflag:$0x2], $0x4000, $0x38;
	[tilespmem:$0x1C100] =	vst v63  }
0x29: {  	_ =	swait.ge [sflag:s14], $0x4000  }
0x2a: {  	[sflag:s14] =	ssyncset.done $0x0  }
0x2b: {  	[sflag:s14] =	ssyncadd.s32 $0xFFFFC000  }
0x2c: {  	[spmem:s7] =	stream.linear.scatter [tilespmem:s13], [sflag:$0x2], $0x4000, $0x38;
	[tilespmem:$0x1C100] =	vst v63  }
0x2d: {  	_ =	swait.ge [sflag:s14], $0x4000  }
0x2e: {  	[sflag:s14] =	ssyncset.done $0x0  }
0x2f: {  	[sflag:s14] =	ssyncadd.s32 $0xFFFFC000  }
0x30: {  	[spmem:s8] =	stream.linear.scatter [tilespmem:s13], [sflag:$0x2], $0x4000, $0x38;
	[tilespmem:$0x1C100] =	vst v63  }
0x31: {  	_ =	swait.ge [sflag:s14], $0x4000  }
0x32: {  	[sflag:s14] =	ssyncset.done $0x0  }
0x33: {  	[sflag:s14] =	ssyncadd.s32 $0xFFFFC000  }
0x34: {  	[spmem:s9] =	stream.linear.scatter [tilespmem:s13], [sflag:$0x2], $0x4000, $0x38;
	[tilespmem:$0x1C100] =	vst v63  }
0x35: {  	_ =	swait.ge [sflag:s14], $0x4000  }
0x36: {  	[sflag:s14] =	ssyncset.done $0x0  }
0x37: {  	[sflag:s14] =	ssyncadd.s32 $0xFFFFC000  }
0x38: {  	s24 =	sadd.s32 $0x0, s12;
	[bflag:$0x0] =	sbarrier.arrive $0xFFFF  }
0x39: {  	[tilespmem:s2], [sflag:$0x2] =	stream.linear.gather [hbm4b:s24+s2], $0x80, $0x38;
	[tilespmem:$0x1C100] =	vst v63  }
0x3a: {  	_ =	swait.ge [sflag:s14], $0x80  }
0x3b: {  	[sflag:s14] =	ssyncset.done $0x0  }
0x3c: {  	s31 =	sadd.s32 $0x0, s11;
	[sflag:s14] =	ssyncadd.s32 $0xFFFFFF80  }
0x3d: {  	[tilespmem:s15], [sflag:$0x2] =	stream.linear.gather [hbm4b:s31+s2], $0x80, $0x38;
	[tilespmem:$0x1C100] =	vst v63  }
0x3e: {  	_ =	swait.ge [sflag:s14], $0x80  }
0x3f: {  	[sflag:s14] =	ssyncset.done $0x0  }
0x40: {  	[sflag:s14] =	ssyncadd.s32 $0xFFFFFF80  }
0x41: {  	[tilespmem:s16], [sflag:$0x1] =	stream.indirect.gather [hbm4b:s4+s15], $0x80, s2, s15, $0xb8;
	[tilespmem:$0x1C100] =	vst v63  }
0x42: {  	_ =	swait.ge [sflag:s17], $0x4000  }
0x43: {  	[sflag:s17] =	ssyncset.done $0x0  }
0x44: {  	[sflag:s17] =	ssyncadd.s32 $0xFFFFC000  }
0x45: {  	[spmem:s1] =	stream.indirect.scatter.add.f32 [tilespmem:s16], [sflag:$0x2], $0x80, s15, s15, $0xb8;
	[tilespmem:$0x1C100] =	vst v63  }
0x46: {  	_ =	swait.ge [sflag:s14], $0x4000  }
0x47: {  	s25 =	simm.s32 $0x20;
	s24 =	simm.s32 $0x10;
	[sflag:s14] =	ssyncset.done $0x0  }
.LBB2_4:
0x48: {  	s26 =	sadd.s32 s24, s12  }
0x49: {  	[sflag:s14] =	ssyncadd.s32 $0xFFFFC000;
	s28 =	smov.u32 s25;
	s29 =	sadd.s32 $0x10, s25  }
0x4a: {  	[tilespmem:s2], [sflag:$0x2] =	stream.linear.gather [hbm4b:s26+s2], $0x80, $0x38;
	[tilespmem:$0x1C100] =	vst v63  }
0x4b: {  	p0 =	sne.s32 s25, $0x4E0;
	_ =	swait.ge [sflag:s14], $0x80  }
0x4c: {  	[sflag:s14] =	ssyncset.done $0x0  }
0x4d: {  	s25 =	sadd.s32 s24, s11;
	s24 =	smov.u32 s28;
	[sflag:s14] =	ssyncadd.s32 $0xFFFFFF80  }
0x4e: {  	[tilespmem:s15], [sflag:$0x2] =	stream.linear.gather [hbm4b:s25+s2], $0x80, $0x38;
	[tilespmem:$0x1C100] =	vst v63  }
0x4f: {  	_ =	swait.ge [sflag:s14], $0x80  }
0x50: {  	[sflag:s14] =	ssyncset.done $0x0  }
0x51: {  	[sflag:s14] =	ssyncadd.s32 $0xFFFFFF80  }
0x52: {  	[tilespmem:s16], [sflag:$0x1] =	stream.indirect.gather [hbm4b:s4+s15], $0x80, s2, s15, $0xb8;
	[tilespmem:$0x1C100] =	vst v63  }
0x53: {  	_ =	swait.ge [sflag:s17], $0x4000  }
.Ltmp1:
0x54: {  	[sflag:s17] =	ssyncset.done $0x0;
	(pc) =	sbr.rel @p0 .LBB2_4-.Ltmp1, $4  }
0x55: {  	[sflag:s17] =	ssyncadd.s32 $0xFFFFC000  }
0x56: {  	[spmem:s1] =	stream.indirect.scatter.add.f32 [tilespmem:s16], [sflag:$0x2], $0x80, s15, s15, $0xb8;
	[tilespmem:$0x1C100] =	vst v63  }
0x57: {  	_ =	swait.ge [sflag:s14], $0x4000  }
0x58: {  	s25 =	smov.u32 s29;
	[sflag:s14] =	ssyncset.done $0x0  }
0x59: {  	s25 =	sadd.s32 s24, s12;
	[sflag:s14] =	ssyncadd.s32 $0xFFFFC000  }
0x5a: {  	[tilespmem:s2], [sflag:$0x2] =	stream.linear.gather [hbm4b:s25+s2], $0x80, $0x38;
	[tilespmem:$0x1C100] =	vst v63  }
0x5b: {  	_ =	swait.ge [sflag:s14], $0x80  }
0x5c: {  	[sflag:s14] =	ssyncset.done $0x0  }
0x5d: {  	s31 =	sadd.s32 s24, s11;
	[sflag:s14] =	ssyncadd.s32 $0xFFFFFF80  }
0x5e: {  	[tilespmem:s15], [sflag:$0x2] =	stream.linear.gather [hbm4b:s31+s2], $0x80, $0x38;
	[tilespmem:$0x1C100] =	vst v63  }
0x5f: {  	_ =	swait.ge [sflag:s14], $0x80  }
0x60: {  	[sflag:s14] =	ssyncset.done $0x0  }
0x61: {  	[sflag:s14] =	ssyncadd.s32 $0xFFFFFF80  }
0x62: {  	[tilespmem:s16], [sflag:$0x1] =	stream.indirect.gather [hbm4b:s4+s15], $0x80, s2, s15, $0xb8;
	[tilespmem:$0x1C100] =	vst v63  }
0x63: {  	_ =	swait.ge [sflag:s17], $0x4000  }
0x64: {  	[sflag:s17] =	ssyncset.done $0x0  }
0x65: {  	[sflag:s17] =	ssyncadd.s32 $0xFFFFC000  }
0x66: {  	[spmem:s1] =	stream.indirect.scatter.add.f32 [tilespmem:s16], [sflag:$0x2], $0x80, s15, s15, $0xb8;
	[tilespmem:$0x1C100] =	vst v63  }
0x67: {  	_ =	swait.ge [sflag:s14], $0x4000  }
0x68: {  	[sflag:s14] =	ssyncset.done $0x0  }
0x69: {  	s25 =	sshll.u32 s3, $0x6;
	[sflag:s14] =	ssyncadd.s32 $0xFFFFC000  }
0x6a: {  	s26 =	sshrl.u32 s5, $0x3;
	s24 =	sor.u32 $0x1C02, s25;
	[bflag:$0x0] =	sbarrier.arrive $0xFFFF  }
0x6b: {  	[hbm:s18], [sflag:s24] =	dma.local [spmem:s26], $0x800  }
0x6c: {  	_ =	swait.ge [sflag:s14], $0x800  }
0x6d: {  	[sflag:s14] =	ssyncset.done $0x0  }
0x6e: {  	s28 =	sshrl.u32 s6, $0x3;
	[sflag:s14] =	ssyncadd.s32 $0xFFFFF800  }
0x6f: {  	[hbm:s19], [sflag:s24] =	dma.local [spmem:s28], $0x800  }
0x70: {  	_ =	swait.ge [sflag:s14], $0x800  }
0x71: {  	[sflag:s14] =	ssyncset.done $0x0  }
0x72: {  	s29 =	sshrl.u32 s7, $0x3;
	[sflag:s14] =	ssyncadd.s32 $0xFFFFF800  }
0x73: {  	[hbm:s20], [sflag:s24] =	dma.local [spmem:s29], $0x800  }
0x74: {  	_ =	swait.ge [sflag:s14], $0x800  }
0x75: {  	[sflag:s14] =	ssyncset.done $0x0  }
0x76: {  	s30 =	sshrl.u32 s8, $0x3;
	[sflag:s14] =	ssyncadd.s32 $0xFFFFF800  }
0x77: {  	[hbm:s21], [sflag:s24] =	dma.local [spmem:s30], $0x800  }
0x78: {  	s23 =	sadd.s32 $0x1, s23;
	_ =	swait.ge [sflag:s14], $0x800  }
0x79: {  	p0 =	sne.s32 s23, s10;
	[sflag:s14] =	ssyncset.done $0x0  }
.Ltmp2:
0x7a: {  	s31 =	sshrl.u32 s9, $0x3;
	[sflag:s14] =	ssyncadd.s32 $0xFFFFF800;
	(pc) =	sbr.rel @p0 .LBB2_1-.Ltmp2, $4  }
0x7b: {  	[hbm:s22], [sflag:s24] =	dma.local [spmem:s31], $0x800  }
0x7c: {  	_ =	swait.ge [sflag:s14], $0x800  }
0x7d: {  	[sflag:s14] =	ssyncset.done $0x0  }
0x7e: {  	[sflag:s14] =	ssyncadd.s32 $0xFFFFF800  }
0x7f: {  	_ =	sfence.sel $0x180000  }
0x80: {  	[bflag:$0x0] =	sbarrier.arrive $0xFFFF  }
0x81: {  	p0 =	sne.s32 s3, $0x0;
	_ =	strace $0x9000004A  }
0x82: {  	s0 =	sadd.s32 @!p0 $0x100000, s0;
	[bflag:$0x2] =	sbarrier.arrive $0xFFFF  }
0x83: {  	[sflag:s0] =	ssyncadd.tile.s32 @!p0 $0x1;
	_ =	shalt  }
.Lfunc_end2:
_tile_overlayer_lowered:
.L_overlay_start_2:
0x84: {  	(tag) =	ssettag $0x2  }
0x85: {  	s0 =	rddreg [dreg:$0x0];
	s2 =	stileid.u32  }
0x86: {  	s1 =	rddreg [dreg:$0x1];
	p0 =	sne.s32 s2, $0x0  }
0x87: {  	s3 =	rddreg [dreg:$0x2];
	[bflag:$0x3] =	sbarrier.arrive $0xFFFF;
	s2 =	simm.s32 @!p0 $0x1C02  }
0x88: {  	[timem:s3], [sflag:s2] =	dma.local @!p0 [hbm:s0], s1  }
0x89: {  	s0 =	simm.s32 @!p0 $0x2  }
0x8a: {  	_ =	swait.ge @!p0 [sflag:s0], s1  }
0x8b: {  	s1 =	ssub.s32 @!p0 $0x0, s1;
	[sflag:s0] =	ssyncset.done @!p0 $0x0  }
0x8c: {  	[sflag:s0] =	ssyncadd.s32 @!p0 s1  }
0x8d: {  	[bflag:$0x3] =	sbarrier.arrive $0xFFFF  }
0x8e: {  	_ =	shalt  }

// kernel: kernel.14.cloned.1.call-start
scs
__scs_entry_jumppad:
0x0: {  	(pc) =	sbr.rel $0x88, $3  }
0x1: {  	(tag) =	ssettag $0x0;
	lr =	simm.s32 $0x1  }
0x2: {  	[smem:$0x3F8C] =	sst lr;
	_ =	strace $0xD0000000  }
0x3: {  	_ = 	snop  }
0x4: {  	_ = 	snop  }
0x5: {  	_ = 	snop  }
0x6: {  	_ = 	snop  }
0x7: {  	_ = 	snop  }
__scs_overlays_trampoline_lowered:
0x8: {  	[smem:$0x3F9B] =	sst s0  }
0x9: {  	[smem:$0x3F9C] =	sst s1  }
0xa: {  	[smem:$0x3F9D] =	sst s2  }
0xb: {  	[smem:$0x3F9E] =	sst s3  }
0xc: {  	[smem:$0x3F9F] =	sst s4  }
0xd: {  	[smem:$0x3FA0] =	sst s5  }
0xe: {  	[smem:$0x3FA1] =	sst s6  }
0xf: {  	[smem:$0x3FA2] =	sst s7  }
0x10: {  	[smem:$0x3FA3] =	sst s8  }
0x11: {  	[smem:$0x3FA4] =	sst s9;
	s0 =	simm.s32 @!p0 $0x0  }
0x12: {  	s1 =	sld [smem:$0x3F8A];
	s0 =	simm.s32 @p0 $0x1  }
0x13: {  	[smem:$0x3FA5] =	sst s0;
	s0 =	simm.s32 @!p1 $0x0  }
0x14: {  	s2 =	sld [smem:$0x3F89];
	s0 =	simm.s32 @p1 $0x1  }
0x15: {  	[smem:$0x3FA6] =	sst s0;
	s0 =	simm.s32 @!p2 $0x0  }
0x16: {  	s3 =	sld [smem:$0x3FDB];
	s0 =	simm.s32 @p2 $0x1  }
0x17: {  	s4 =	simm.s32 $0x1BF5;
	[smem:$0x3FA8] =	sst s0  }
0x18: {  	s0 =	sld [smem:$0x3F8B];
	_ =	swait.ge [sflag:s4], $0x0  }
0x19: {  	s7 =	sld [smem:$0x3F8C]  }
0x1a: {  	s8 =	sadd.s32 $0xFFFFE003, lr  }
0x1b: {  	s9 =	sadd.s32 $0xFFFFFEF7, lr;
	s5 =	simm.s32 $0xFFFFFFFF;
	p2 =	slt.u32 s8, $0xFFFFF086  }
0x1c: {  	p1 =	slt.u32 s9, $0xF7A;
	s5 =	simm.s32 @!p2 $0x0  }
0x1d: {  	s5 =	simm.s32 @p1 $0x1;
	p0 =	seq.s32 s7, s2  }
0x1e: {  	s7 =	smul.u32 @!p0 $0xF7A, s2;
	p2 =	seq.s32 @!p0 s5, $0x0  }
0x1f: {  	s9 =	smul.u32 $0xF7A, s1;
	s8 =	simm.s32 @!p0 $0x1BF5;
	p2 =	por !p2, p0  }
0x20: {  	[sflag:s8] =	ssyncset.s32 @!p0 $0xFFFFF086;
	s6 =	sadd.s32 @!p0 s3, s7;
	s7 =	simm.s32 @!p0 $0x108  }
0x21: {  	s3 =	sadd.s32 s3, s9;
	s6 =	sadd.s32 @!p0 $0x88, s6;
	s7 =	simm.s32 @p2 $0x1082  }
0x22: {  	[simem:s7], [sflag:s8] =	dma.local @!p0 [hbm:s6], $0xF7A  }
0x23: {  	s9 =	sor.u32 $0xD0000000, s2;
	s6 =	simm.s32 $0x108;
	_ =	swait.ge @!p0 [sflag:s8], $0x0  }
0x24: {  	s3 =	sadd.s32 $0x88, s3;
	s6 =	simm.s32 @!p1 $0x1082;
	[sflag:s4] =	ssyncset.s32 $0xFFFFF086  }
0x25: {  	[simem:s6], [sflag:s4] =	dma.local [hbm:s3], $0xF7A  }
0x26: {  	[smem:$0x3F8C] =	sst s1;
	(tag) =	ssettag s2;
	_ =	strace s9  }
0x27: {  	s1 =	sld [smem:$0x3F9C]  }
0x28: {  	s2 =	sld [smem:$0x3F9D]  }
0x29: {  	s4 =	sld [smem:$0x3F9F]  }
0x2a: {  	p0 =	seq.s32 s5, $0x0;
	s5 =	sld [smem:$0x3FA0]  }
0x2b: {  	s6 =	sld [smem:$0x3FA1]  }
0x2c: {  	s7 =	sld [smem:$0x3FA2]  }
0x2d: {  	s3 =	simm.s32 $0x108;
	s8 =	sld [smem:$0x3FA3]  }
0x2e: {  	s3 =	simm.s32 @!p0 $0x1082;
	s9 =	sld [smem:$0x3FA4]  }
0x2f: {  	lr =	sadd.s32 s0, s3;
	s0 =	sld [smem:$0x3F9B]  }
0x30: {  	s3 =	sld [smem:$0x3F9E]  }
0x31: {  	[smem:$0x3FA7] =	sst s10  }
0x32: {  	s10 =	sld [smem:$0x3FA5];
	_ =	sdelay $0x3  }
0x33: {  	p0 =	seq.s32 s10, $0x1;
	s10 =	sld [smem:$0x3FA7];
	_ =	sdelay $0x3  }
0x34: {  	[smem:$0x3FA7] =	sst s10  }
0x35: {  	s10 =	sld [smem:$0x3FA6];
	_ =	sdelay $0x3  }
0x36: {  	p1 =	seq.s32 s10, $0x1;
	s10 =	sld [smem:$0x3FA7];
	_ =	sdelay $0x3  }
0x37: {  	[smem:$0x3FA7] =	sst s10  }
0x38: {  	s10 =	sld [smem:$0x3FA8]  }
0x39: {  	_ = 	snop;
	(pc) =	sbr.ind lr, $3  }
0x3a: {  	_ = 	snop  }
0x3b: {  	_ = 	snop  }
0x3c: {  	p2 =	seq.s32 s10, $0x1;
	s10 =	sld [smem:$0x3FA7]  }
0x3d: {  	_ =	shalt  }
0x3e: {  	_ =	shalt  }
0x3f: {  	_ =	shalt  }
0x40: {  	_ =	shalt  }
0x41: {  	_ =	shalt  }
0x42: {  	_ =	shalt  }
0x43: {  	_ =	shalt  }
0x44: {  	_ =	shalt  }
0x45: {  	_ =	shalt  }
0x46: {  	_ =	shalt  }
0x47: {  	_ =	shalt  }
0x48: {  	_ =	shalt  }
0x49: {  	_ =	shalt  }
0x4a: {  	_ =	shalt  }
0x4b: {  	_ =	shalt  }
0x4c: {  	_ =	shalt  }
0x4d: {  	_ =	shalt  }
0x4e: {  	_ =	shalt  }
0x4f: {  	_ =	shalt  }
0x50: {  	_ =	shalt  }
0x51: {  	_ =	shalt  }
0x52: {  	_ =	shalt  }
0x53: {  	_ =	shalt  }
0x54: {  	_ =	shalt  }
0x55: {  	_ =	shalt  }
0x56: {  	_ =	shalt  }
0x57: {  	_ =	shalt  }
0x58: {  	_ =	shalt  }
0x59: {  	_ =	shalt  }
0x5a: {  	_ =	shalt  }
0x5b: {  	_ =	shalt  }
0x5c: {  	_ =	shalt  }
0x5d: {  	_ =	shalt  }
0x5e: {  	_ =	shalt  }
0x5f: {  	_ =	shalt  }
0x60: {  	_ =	shalt  }
0x61: {  	_ =	shalt  }
0x62: {  	_ =	shalt  }
0x63: {  	_ =	shalt  }
0x64: {  	_ =	shalt  }
0x65: {  	_ =	shalt  }
0x66: {  	_ =	shalt  }
0x67: {  	_ =	shalt  }
0x68: {  	_ =	shalt  }
0x69: {  	_ =	shalt  }
0x6a: {  	_ =	shalt  }
0x6b: {  	_ =	shalt  }
0x6c: {  	_ =	shalt  }
0x6d: {  	_ =	shalt  }
0x6e: {  	_ =	shalt  }
0x6f: {  	_ =	shalt  }
0x70: {  	_ =	shalt  }
0x71: {  	_ =	shalt  }
0x72: {  	_ =	shalt  }
0x73: {  	_ =	shalt  }
0x74: {  	_ =	shalt  }
0x75: {  	_ =	shalt  }
0x76: {  	_ =	shalt  }
0x77: {  	_ =	shalt  }
0x78: {  	_ =	shalt  }
0x79: {  	_ =	shalt  }
0x7a: {  	_ =	shalt  }
0x7b: {  	_ =	shalt  }
0x7c: {  	_ =	shalt  }
0x7d: {  	_ =	shalt  }
0x7e: {  	_ =	shalt  }
0x7f: {  	_ =	shalt  }
0x80: {  	_ =	shalt  }
0x81: {  	_ =	shalt  }
0x82: {  	_ =	shalt  }
0x83: {  	_ =	shalt  }
0x84: {  	_ =	shalt  }
0x85: {  	_ =	shalt  }
0x86: {  	_ =	shalt  }
0x87: {  	_ =	shalt  }
.Lfunc_end0:
.L_simem_size_0:
called_computation.2_lowered:
.L_overlay_start_0:
0x88: {  	s2 =	sld [smem:$0x3FD9]  }
0x89: {  	s3 =	sld [smem:$0x3FFE];
	_ =	sdelay $0x1  }
0x8a: {  	s1 =	srdreg.scid  }
0x8b: {  	s0 =	sand.u32 $0x1, s1  }
0x8c: {  	s16 =	sshll.u32 s0, $0xA;
	s2 =	sadd.s32 s3, s2  }
0x8d: {  	s2 =	sadd.s32 s2, s16  }
0x8e: {  	[smem:$0x3FB3] =	sst s2  }
0x8f: {  	_ = 	snop  }
0x90: {  	(tm) =	ssettm $0x1  }
0x91: {  	s17 =	sld [smem:$0x3FFB];
	_ =	sdelay $0x3  }
0x92: {  	_ =	strace s17  }
0x93: {  	s2 =	sld [smem:$0x3FFC];
	_ =	sdelay $0x3  }
0x94: {  	_ =	strace s2  }
0x95: {  	s2 =	sld [smem:$0x3FFD];
	_ =	sdelay $0x3  }
0x96: {  	_ =	strace s2  }
0x97: {  	_ =	strace $0x8FFFFFFF  }
0x98: {  	s18 =	sld [smem:$0x3FDB];
	_ =	sdelay $0x1  }
0x99: {  	s19 =	simm.s32 $_scs_section_size  }
0x9a: {  	s4 =	simm.s32 $_size__tile_overlayer_lowered;
	s5 =	simm.s32 $_tile_overlayer_lowered  }
0x9b: {  	s22 =	simm.s32 $0x1BFF;
	s21 =	sshll.u32 s5, $0x1;
	s2 =	sadd.s32 s19, s18  }
0x9c: {  	s6 =	simm.s32 $0x0;
	s20 =	sshll.u32 s4, $0x1;
	s4 =	sadd.s32 s21, s2  }
0x9d: {  	[timem:s6], [sflag:s22] =	dma.local [hbm:s4], s20  }
0x9e: {  	_ =	swait.ge [sflag:s22], s20  }
0x9f: {  	s3 =	ssub.s32 $0x0, s20;
	[sflag:s22] =	ssyncset.done $0x0  }
0xa0: {  	[sflag:s22] =	ssyncadd.s32 s3;
	_ =	sdelay $0x1  }
0xa1: {  	s23 =	simm.s32 $0x1B8B  }
0xa2: {  	_ =	swait.ge [sflag:s23], $0x1  }
0xa3: {  	[sflag:s23] =	ssyncset.done $0x0  }
0xa4: {  	s25 =	simm.s32 $0x1B8E;
	s24 =	sld [smem:$0x3FFE];
	[sflag:s23] =	ssyncadd.s32 $0xFFFFFFFF  }
0xa5: {  	s26 =	simm.s32 $execute0_lowered;
	[smem:$0x3FD2] =	sst s25  }
0xa6: {  	s4 =	sshll.u32 s26, $0x1;
	_ =	strace $0x8000004C;
	[dreg:$0x1] =	wrdreg $0xFFFFFFFF  }
0xa7: {  	s28 =	simm.s32 $_size_execute0_lowered;
	s2 =	sadd.s32 s2, s4;
	[dreg:$0x0] =	wrdreg $0x0  }
0xa8: {  	s4 =	sshll.u32 s28, $0x1;
	[dreg:$0x2] =	wrdreg s2  }
0xa9: {  	[dreg:$0x3] =	wrdreg s4  }
0xaa: {  	[dreg:$0x4] =	wrdreg $0xC0  }
0xab: {  	_ =	task [dreg:s6], $0x5FFFF  }
0xac: {  	[dreg:$0x1] =	wrdreg $0xFFFFFFFF  }
0xad: {  	[dreg:$0x0] =	wrdreg $0x60  }
0xae: {  	[dreg:$0x2] =	wrdreg s24  }
0xaf: {  	[dreg:$0x3] =	wrdreg $0x81000  }
0xb0: {  	[dreg:$0x4] =	wrdreg $0x9  }
0xb1: {  	_ =	task.clear_ibuf [dreg:s6], $0x5FFFF;
	_ =	strace $0x9000004C  }
0xb2: {  	s29 =	simm.s32 $0x9;
	_ =	strace $0x8000004E  }
0xb3: {  	_ =	swait.ge [sflag:s29], $0x1  }
0xb4: {  	[sflag:s29] =	ssyncadd.s32 $0xFFFFFFFF  }
0xb5: {  	_ =	strace $0x9000004E  }
0xb6: {  	_ =	sfence  }
0xb7: {  	s30 =	sld [smem:$0x0];
	_ =	sdelay $0x2  }
0xb8: {  	s31 =	sshll.u32 s1, $0xD;
	s1 =	sshrl.u32 s1, $0x2  }
0xb9: {  	s3 =	sand.u32 $0x4000, s31;
	s1 =	sadd.s32 s1, s30  }
0xba: {  	s0 =	sor.u32 s3, s0;
	s1 =	sshll.u32 s1, $0x11  }
0xbb: {  	s0 =	sor.u32 s1, s0  }
0xbc: {  	s0 =	sadd.s32 $0x8F2B, s0  }
0xbd: {  	[sflag:s0] =	ssyncadd.remote.s32 $0x1  }
0xbe: {  	_ =	sfence.sel $0xFFFF  }
0xbf: {  	[dreg:$0x0] =	wrdreg $0xFFFFFFFF;
	(pc) =	sbr.abs _section_cstart, $3  }
0xc0: {  	[dreg:$0x1] =	wrdreg $0xFFFFFFFF  }
0xc1: {  	_ =	task.clear_ibuf [dreg:s6], $0x2FFFF;
	_ =	strace $0x9FFFFFFF  }
0xc2: {  	(tm) =	ssettm $0x7FFFFFFF  }
0xc3: {  	_ =	shalt  }
tec
execute0_lowered:
.L_overlay_start_1:
0x0: {  	(tag) =	ssettag $0x1  }
0x1: {  	s3 =	srdreg.scid  }
0x2: {  	s6 =	sand.u32 $0x1, s3  }
0x3: {  	s5 =	rddreg [dreg:$0x0];
	s4 =	smul.u32 $0x4F00, s6  }
0x4: {  	s3 =	stileid.u32;
	s7 =	smul.u32 $0x28000, s6  }
0x5: {  	s1 =	rddreg [dreg:$0x1];
	s8 =	smul.u32 $0x280, s3  }
0x6: {  	s0 =	rddreg [dreg:$0x2];
	s2 =	simm.s32 $0x0;
	s9 =	smul.u32 $0x50000, s3  }
0x7: {  	[smem:$0x7FF] =	sst s2;
	s17 =	smul.u32 $0x4F0, s3  }
0x8: {  	_ =	strace $0x8000004D;
	s6 =	ssub.s32 $0x2, s6;
	s18 =	smul.u32 $0x2800, s3  }
0x9: {  	s24 =	sshrl.u32 s6, $0x1;
	s10 =	sadd.s32 s4, s5;
	s4 =	sadd.s32 $0x21C00, s5  }
0xa: {  	s11 =	sadd.s32 s7, s5;
	s12 =	sadd.s32 $0x80, s8;
	s13 =	ssub.s32 s6, s24  }
0xb: {  	s25 =	sshrl.u32 s9, $0x2;
	s14 =	sadd.s32 $0x100, s8;
	s15 =	sadd.s32 $0x180, s8  }
0xc: {  	s16 =	sadd.s32 $0x200, s8;
	s26 =	sshll.u32 s12, $0x7;
	s5 =	sadd.s32 s25, s1  }
0xd: {  	s28 =	sshll.u32 s14, $0x7;
	s29 =	sshll.u32 s15, $0x7;
	s30 =	sshll.u32 s16, $0x7  }
0xe: {  	s22 =	sadd.s32 $0x49C00, s11;
	s19 =	sshll.u32 s12, $0x4;
	s20 =	sshll.u32 s14, $0x4  }
0xf: {  	s21 =	sshll.u32 s15, $0x4;
	s31 =	sadd.s32 s17, s10;
	s23 =	sshll.u32 s16, $0x4  }
0x10: {  	s10 =	smax.u32 s13, $0x1;
	s13 =	simm.s32 $0x4100;
	s14 =	simm.s32 $0x2  }
0x11: {  	s15 =	simm.s32 $0x80;
	s16 =	simm.s32 $0x100;
	s17 =	simm.s32 $0x1  }
0x12: {  	s6 =	sadd.s32 s26, s1;
	s7 =	sadd.s32 s28, s1;
	s8 =	sadd.s32 s29, s1  }
0x13: {  	s9 =	sadd.s32 s30, s1;
	s11 =	sadd.s32 $0x4000, s31;
	s12 =	sadd.s32 $0x17E00, s31  }
0x14: {  	s18 =	sadd.s32 s18, s22;
	s19 =	sadd.s32 s19, s22;
	s20 =	sadd.s32 s20, s22  }
0x15: {  	v0 =	vimm.f32 $0.0e+00;
	s21 =	sadd.s32 s21, s22;
	s22 =	sadd.s32 s23, s22;
	s23 =	simm.s32 $0x0  }
.LBB2_1:
0x16: {  	s25 =	sand.u32 $0xFE00, s2  }
0x17: {  	s24 =	simm.s32 $0x0;
	s26 =	sand.u32 $0x40, s2;
	s25 =	sshrl.u32 s25, $0x2  }
0x18: {  	s28 =	simm.s32 $0x0;
	s25 =	sor.u32 s26, s25;
	s26 =	simm.s32 $0x0  }
.LBB2_2:
0x19: {  	s24 =	sadd.s32 $0x4, s24  }
0x1a: {  	[tilespmem:s25+$0x4130] =	vst v0;
	s26 =	sadd.s32 $0x40, s26;
	s28 =	sadd.s32 $0x100, s28;
	p0 =	slt.u32 s24, $0x3FC  }
.Ltmp0:
0x1b: {  	[tilespmem:s25+$0x4120] =	vst v0;
	(pc) =	sbr.rel @p0 .LBB2_2-.Ltmp0, $4  }
0x1c: {  	[tilespmem:s25+$0x4100] =	vst v0  }
0x1d: {  	s29 =	sand.u32 $0xFE00, s28;
	[tilespmem:s25+$0x4110] =	vst v0  }
0x1e: {  	s29 =	sshrl.u32 s29, $0x2;
	s25 =	sand.u32 $0x40, s26  }
0x1f: {  	s25 =	sor.u32 s25, s29  }
0x20: {  	[tilespmem:s25+$0x4130] =	vst v0  }
0x21: {  	[tilespmem:s25+$0x4120] =	vst v0  }
0x22: {  	[tilespmem:s25+$0x4100] =	vst v0  }
0x23: {  	[tilespmem:s25+$0x4110] =	vst v0  }
0x24: {  	[spmem:s5] =	stream.linear.scatter [tilespmem:s13], [sflag:$0x2], $0x4000, $0x38;
	[tilespmem:$0x1C100] =	vst v63  }
0x25: {  	_ =	swait.ge [sflag:s14], $0x4000  }
0x26: {  	[sflag:s14] =	ssyncset.done $0x0  }
0x27: {  	[sflag:s14] =	ssyncadd.s32 $0xFFFFC000  }
0x28: {  	[spmem:s6] =	stream.linear.scatter [tilespmem:s13], [sflag:$0x2], $0x4000, $0x38;
	[tilespmem:$0x1C100] =	vst v63  }
0x29: {  	_ =	swait.ge [sflag:s14], $0x4000  }
0x2a: {  	[sflag:s14] =	ssyncset.done $0x0  }
0x2b: {  	[sflag:s14] =	ssyncadd.s32 $0xFFFFC000  }
0x2c: {  	[spmem:s7] =	stream.linear.scatter [tilespmem:s13], [sflag:$0x2], $0x4000, $0x38;
	[tilespmem:$0x1C100] =	vst v63  }
0x2d: {  	_ =	swait.ge [sflag:s14], $0x4000  }
0x2e: {  	[sflag:s14] =	ssyncset.done $0x0  }
0x2f: {  	[sflag:s14] =	ssyncadd.s32 $0xFFFFC000  }
0x30: {  	[spmem:s8] =	stream.linear.scatter [tilespmem:s13], [sflag:$0x2], $0x4000, $0x38;
	[tilespmem:$0x1C100] =	vst v63  }
0x31: {  	_ =	swait.ge [sflag:s14], $0x4000  }
0x32: {  	[sflag:s14] =	ssyncset.done $0x0  }
0x33: {  	[sflag:s14] =	ssyncadd.s32 $0xFFFFC000  }
0x34: {  	[spmem:s9] =	stream.linear.scatter [tilespmem:s13], [sflag:$0x2], $0x4000, $0x38;
	[tilespmem:$0x1C100] =	vst v63  }
0x35: {  	_ =	swait.ge [sflag:s14], $0x4000  }
0x36: {  	[sflag:s14] =	ssyncset.done $0x0  }
0x37: {  	[sflag:s14] =	ssyncadd.s32 $0xFFFFC000  }
0x38: {  	s24 =	sadd.s32 $0x0, s12;
	[bflag:$0x0] =	sbarrier.arrive $0xFFFF  }
0x39: {  	[tilespmem:s2], [sflag:$0x2] =	stream.linear.gather [hbm4b:s24+s2], $0x80, $0x38;
	[tilespmem:$0x1C100] =	vst v63  }
0x3a: {  	_ =	swait.ge [sflag:s14], $0x80  }
0x3b: {  	[sflag:s14] =	ssyncset.done $0x0  }
0x3c: {  	s31 =	sadd.s32 $0x0, s11;
	[sflag:s14] =	ssyncadd.s32 $0xFFFFFF80  }
0x3d: {  	[tilespmem:s15], [sflag:$0x2] =	stream.linear.gather [hbm4b:s31+s2], $0x80, $0x38;
	[tilespmem:$0x1C100] =	vst v63  }
0x3e: {  	_ =	swait.ge [sflag:s14], $0x80  }
0x3f: {  	[sflag:s14] =	ssyncset.done $0x0  }
0x40: {  	[sflag:s14] =	ssyncadd.s32 $0xFFFFFF80  }
0x41: {  	[tilespmem:s16], [sflag:$0x1] =	stream.indirect.gather [hbm4b:s4+s15], $0x80, s2, s15, $0xb8;
	[tilespmem:$0x1C100] =	vst v63  }
0x42: {  	_ =	swait.ge [sflag:s17], $0x4000  }
0x43: {  	[sflag:s17] =	ssyncset.done $0x0  }
0x44: {  	[sflag:s17] =	ssyncadd.s32 $0xFFFFC000  }
0x45: {  	[spmem:s1] =	stream.indirect.scatter.add.f32 [tilespmem:s16], [sflag:$0x2], $0x80, s15, s15, $0xb8;
	[tilespmem:$0x1C100] =	vst v63  }
0x46: {  	_ =	swait.ge [sflag:s14], $0x4000  }
0x47: {  	s25 =	simm.s32 $0x20;
	s24 =	simm.s32 $0x10;
	[sflag:s14] =	ssyncset.done $0x0  }
.LBB2_4:
0x48: {  	s26 =	sadd.s32 s24, s12  }
0x49: {  	[sflag:s14] =	ssyncadd.s32 $0xFFFFC000;
	s28 =	smov.u32 s25;
	s29 =	sadd.s32 $0x10, s25  }
0x4a: {  	[tilespmem:s2], [sflag:$0x2] =	stream.linear.gather [hbm4b:s26+s2], $0x80, $0x38;
	[tilespmem:$0x1C100] =	vst v63  }
0x4b: {  	p0 =	sne.s32 s25, $0x4E0;
	_ =	swait.ge [sflag:s14], $0x80  }
0x4c: {  	[sflag:s14] =	ssyncset.done $0x0  }
0x4d: {  	s25 =	sadd.s32 s24, s11;
	s24 =	smov.u32 s28;
	[sflag:s14] =	ssyncadd.s32 $0xFFFFFF80  }
0x4e: {  	[tilespmem:s15], [sflag:$0x2] =	stream.linear.gather [hbm4b:s25+s2], $0x80, $0x38;
	[tilespmem:$0x1C100] =	vst v63  }
0x4f: {  	_ =	swait.ge [sflag:s14], $0x80  }
0x50: {  	[sflag:s14] =	ssyncset.done $0x0  }
0x51: {  	[sflag:s14] =	ssyncadd.s32 $0xFFFFFF80  }
0x52: {  	[tilespmem:s16], [sflag:$0x1] =	stream.indirect.gather [hbm4b:s4+s15], $0x80, s2, s15, $0xb8;
	[tilespmem:$0x1C100] =	vst v63  }
0x53: {  	_ =	swait.ge [sflag:s17], $0x4000  }
.Ltmp1:
0x54: {  	[sflag:s17] =	ssyncset.done $0x0;
	(pc) =	sbr.rel @p0 .LBB2_4-.Ltmp1, $4  }
0x55: {  	[sflag:s17] =	ssyncadd.s32 $0xFFFFC000  }
0x56: {  	[spmem:s1] =	stream.indirect.scatter.add.f32 [tilespmem:s16], [sflag:$0x2], $0x80, s15, s15, $0xb8;
	[tilespmem:$0x1C100] =	vst v63  }
0x57: {  	_ =	swait.ge [sflag:s14], $0x4000  }
0x58: {  	s25 =	smov.u32 s29;
	[sflag:s14] =	ssyncset.done $0x0  }
0x59: {  	s25 =	sadd.s32 s24, s12;
	[sflag:s14] =	ssyncadd.s32 $0xFFFFC000  }
0x5a: {  	[tilespmem:s2], [sflag:$0x2] =	stream.linear.gather [hbm4b:s25+s2], $0x80, $0x38;
	[tilespmem:$0x1C100] =	vst v63  }
0x5b: {  	_ =	swait.ge [sflag:s14], $0x80  }
0x5c: {  	[sflag:s14] =	ssyncset.done $0x0  }
0x5d: {  	s31 =	sadd.s32 s24, s11;
	[sflag:s14] =	ssyncadd.s32 $0xFFFFFF80  }
0x5e: {  	[tilespmem:s15], [sflag:$0x2] =	stream.linear.gather [hbm4b:s31+s2], $0x80, $0x38;
	[tilespmem:$0x1C100] =	vst v63  }
0x5f: {  	_ =	swait.ge [sflag:s14], $0x80  }
0x60: {  	[sflag:s14] =	ssyncset.done $0x0  }
0x61: {  	[sflag:s14] =	ssyncadd.s32 $0xFFFFFF80  }
0x62: {  	[tilespmem:s16], [sflag:$0x1] =	stream.indirect.gather [hbm4b:s4+s15], $0x80, s2, s15, $0xb8;
	[tilespmem:$0x1C100] =	vst v63  }
0x63: {  	_ =	swait.ge [sflag:s17], $0x4000  }
0x64: {  	[sflag:s17] =	ssyncset.done $0x0  }
0x65: {  	[sflag:s17] =	ssyncadd.s32 $0xFFFFC000  }
0x66: {  	[spmem:s1] =	stream.indirect.scatter.add.f32 [tilespmem:s16], [sflag:$0x2], $0x80, s15, s15, $0xb8;
	[tilespmem:$0x1C100] =	vst v63  }
0x67: {  	_ =	swait.ge [sflag:s14], $0x4000  }
0x68: {  	[sflag:s14] =	ssyncset.done $0x0  }
0x69: {  	s25 =	sshll.u32 s3, $0x6;
	[sflag:s14] =	ssyncadd.s32 $0xFFFFC000  }
0x6a: {  	s26 =	sshrl.u32 s5, $0x3;
	s24 =	sor.u32 $0x1C02, s25;
	[bflag:$0x0] =	sbarrier.arrive $0xFFFF  }
0x6b: {  	[hbm:s18], [sflag:s24] =	dma.local [spmem:s26], $0x800  }
0x6c: {  	_ =	swait.ge [sflag:s14], $0x800  }
0x6d: {  	[sflag:s14] =	ssyncset.done $0x0  }
0x6e: {  	s28 =	sshrl.u32 s6, $0x3;
	[sflag:s14] =	ssyncadd.s32 $0xFFFFF800  }
0x6f: {  	[hbm:s19], [sflag:s24] =	dma.local [spmem:s28], $0x800  }
0x70: {  	_ =	swait.ge [sflag:s14], $0x800  }
0x71: {  	[sflag:s14] =	ssyncset.done $0x0  }
0x72: {  	s29 =	sshrl.u32 s7, $0x3;
	[sflag:s14] =	ssyncadd.s32 $0xFFFFF800  }
0x73: {  	[hbm:s20], [sflag:s24] =	dma.local [spmem:s29], $0x800  }
0x74: {  	_ =	swait.ge [sflag:s14], $0x800  }
0x75: {  	[sflag:s14] =	ssyncset.done $0x0  }
0x76: {  	s30 =	sshrl.u32 s8, $0x3;
	[sflag:s14] =	ssyncadd.s32 $0xFFFFF800  }
0x77: {  	[hbm:s21], [sflag:s24] =	dma.local [spmem:s30], $0x800  }
0x78: {  	s23 =	sadd.s32 $0x1, s23;
	_ =	swait.ge [sflag:s14], $0x800  }
0x79: {  	p0 =	sne.s32 s23, s10;
	[sflag:s14] =	ssyncset.done $0x0  }
.Ltmp2:
0x7a: {  	s31 =	sshrl.u32 s9, $0x3;
	[sflag:s14] =	ssyncadd.s32 $0xFFFFF800;
	(pc) =	sbr.rel @p0 .LBB2_1-.Ltmp2, $4  }
0x7b: {  	[hbm:s22], [sflag:s24] =	dma.local [spmem:s31], $0x800  }
0x7c: {  	_ =	swait.ge [sflag:s14], $0x800  }
0x7d: {  	[sflag:s14] =	ssyncset.done $0x0  }
0x7e: {  	[sflag:s14] =	ssyncadd.s32 $0xFFFFF800  }
0x7f: {  	_ =	sfence.sel $0x180000  }
0x80: {  	[bflag:$0x0] =	sbarrier.arrive $0xFFFF  }
0x81: {  	p0 =	sne.s32 s3, $0x0;
	_ =	strace $0x9000004D  }
0x82: {  	s0 =	sadd.s32 @!p0 $0x100000, s0;
	[bflag:$0x2] =	sbarrier.arrive $0xFFFF  }
0x83: {  	[sflag:s0] =	ssyncadd.tile.s32 @!p0 $0x1;
	_ =	shalt  }
.Lfunc_end2:
_tile_overlayer_lowered:
.L_overlay_start_2:
0x84: {  	(tag) =	ssettag $0x2  }
0x85: {  	s0 =	rddreg [dreg:$0x0];
	s2 =	stileid.u32  }
0x86: {  	s1 =	rddreg [dreg:$0x1];
	p0 =	sne.s32 s2, $0x0  }
0x87: {  	s3 =	rddreg [dreg:$0x2];
	[bflag:$0x3] =	sbarrier.arrive $0xFFFF;
	s2 =	simm.s32 @!p0 $0x1C02  }
0x88: {  	[timem:s3], [sflag:s2] =	dma.local @!p0 [hbm:s0], s1  }
0x89: {  	s0 =	simm.s32 @!p0 $0x2  }
0x8a: {  	_ =	swait.ge @!p0 [sflag:s0], s1  }
0x8b: {  	s1 =	ssub.s32 @!p0 $0x0, s1;
	[sflag:s0] =	ssyncset.done @!p0 $0x0  }
0x8c: {  	[sflag:s0] =	ssyncadd.s32 @!p0 s1  }
0x8d: {  	[bflag:$0x3] =	sbarrier.arrive $0xFFFF  }
0x8e: {  	_ =	shalt  }

// kernel: kernel.8.cloned.1.call-start
scs
__scs_entry_jumppad:
0x0: {  	(pc) =	sbr.rel $0x88, $3  }
0x1: {  	(tag) =	ssettag $0x0;
	lr =	simm.s32 $0x1  }
0x2: {  	[smem:$0x3F8C] =	sst lr;
	_ =	strace $0xD0000000  }
0x3: {  	_ = 	snop  }
0x4: {  	_ = 	snop  }
0x5: {  	_ = 	snop  }
0x6: {  	_ = 	snop  }
0x7: {  	_ = 	snop  }
__scs_overlays_trampoline_lowered:
0x8: {  	[smem:$0x3F9B] =	sst s0  }
0x9: {  	[smem:$0x3F9C] =	sst s1  }
0xa: {  	[smem:$0x3F9D] =	sst s2  }
0xb: {  	[smem:$0x3F9E] =	sst s3  }
0xc: {  	[smem:$0x3F9F] =	sst s4  }
0xd: {  	[smem:$0x3FA0] =	sst s5  }
0xe: {  	[smem:$0x3FA1] =	sst s6  }
0xf: {  	[smem:$0x3FA2] =	sst s7  }
0x10: {  	[smem:$0x3FA3] =	sst s8  }
0x11: {  	[smem:$0x3FA4] =	sst s9;
	s0 =	simm.s32 @!p0 $0x0  }
0x12: {  	s1 =	sld [smem:$0x3F8A];
	s0 =	simm.s32 @p0 $0x1  }
0x13: {  	[smem:$0x3FA5] =	sst s0;
	s0 =	simm.s32 @!p1 $0x0  }
0x14: {  	s2 =	sld [smem:$0x3F89];
	s0 =	simm.s32 @p1 $0x1  }
0x15: {  	[smem:$0x3FA6] =	sst s0;
	s0 =	simm.s32 @!p2 $0x0  }
0x16: {  	s3 =	sld [smem:$0x3FDB];
	s0 =	simm.s32 @p2 $0x1  }
0x17: {  	s4 =	simm.s32 $0x1BF5;
	[smem:$0x3FA8] =	sst s0  }
0x18: {  	s0 =	sld [smem:$0x3F8B];
	_ =	swait.ge [sflag:s4], $0x0  }
0x19: {  	s7 =	sld [smem:$0x3F8C]  }
0x1a: {  	s8 =	sadd.s32 $0xFFFFE003, lr  }
0x1b: {  	s9 =	sadd.s32 $0xFFFFFEF7, lr;
	s5 =	simm.s32 $0xFFFFFFFF;
	p2 =	slt.u32 s8, $0xFFFFF086  }
0x1c: {  	p1 =	slt.u32 s9, $0xF7A;
	s5 =	simm.s32 @!p2 $0x0  }
0x1d: {  	s5 =	simm.s32 @p1 $0x1;
	p0 =	seq.s32 s7, s2  }
0x1e: {  	s7 =	smul.u32 @!p0 $0xF7A, s2;
	p2 =	seq.s32 @!p0 s5, $0x0  }
0x1f: {  	s9 =	smul.u32 $0xF7A, s1;
	s8 =	simm.s32 @!p0 $0x1BF5;
	p2 =	por !p2, p0  }
0x20: {  	[sflag:s8] =	ssyncset.s32 @!p0 $0xFFFFF086;
	s6 =	sadd.s32 @!p0 s3, s7;
	s7 =	simm.s32 @!p0 $0x108  }
0x21: {  	s3 =	sadd.s32 s3, s9;
	s6 =	sadd.s32 @!p0 $0x88, s6;
	s7 =	simm.s32 @p2 $0x1082  }
0x22: {  	[simem:s7], [sflag:s8] =	dma.local @!p0 [hbm:s6], $0xF7A  }
0x23: {  	s9 =	sor.u32 $0xD0000000, s2;
	s6 =	simm.s32 $0x108;
	_ =	swait.ge @!p0 [sflag:s8], $0x0  }
0x24: {  	s3 =	sadd.s32 $0x88, s3;
	s6 =	simm.s32 @!p1 $0x1082;
	[sflag:s4] =	ssyncset.s32 $0xFFFFF086  }
0x25: {  	[simem:s6], [sflag:s4] =	dma.local [hbm:s3], $0xF7A  }
0x26: {  	[smem:$0x3F8C] =	sst s1;
	(tag) =	ssettag s2;
	_ =	strace s9  }
0x27: {  	s1 =	sld [smem:$0x3F9C]  }
0x28: {  	s2 =	sld [smem:$0x3F9D]  }
0x29: {  	s4 =	sld [smem:$0x3F9F]  }
0x2a: {  	p0 =	seq.s32 s5, $0x0;
	s5 =	sld [smem:$0x3FA0]  }
0x2b: {  	s6 =	sld [smem:$0x3FA1]  }
0x2c: {  	s7 =	sld [smem:$0x3FA2]  }
0x2d: {  	s3 =	simm.s32 $0x108;
	s8 =	sld [smem:$0x3FA3]  }
0x2e: {  	s3 =	simm.s32 @!p0 $0x1082;
	s9 =	sld [smem:$0x3FA4]  }
0x2f: {  	lr =	sadd.s32 s0, s3;
	s0 =	sld [smem:$0x3F9B]  }
0x30: {  	s3 =	sld [smem:$0x3F9E]  }
0x31: {  	[smem:$0x3FA7] =	sst s10  }
0x32: {  	s10 =	sld [smem:$0x3FA5];
	_ =	sdelay $0x3  }
0x33: {  	p0 =	seq.s32 s10, $0x1;
	s10 =	sld [smem:$0x3FA7];
	_ =	sdelay $0x3  }
0x34: {  	[smem:$0x3FA7] =	sst s10  }
0x35: {  	s10 =	sld [smem:$0x3FA6];
	_ =	sdelay $0x3  }
0x36: {  	p1 =	seq.s32 s10, $0x1;
	s10 =	sld [smem:$0x3FA7];
	_ =	sdelay $0x3  }
0x37: {  	[smem:$0x3FA7] =	sst s10  }
0x38: {  	s10 =	sld [smem:$0x3FA8]  }
0x39: {  	_ = 	snop;
	(pc) =	sbr.ind lr, $3  }
0x3a: {  	_ = 	snop  }
0x3b: {  	_ = 	snop  }
0x3c: {  	p2 =	seq.s32 s10, $0x1;
	s10 =	sld [smem:$0x3FA7]  }
0x3d: {  	_ =	shalt  }
0x3e: {  	_ =	shalt  }
0x3f: {  	_ =	shalt  }
0x40: {  	_ =	shalt  }
0x41: {  	_ =	shalt  }
0x42: {  	_ =	shalt  }
0x43: {  	_ =	shalt  }
0x44: {  	_ =	shalt  }
0x45: {  	_ =	shalt  }
0x46: {  	_ =	shalt  }
0x47: {  	_ =	shalt  }
0x48: {  	_ =	shalt  }
0x49: {  	_ =	shalt  }
0x4a: {  	_ =	shalt  }
0x4b: {  	_ =	shalt  }
0x4c: {  	_ =	shalt  }
0x4d: {  	_ =	shalt  }
0x4e: {  	_ =	shalt  }
0x4f: {  	_ =	shalt  }
0x50: {  	_ =	shalt  }
0x51: {  	_ =	shalt  }
0x52: {  	_ =	shalt  }
0x53: {  	_ =	shalt  }
0x54: {  	_ =	shalt  }
0x55: {  	_ =	shalt  }
0x56: {  	_ =	shalt  }
0x57: {  	_ =	shalt  }
0x58: {  	_ =	shalt  }
0x59: {  	_ =	shalt  }
0x5a: {  	_ =	shalt  }
0x5b: {  	_ =	shalt  }
0x5c: {  	_ =	shalt  }
0x5d: {  	_ =	shalt  }
0x5e: {  	_ =	shalt  }
0x5f: {  	_ =	shalt  }
0x60: {  	_ =	shalt  }
0x61: {  	_ =	shalt  }
0x62: {  	_ =	shalt  }
0x63: {  	_ =	shalt  }
0x64: {  	_ =	shalt  }
0x65: {  	_ =	shalt  }
0x66: {  	_ =	shalt  }
0x67: {  	_ =	shalt  }
0x68: {  	_ =	shalt  }
0x69: {  	_ =	shalt  }
0x6a: {  	_ =	shalt  }
0x6b: {  	_ =	shalt  }
0x6c: {  	_ =	shalt  }
0x6d: {  	_ =	shalt  }
0x6e: {  	_ =	shalt  }
0x6f: {  	_ =	shalt  }
0x70: {  	_ =	shalt  }
0x71: {  	_ =	shalt  }
0x72: {  	_ =	shalt  }
0x73: {  	_ =	shalt  }
0x74: {  	_ =	shalt  }
0x75: {  	_ =	shalt  }
0x76: {  	_ =	shalt  }
0x77: {  	_ =	shalt  }
0x78: {  	_ =	shalt  }
0x79: {  	_ =	shalt  }
0x7a: {  	_ =	shalt  }
0x7b: {  	_ =	shalt  }
0x7c: {  	_ =	shalt  }
0x7d: {  	_ =	shalt  }
0x7e: {  	_ =	shalt  }
0x7f: {  	_ =	shalt  }
0x80: {  	_ =	shalt  }
0x81: {  	_ =	shalt  }
0x82: {  	_ =	shalt  }
0x83: {  	_ =	shalt  }
0x84: {  	_ =	shalt  }
0x85: {  	_ =	shalt  }
0x86: {  	_ =	shalt  }
0x87: {  	_ =	shalt  }
.Lfunc_end0:
.L_simem_size_0:
called_computation_lowered:
.L_overlay_start_0:
0x88: {  	s2 =	sld [smem:$0x3FD9]  }
0x89: {  	s3 =	sld [smem:$0x3FFE];
	_ =	sdelay $0x1  }
0x8a: {  	s1 =	srdreg.scid  }
0x8b: {  	s0 =	sand.u32 $0x1, s1  }
0x8c: {  	s16 =	sshll.u32 s0, $0xA;
	s2 =	sadd.s32 s3, s2  }
0x8d: {  	s2 =	sadd.s32 s2, s16  }
0x8e: {  	[smem:$0x3FB3] =	sst s2  }
0x8f: {  	_ = 	snop  }
0x90: {  	(tm) =	ssettm $0x1  }
0x91: {  	s17 =	sld [smem:$0x3FFB];
	_ =	sdelay $0x3  }
0x92: {  	_ =	strace s17  }
0x93: {  	s2 =	sld [smem:$0x3FFC];
	_ =	sdelay $0x3  }
0x94: {  	_ =	strace s2  }
0x95: {  	s2 =	sld [smem:$0x3FFD];
	_ =	sdelay $0x3  }
0x96: {  	_ =	strace s2  }
0x97: {  	_ =	strace $0x8FFFFFFF  }
0x98: {  	s18 =	sld [smem:$0x3FDB];
	_ =	sdelay $0x1  }
0x99: {  	s19 =	simm.s32 $_scs_section_size  }
0x9a: {  	s4 =	simm.s32 $_size__tile_overlayer_lowered;
	s5 =	simm.s32 $_tile_overlayer_lowered  }
0x9b: {  	s22 =	simm.s32 $0x1BFF;
	s21 =	sshll.u32 s5, $0x1;
	s2 =	sadd.s32 s19, s18  }
0x9c: {  	s6 =	simm.s32 $0x0;
	s20 =	sshll.u32 s4, $0x1;
	s4 =	sadd.s32 s21, s2  }
0x9d: {  	[timem:s6], [sflag:s22] =	dma.local [hbm:s4], s20  }
0x9e: {  	_ =	swait.ge [sflag:s22], s20  }
0x9f: {  	s3 =	ssub.s32 $0x0, s20;
	[sflag:s22] =	ssyncset.done $0x0  }
0xa0: {  	[sflag:s22] =	ssyncadd.s32 s3;
	_ =	sdelay $0x1  }
0xa1: {  	s23 =	simm.s32 $0x1B8B  }
0xa2: {  	_ =	swait.ge [sflag:s23], $0x1  }
0xa3: {  	[sflag:s23] =	ssyncset.done $0x0  }
0xa4: {  	s25 =	simm.s32 $0x1B8E;
	s24 =	sld [smem:$0x3FFE];
	[sflag:s23] =	ssyncadd.s32 $0xFFFFFFFF  }
0xa5: {  	s26 =	simm.s32 $execute0_lowered;
	[smem:$0x3FD2] =	sst s25  }
0xa6: {  	s4 =	sshll.u32 s26, $0x1;
	_ =	strace $0x80000046;
	[dreg:$0x1] =	wrdreg $0xFFFFFFFF  }
0xa7: {  	s28 =	simm.s32 $_size_execute0_lowered;
	s2 =	sadd.s32 s2, s4;
	[dreg:$0x0] =	wrdreg $0x0  }
0xa8: {  	s4 =	sshll.u32 s28, $0x1;
	[dreg:$0x2] =	wrdreg s2  }
0xa9: {  	[dreg:$0x3] =	wrdreg s4  }
0xaa: {  	[dreg:$0x4] =	wrdreg $0xC0  }
0xab: {  	_ =	task [dreg:s6], $0x5FFFF  }
0xac: {  	[dreg:$0x1] =	wrdreg $0xFFFFFFFF  }
0xad: {  	[dreg:$0x0] =	wrdreg $0x60  }
0xae: {  	[dreg:$0x2] =	wrdreg s24  }
0xaf: {  	[dreg:$0x3] =	wrdreg $0x9  }
0xb0: {  	_ =	task.clear_ibuf [dreg:s6], $0x4FFFF;
	_ =	strace $0x90000046  }
0xb1: {  	s29 =	simm.s32 $0x9;
	_ =	strace $0x80000048  }
0xb2: {  	_ =	swait.ge [sflag:s29], $0x1  }
0xb3: {  	[sflag:s29] =	ssyncadd.s32 $0xFFFFFFFF  }
0xb4: {  	_ =	strace $0x90000048  }
0xb5: {  	_ =	sfence  }
0xb6: {  	s30 =	sld [smem:$0x0];
	_ =	sdelay $0x2  }
0xb7: {  	s31 =	sshll.u32 s1, $0xD;
	s1 =	sshrl.u32 s1, $0x2  }
0xb8: {  	s3 =	sand.u32 $0x4000, s31;
	s1 =	sadd.s32 s1, s30  }
0xb9: {  	s0 =	sor.u32 s3, s0;
	s1 =	sshll.u32 s1, $0x11  }
0xba: {  	s0 =	sor.u32 s1, s0  }
0xbb: {  	s0 =	sadd.s32 $0x8F2B, s0  }
0xbc: {  	[sflag:s0] =	ssyncadd.remote.s32 $0x1  }
0xbd: {  	_ =	sfence.sel $0xFFFF  }
0xbe: {  	[dreg:$0x0] =	wrdreg $0xFFFFFFFF;
	(pc) =	sbr.abs _section_cstart, $3  }
0xbf: {  	[dreg:$0x1] =	wrdreg $0xFFFFFFFF  }
0xc0: {  	_ =	task.clear_ibuf [dreg:s6], $0x2FFFF;
	_ =	strace $0x9FFFFFFF  }
0xc1: {  	(tm) =	ssettm $0x7FFFFFFF  }
tec
execute0_lowered:
.L_overlay_start_1:
0x0: {  	(tag) =	ssettag $0x1  }
0x1: {  	s0 =	srdreg.scid  }
0x2: {  	s3 =	sand.u32 $0x1, s0  }
0x3: {  	s0 =	stileid.u32;
	s1 =	sshll.u32 s3, $0x4  }
0x4: {  	s4 =	rddreg [dreg:$0x0];
	s8 =	simm.s32 $0x400;
	s2 =	sor.u32 s0, s1  }
0x5: {  	s9 =	simm.s32 $0x0;
	s7 =	smul.u32 $0x4F00, s3;
	s5 =	sshrl.u32 s2, $0x3  }
0x6: {  	s6 =	sshll.u32 s0, $0x7;
	s3 =	ssub.s32 $0x2, s3;
	s5 =	smul.u32 $0x14000, s5  }
0x7: {  	s30 =	smul.u32 $0x4F0, s0;
	s1 =	rddreg [dreg:$0x1];
	s6 =	sand.u32 $0x380, s6  }
0x8: {  	s31 =	sshrl.u32 s3, $0x1;
	s2 =	simm.s32 $0x0;
	s5 =	sor.u32 s6, s5  }
0x9: {  	s7 =	sadd.s32 s7, s4;
	[smem:$0x7FF] =	sst s2;
	s5 =	sshrl.u32 s5, $0x3  }
0xa: {  	_ =	strace $0x80000047;
	s6 =	sadd.s32 s30, s7;
	s4 =	sadd.s32 s5, s4  }
0xb: {  	s7 =	simm.s32 $0x80;
	s5 =	ssub.s32 s3, s31;
	s3 =	sadd.s32 $0xDE00, s4  }
0xc: {  	v0 =	vimm.f32 $0.0e+00;
	s4 =	smax.u32 s5, $0x1;
	s5 =	sadd.s32 $0x4000, s6;
	s6 =	simm.s32 $0x1  }
.LBB2_1:
0xd: {  	s10 =	simm.s32 $0xA0  }
0xe: {  	[tilespmem:s10+$0xFFFFFFE0] =	vst v0  }
0xf: {  	[tilespmem:s10+$0x10] =	vst v0  }
0x10: {  	s11 =	simm.s32 $0x0;
	[tilespmem:s10+$0x0] =	vst v0  }
.LBB2_2:
0x11: {  	s11 =	sadd.s32 $0x4, s11  }
0x12: {  	[tilespmem:s10+$0xFFFFFFF0] =	vst v0;
	s10 =	sadd.s32 $0x40, s10;
	p0 =	slt.u32 s11, $0x27C  }
.Ltmp0:
0x13: {  	[tilespmem:s10+$0xFFFFFFE0] =	vst v0;
	(pc) =	sbr.rel @p0 .LBB2_2-.Ltmp0, $3  }
0x14: {  	_ =	sdelay $0x1  }
0x15: {  	[tilespmem:s10+$0x10] =	vst v0  }
0x16: {  	[tilespmem:s10+$0x0] =	vst v0  }
0x17: {  	[tilespmem:s10+$0xFFFFFFF0] =	vst v0;
	s10 =	simm.s32 $0x0  }
.LBB2_4:
0x18: {  	s11 =	sadd.s32 s10, s5  }
0x19: {  	[tilespmem:s2], [sflag:$0x1] =	stream.linear.gather [hbm4b:s11+s2], $0x80, $0x38;
	[tilespmem:$0x2880] =	vst v63  }
0x1a: {  	_ =	swait.ge [sflag:s6], $0x80  }
0x1b: {  	[sflag:s6] =	ssyncset.done $0x0  }
0x1c: {  	[sflag:s6] =	ssyncadd.s32 $0xFFFFFF80  }
0x1d: {  	v1 =	vld [tilespmem:$0x0];
	_ =	sdelay $0x4  }
0x1e: {  	(xrf1) =	vunique.msk.u32 $0xffff, v1;
	_ =	sdelay $0xd  }
0x1f: {  	_, v2, vm0 =	vpop (xrf1);
	_ =	sdelay $0x3  }
0x20: {  	v2 =	vcvt.s32.f32 v2;
	_ =	sdelay $0x1  }
0x21: {  	[tilespmem:v1+s7+$0x0] =	vst.idx.add.f32.msk vm0, v2  }
0x22: {  	v1 =	vld [tilespmem:$0x10];
	_ =	sdelay $0x4  }
0x23: {  	(xrf1) =	vunique.msk.u32 $0xffff, v1;
	_ =	sdelay $0xd  }
0x24: {  	_, v2, vm0 =	vpop (xrf1);
	_ =	sdelay $0x3  }
0x25: {  	v2 =	vcvt.s32.f32 v2;
	_ =	sdelay $0x1  }
0x26: {  	[tilespmem:v1+s7+$0x0] =	vst.idx.add.f32.msk vm0, v2  }
0x27: {  	v1 =	vld [tilespmem:$0x20];
	_ =	sdelay $0x4  }
0x28: {  	(xrf1) =	vunique.msk.u32 $0xffff, v1;
	_ =	sdelay $0xd  }
0x29: {  	_, v2, vm0 =	vpop (xrf1);
	_ =	sdelay $0x3  }
0x2a: {  	v2 =	vcvt.s32.f32 v2;
	_ =	sdelay $0x1  }
0x2b: {  	[tilespmem:v1+s7+$0x0] =	vst.idx.add.f32.msk vm0, v2  }
0x2c: {  	v1 =	vld [tilespmem:$0x30];
	_ =	sdelay $0x4  }
0x2d: {  	(xrf1) =	vunique.msk.u32 $0xffff, v1;
	_ =	sdelay $0xd  }
0x2e: {  	_, v2, vm0 =	vpop (xrf1);
	_ =	sdelay $0x3  }
0x2f: {  	v2 =	vcvt.s32.f32 v2;
	_ =	sdelay $0x1  }
0x30: {  	[tilespmem:v1+s7+$0x0] =	vst.idx.add.f32.msk vm0, v2  }
0x31: {  	v1 =	vld [tilespmem:$0x40];
	_ =	sdelay $0x4  }
0x32: {  	(xrf1) =	vunique.msk.u32 $0xffff, v1;
	_ =	sdelay $0xd  }
0x33: {  	_, v2, vm0 =	vpop (xrf1);
	_ =	sdelay $0x3  }
0x34: {  	v2 =	vcvt.s32.f32 v2;
	_ =	sdelay $0x1  }
0x35: {  	[tilespmem:v1+s7+$0x0] =	vst.idx.add.f32.msk vm0, v2  }
0x36: {  	v1 =	vld [tilespmem:$0x50];
	_ =	sdelay $0x4  }
0x37: {  	(xrf1) =	vunique.msk.u32 $0xffff, v1;
	_ =	sdelay $0xd  }
0x38: {  	_, v2, vm0 =	vpop (xrf1);
	_ =	sdelay $0x3  }
0x39: {  	v2 =	vcvt.s32.f32 v2;
	_ =	sdelay $0x1  }
0x3a: {  	[tilespmem:v1+s7+$0x0] =	vst.idx.add.f32.msk vm0, v2  }
0x3b: {  	v1 =	vld [tilespmem:$0x60];
	_ =	sdelay $0x4  }
0x3c: {  	(xrf1) =	vunique.msk.u32 $0xffff, v1;
	_ =	sdelay $0xd  }
0x3d: {  	_, v2, vm0 =	vpop (xrf1);
	_ =	sdelay $0x3  }
0x3e: {  	v2 =	vcvt.s32.f32 v2;
	_ =	sdelay $0x1  }
0x3f: {  	[tilespmem:v1+s7+$0x0] =	vst.idx.add.f32.msk vm0, v2  }
0x40: {  	v1 =	vld [tilespmem:$0x70];
	_ =	sdelay $0x4  }
0x41: {  	(xrf1) =	vunique.msk.u32 $0xffff, v1;
	_ =	sdelay $0xd  }
0x42: {  	_, v2, vm0 =	vpop (xrf1)  }
0x43: {  	p0 =	sne.s32 s10, $0x4E0  }
.Ltmp1:
0x44: {  	_ = 	snop;
	(pc) =	sbr.rel @p0 .LBB2_4-.Ltmp1, $3  }
0x45: {  	_ = 	snop  }
0x46: {  	v2 =	vcvt.s32.f32 v2;
	_ =	sdelay $0x1  }
0x47: {  	s10 =	sadd.s32 $0x10, s10;
	[tilespmem:v1+s7+$0x0] =	vst.idx.add.f32.msk vm0, v2  }
0x48: {  	s9 =	sadd.s32 $0x1, s9  }
0x49: {  	p0 =	sne.s32 s9, s4  }
.Ltmp2:
0x4a: {  	_ = 	snop;
	(pc) =	sbr.rel @p0 .LBB2_1-.Ltmp2, $4  }
0x4b: {  	[hbm4b:s3+s7] =	stream.strided.scatter [tilespmem:s7], [sflag:$0x1], $0x2800, s8, s7, $0x38;
	[tilespmem:$0x2880] =	vst v63  }
0x4c: {  	_ =	swait.ge [sflag:s6], $0x2800  }
0x4d: {  	[sflag:s6] =	ssyncset.done $0x0  }
0x4e: {  	[sflag:s6] =	ssyncadd.s32 $0xFFFFD800  }
0x4f: {  	_ =	sfence.sel $0x180000  }
0x50: {  	[bflag:$0x0] =	sbarrier.arrive $0xFFFF  }
0x51: {  	p0 =	sne.s32 s0, $0x0;
	_ =	strace $0x90000047  }
0x52: {  	s0 =	sadd.s32 @!p0 $0x100000, s1;
	[bflag:$0x2] =	sbarrier.arrive $0xFFFF  }
0x53: {  	[sflag:s0] =	ssyncadd.tile.s32 @!p0 $0x1;
	_ =	shalt  }
.Lfunc_end2:
_tile_overlayer_lowered:
.L_overlay_start_2:
0x54: {  	(tag) =	ssettag $0x2  }
0x55: {  	s0 =	rddreg [dreg:$0x0];
	s2 =	stileid.u32  }
0x56: {  	s1 =	rddreg [dreg:$0x1];
	p0 =	sne.s32 s2, $0x0  }
0x57: {  	s3 =	rddreg [dreg:$0x2];
	[bflag:$0x3] =	sbarrier.arrive $0xFFFF;
	s2 =	simm.s32 @!p0 $0x1C01  }
0x58: {  	[timem:s3], [sflag:s2] =	dma.local @!p0 [hbm:s0], s1  }
0x59: {  	s0 =	simm.s32 @!p0 $0x1  }
0x5a: {  	_ =	swait.ge @!p0 [sflag:s0], s1  }
0x5b: {  	s1 =	ssub.s32 @!p0 $0x0, s1;
	[sflag:s0] =	ssyncset.done @!p0 $0x0  }
0x5c: {  	[sflag:s0] =	ssyncadd.s32 @!p0 s1  }
0x5d: {  	[bflag:$0x3] =	sbarrier.arrive $0xFFFF  }
0x5e: {  	_ =	shalt  }

</sc_bundles>
